<compile_context>
chip_gen: v7x
topology: tpu7x:2x2x1
jax: 0.10.2.dev20260603
libtpu: 0.0.44.dev20260713+nightly
codegen_flags: <defaults>
</compile_context>

<pallas_src>
import functools

import jax
import jax.numpy as jnp
from jax import lax
from jax.experimental import pallas as pl
from jax.experimental.pallas import tpu as pltpu
from jax.experimental.pallas import tpu_sc as plsc

N = 10000
E = 320000
D = 128
H = 32
B = 128

NTILES = 32
CHUNK = 128
EP = 327680
ROWS_E = EP // CHUNK
RPT = ROWS_E // NTILES
N2 = 10112
SEG_ROWS = N2 // 16
NP3 = 10240
NPT = NP3 // NTILES

_mesh = plsc.VectorSubcoreMesh(core_axis_name="c", subcore_axis_name="s")


@functools.partial(
    pl.kernel,
    out_type=jax.ShapeDtypeStruct((2, N2, D), jnp.float32),
    mesh=_mesh,
    scratch_types=[
        pltpu.VMEM((RPT, CHUNK), jnp.int32),
        pltpu.VMEM((CHUNK, D), jnp.float32),
        pltpu.VMEM_SHARED((N2, D), jnp.float32),
    ],
)
def _deg(dst2, zeros32, out, idx_d, ones_v, acc):
  core = lax.axis_index("c")
  sub = lax.axis_index("s")
  wid = core * 16 + sub
  pltpu.sync_copy(zeros32.at[pl.ds(sub * SEG_ROWS, SEG_ROWS)],
                  acc.at[pl.ds(sub * SEG_ROWS, SEG_ROWS)])
  pltpu.sync_copy(dst2.at[pl.ds(wid * RPT, RPT)], idx_d)
  one = jnp.ones((16,), jnp.float32)

  def initones(i, carry):
    for h in range(0, D, 16):
      ones_v[i, pl.ds(h, 16)] = one
    return carry

  lax.fori_loop(0, CHUNK, initones, 0)
  plsc.subcore_barrier()

  def body(c, carry):
    pltpu.sync_copy(ones_v, acc.at[idx_d.at[c]], add=True)
    return carry

  lax.fori_loop(0, RPT, body, 0)
  plsc.subcore_barrier()
  pltpu.sync_copy(acc.at[pl.ds(sub * SEG_ROWS, SEG_ROWS)],
                  out.at[core, pl.ds(sub * SEG_ROWS, SEG_ROWS)])


@functools.partial(
    pl.kernel,
    out_type=jax.ShapeDtypeStruct((2, N2, D), jnp.float32),
    mesh=_mesh,
    scratch_types=[
        pltpu.VMEM((RPT, CHUNK), jnp.int32),
        pltpu.VMEM((RPT, CHUNK), jnp.int32),
        pltpu.VMEM((CHUNK, D), jnp.float32),
        pltpu.VMEM_SHARED((N2, D), jnp.float32),
        pltpu.SemaphoreType.DMA,
    ],
)
def _conv_wide(hs, src2, dst2, zerosw, out, idx_s, idx_d, rows, acc, sem):
  core = lax.axis_index("c")
  sub = lax.axis_index("s")
  wid = core * 16 + sub
  pltpu.sync_copy(zerosw.at[pl.ds(sub * SEG_ROWS, SEG_ROWS)],
                  acc.at[pl.ds(sub * SEG_ROWS, SEG_ROWS)])
  pltpu.sync_copy(src2.at[pl.ds(wid * RPT, RPT)], idx_s)
  pltpu.sync_copy(dst2.at[pl.ds(wid * RPT, RPT)], idx_d)
  plsc.subcore_barrier()

  def body(c, carry):
    pltpu.async_copy(hs.at[idx_s.at[c]], rows, sem).wait()
    pltpu.sync_copy(rows, acc.at[idx_d.at[c]], add=True)
    return carry

  lax.fori_loop(0, RPT, body, 0)
  plsc.subcore_barrier()
  pltpu.sync_copy(acc.at[pl.ds(sub * SEG_ROWS, SEG_ROWS)],
                  out.at[core, pl.ds(sub * SEG_ROWS, SEG_ROWS)])


_ACC = 136 * H


@functools.partial(
    pl.kernel,
    out_type=[
        jax.ShapeDtypeStruct((NTILES * B * H,), jnp.float32),
        jax.ShapeDtypeStruct((NTILES * B * H,), jnp.float32),
    ],
    mesh=_mesh,
    scratch_types=[
        pltpu.VMEM((NPT * H,), jnp.float32),
        pltpu.VMEM((NPT,), jnp.int32),
        pltpu.VMEM((_ACC,), jnp.float32),
        pltpu.VMEM((_ACC,), jnp.float32),
    ],
)
def _pool(rows2, bids2, outs, outm, rows, bids, accs, accm):
  wid = lax.axis_index("c") * 16 + lax.axis_index("s")
  pltpu.sync_copy(rows2.at[pl.ds(wid * (NPT * H), NPT * H)], rows)
  pltpu.sync_copy(bids2.at[pl.ds(wid * NPT, NPT)], bids)

  zero = jnp.zeros((16,), jnp.float32)
  ninf = jnp.full((16,), -jnp.inf, jnp.float32)

  def init(i, carry):
    accs[pl.ds(i * 16, 16)] = zero
    accm[pl.ds(i * 16, 16)] = ninf
    return carry

  lax.fori_loop(0, _ACC // 16, init, 0)

  def body(g, carry):
    bvec = bids[pl.ds(g * 16, 16)]
    for l in range(16):
      b = bvec[l]
      c = g * 16 + l
      for h in (0, 16):
        r = rows[pl.ds(c * H + h, 16)]
        o = b * H + h
        accs[pl.ds(o, 16)] = accs[pl.ds(o, 16)] + r
        accm[pl.ds(o, 16)] = jnp.maximum(accm[pl.ds(o, 16)], r)
    return carry

  lax.fori_loop(0, NPT // 16, body, 0)
  pltpu.sync_copy(accs.at[pl.ds(0, B * H)],
                  outs.at[pl.ds(wid * (B * H), B * H)])
  pltpu.sync_copy(accm.at[pl.ds(0, B * H)],
                  outm.at[pl.ds(wid * (B * H), B * H)])


_BN = 632
_GN = N2 // _BN


def _prep_body(p0, p1, x, w, out_dis, out_hs):
  deg = p0[:, 0:1] + p1[:, 0:1] + 1.0
  dis = lax.rsqrt(deg)
  out_dis[...] = dis
  hs = dis * jnp.dot(x[...], w[...], preferred_element_type=jnp.float32)
  out_hs[...] = jnp.concatenate(
      [hs, jnp.zeros((_BN, D - H), jnp.float32)], axis=1)


def _tc_prep(p0, p1, x, w):
  return pl.pallas_call(
      _prep_body,
      grid=(_GN,),
      in_specs=[
          pl.BlockSpec((_BN, D), lambda i: (i, 0)),
          pl.BlockSpec((_BN, D), lambda i: (i, 0)),
          pl.BlockSpec((_BN, D), lambda i: (i, 0)),
          pl.BlockSpec((D, H), lambda i: (0, 0)),
      ],
      out_specs=[
          pl.BlockSpec((_BN, 1), lambda i: (i, 0)),
          pl.BlockSpec((_BN, D), lambda i: (i, 0)),
      ],
      out_shape=[
          jax.ShapeDtypeStruct((N2, 1), jnp.float32),
          jax.ShapeDtypeStruct((N2, D), jnp.float32),
      ],
  )(p0, p1, x, w)


def _mid_body(p0, p1, hs, dis, b, w, out):
  conv = dis[...] * (p0[:, :H] + p1[:, :H] + hs[:, :H]) + b[...]
  xn = jnp.maximum(conv, 0.0)
  hsn = dis[...] * jnp.dot(xn, w[...], preferred_element_type=jnp.float32)
  out[...] = jnp.concatenate(
      [hsn, jnp.zeros((_BN, D - H), jnp.float32)], axis=1)


def _tc_mid(p0, p1, hs, dis, b, w):
  return pl.pallas_call(
      _mid_body,
      grid=(_GN,),
      in_specs=[
          pl.BlockSpec((_BN, D), lambda i: (i, 0)),
          pl.BlockSpec((_BN, D), lambda i: (i, 0)),
          pl.BlockSpec((_BN, D), lambda i: (i, 0)),
          pl.BlockSpec((_BN, 1), lambda i: (i, 0)),
          pl.BlockSpec((1, H), lambda i: (0, 0)),
          pl.BlockSpec((H, H), lambda i: (0, 0)),
      ],
      out_specs=pl.BlockSpec((_BN, D), lambda i: (i, 0)),
      out_shape=jax.ShapeDtypeStruct((N2, D), jnp.float32),
  )(p0, p1, hs, dis, b, w)


def _post_body(p0, p1, hs, dis, b, out):
  conv = dis[...] * (p0[:, :H] + p1[:, :H] + hs[:, :H]) + b[...]
  out[...] = jnp.maximum(conv, 0.0)


def _tc_post(p0, p1, hs, dis, b):
  return pl.pallas_call(
      _post_body,
      grid=(_GN,),
      in_specs=[
          pl.BlockSpec((_BN, D), lambda i: (i, 0)),
          pl.BlockSpec((_BN, D), lambda i: (i, 0)),
          pl.BlockSpec((_BN, D), lambda i: (i, 0)),
          pl.BlockSpec((_BN, 1), lambda i: (i, 0)),
          pl.BlockSpec((1, H), lambda i: (0, 0)),
      ],
      out_specs=pl.BlockSpec((_BN, H), lambda i: (i, 0)),
      out_shape=jax.ShapeDtypeStruct((N2, H), jnp.float32),
  )(p0, p1, hs, dis, b)


def _final_body(sums, maxs, batch, w, b, out):
  gsum = jnp.sum(sums[...], axis=0)
  gmax = jnp.max(maxs[...], axis=0)
  ids = lax.broadcasted_iota(jnp.int32, (N, B), 1)
  cnt = jnp.sum((batch[...] == ids).astype(jnp.float32), axis=0)
  gmean = gsum / jnp.maximum(cnt, 1.0)[:, None]
  pooled = jnp.concatenate([gmax, gmean], axis=1)
  out[...] = jnp.dot(pooled, w[...],
                     preferred_element_type=jnp.float32) + b[...]


def _tc_final(sums, maxs, batch, w, b):
  return pl.pallas_call(
      _final_body,
      in_specs=[
          pl.BlockSpec((NTILES, B, H), lambda: (0, 0, 0)),
          pl.BlockSpec((NTILES, B, H), lambda: (0, 0, 0)),
          pl.BlockSpec((N, 1), lambda: (0, 0)),
          pl.BlockSpec((2 * H, 1), lambda: (0, 0)),
          pl.BlockSpec((1, 1), lambda: (0, 0)),
      ],
      out_specs=pl.BlockSpec((B, 1), lambda: (0, 0)),
      out_shape=jax.ShapeDtypeStruct((B, 1), jnp.float32),
  )(sums, maxs, batch, w, b)


def kernel(x, edge_index, batch_index, W_in, b_in, W1, b1, W2, b2, W3, b3,
           W_out, b_out):
  pad = EP - E
  src = jnp.concatenate([edge_index[0], jnp.zeros((pad,), jnp.int32)])
  dst = jnp.concatenate([edge_index[1], jnp.full((pad,), N, jnp.int32)])
  src2 = src.reshape(ROWS_E, CHUNK)
  dst2 = dst.reshape(ROWS_E, CHUNK)
  zerosw = jnp.zeros((N2, D), jnp.float32)
  x2 = jnp.concatenate([x, jnp.zeros((N2 - N, D), jnp.float32)])

  degp = _deg(dst2, zerosw)
  dis, hs = _tc_prep(degp[0], degp[1], x2, W_in)

  for (bb, ww) in ((b_in, W1), (b1, W2), (b2, W3)):
    p = _conv_wide(hs, src2, dst2, zerosw)
    hs = _tc_mid(p[0], p[1], hs, dis, bb.reshape(1, H), ww)
  p = _conv_wide(hs, src2, dst2, zerosw)
  out4 = _tc_post(p[0], p[1], hs, dis, b3.reshape(1, H))

  rows2 = jnp.concatenate(
      [out4[:N], jnp.zeros((NP3 - N, H), jnp.float32)]).reshape(NP3 * H)
  bids2 = jnp.concatenate(
      [batch_index, jnp.full((NP3 - N,), B, jnp.int32)])
  sums, maxs = _pool(rows2, bids2)

  return _tc_final(sums.reshape(NTILES, B, H), maxs.reshape(NTILES, B, H),
                   batch_index.reshape(N, 1), W_out, b_out.reshape(1, 1))

# --- scband reference (transcript-rebuilt; emitter-appended) ---
"""Pipeline reference for scband-gcn-64390149702046 (READ-ONLY COPY).

The authoritative reference and input builder live on the scoring server;
editing this copy changes nothing except your own understanding.
"""

import jax, jax.numpy as jnp
import numpy as np

N = 10000
E = 320000
D = 128
H = 32
B = 128


def setup_inputs(seed: int = 0) -> dict:
    key = jax.random.key(seed)
    ks = jax.random.split(key, 14)
    x = jax.random.normal(ks[0], (N, D), dtype=jnp.float32)
    edge_index = jax.random.randint(ks[1], (2, E), 0, N, dtype=jnp.int32)
    batch_index = jnp.sort(jax.random.randint(ks[2], (N,), 0, B, dtype=jnp.int32))
    s = 0.1
    W_in = jax.random.normal(ks[3], (D, H), dtype=jnp.float32) * s
    b_in = jnp.zeros((H,), dtype=jnp.float32)
    W1 = jax.random.normal(ks[4], (H, H), dtype=jnp.float32) * s
    b1 = jnp.zeros((H,), dtype=jnp.float32)
    W2 = jax.random.normal(ks[5], (H, H), dtype=jnp.float32) * s
    b2 = jnp.zeros((H,), dtype=jnp.float32)
    W3 = jax.random.normal(ks[6], (H, H), dtype=jnp.float32) * s
    b3 = jnp.zeros((H,), dtype=jnp.float32)
    W_out = jax.random.normal(ks[7], (2 * H, 1), dtype=jnp.float32) * s
    b_out = jnp.zeros((1,), dtype=jnp.float32)
    return {"x": x, "edge_index": edge_index, "batch_index": batch_index,
            "W_in": W_in, "b_in": b_in, "W1": W1, "b1": b1, "W2": W2,
            "b2": b2, "W3": W3, "b3": b3, "W_out": W_out, "b_out": b_out}


def _gcn_conv(x, edge_index, W, b):
    src = edge_index[0]
    dst = edge_index[1]
    loop = jnp.arange(N, dtype=src.dtype)
    src = jnp.concatenate([src, loop])
    dst = jnp.concatenate([dst, loop])
    deg = jnp.zeros((N,), x.dtype).at[dst].add(1.0)
    dis = jnp.where(deg > 0, deg ** -0.5, 0.0)
    norm = dis[src] * dis[dst]
    h = x @ W
    msg = jnp.take(h, src, axis=0) * norm[:, None]
    out = jnp.zeros((N, W.shape[1]), x.dtype).at[dst].add(msg)
    return out + b


def reference(x, edge_index, batch_index, W_in, b_in, W1, b1, W2, b2, W3, b3, W_out, b_out):
    out = jax.nn.relu(_gcn_conv(x, edge_index, W_in, b_in))
    out = jax.nn.relu(_gcn_conv(out, edge_index, W1, b1))
    out = jax.nn.relu(_gcn_conv(out, edge_index, W2, b2))
    out = jax.nn.relu(_gcn_conv(out, edge_index, W3, b3))
    gmax = jax.ops.segment_max(out, batch_index, num_segments=B)
    gsum = jax.ops.segment_sum(out, batch_index, num_segments=B)
    cnt = jax.ops.segment_sum(jnp.ones((N,), out.dtype), batch_index, num_segments=B)
    gmean = gsum / jnp.maximum(cnt, 1.0)[:, None]
    pooled = jnp.concatenate([gmax, gmean], axis=1)
    return pooled @ W_out + b_out

if __name__ == "__main__":
    import jax
    _d = setup_inputs()
    print(jax.jit(kernel)(*tuple(_d.values())))

</pallas_src>

<mosaic_0001>
#map = affine_map<(d0, d1) -> (0, 0)>
#map1 = affine_map<(d0, d1) -> (0, 0, 0)>
module attributes {stable_mosaic.version = 14 : i64} {
  func.func @_deg(%arg0: i32, %arg1: i32, %arg2: memref<2560x128xi32, #tpu.memory_space<hbm>>, %arg3: memref<10112x128xf32, #tpu.memory_space<hbm>>, %arg4: memref<2x10112x128xf32, #tpu.memory_space<hbm>>, %arg5: memref<80x128xi32, #tpu.memory_space<vmem>>, %arg6: memref<128x128xf32, #tpu.memory_space<vmem>>, %arg7: memref<10112x128xf32, #tpu.memory_space<vmem_shared>>) attributes {dimension_semantics = [#tpu.dimension_semantics<core_parallel>, #tpu.dimension_semantics<subcore_parallel>], iteration_bounds = array<i64: 2, 16>, scalar_prefetch = 0 : i64, scratch_operands = 3 : i64, tpu.core_type = #tpu.core_type<sc_vector_subcore>, window_params = [{transform_indices = #map}, {transform_indices = #map}, {transform_indices = #map1}]} {
    %mul3A = arith.constant 16 : i32
    %mul3A_0 = arith.muli %arg0, %mul3A : i32
    %add3A = arith.addi %mul3A_0, %arg1 : i32
    %mul3A_1 = arith.constant 632 : i32
    %mul3A_2 = arith.muli %arg1, %mul3A_1 : i32
    %mul3A_3 = arith.constant 632 : i32
    %mul3A_4 = arith.muli %arg1, %mul3A_3 : i32
    "tpu.region"() ({
      %run_scoped3A = tpu.sem_alloc : memref<!tpu.dma_semaphore, #tpu.memory_space<semaphore_mem>>
      %dma_start3A = arith.constant 0 : i32
      %dma_start3A_24 = tpu.memref_slice %arg7[%mul3A_4, %dma_start3A] : memref<10112x128xf32, #tpu.memory_space<vmem_shared>> -> memref<632x128xf32, #tpu.memory_space<vmem_shared>>
      %dma_start3A_25 = arith.constant 0 : i32
      %dma_start3A_26 = tpu.memref_slice %arg3[%mul3A_2, %dma_start3A_25] : memref<10112x128xf32, #tpu.memory_space<hbm>> -> memref<632x128xf32, #tpu.memory_space<hbm>>
      tpu.enqueue_dma source(%dma_start3A_26 : memref<632x128xf32, #tpu.memory_space<hbm>>) target(%dma_start3A_24 : memref<632x128xf32, #tpu.memory_space<vmem_shared>>) target_semaphore(%run_scoped3A : memref<!tpu.dma_semaphore, #tpu.memory_space<semaphore_mem>>)
      %dma_wait3A = arith.constant 0 : i32
      %dma_wait3A_27 = tpu.memref_slice %arg7[%mul3A_4, %dma_wait3A] : memref<10112x128xf32, #tpu.memory_space<vmem_shared>> -> memref<632x128xf32, #tpu.memory_space<vmem_shared>>
      %dma_wait3A_28 = arith.constant 0 : i32
      %dma_wait3A_29 = tpu.memref_slice %arg3[%mul3A_2, %dma_wait3A_28] : memref<10112x128xf32, #tpu.memory_space<hbm>> -> memref<632x128xf32, #tpu.memory_space<hbm>>
      tpu.wait_dma2 semaphore(%run_scoped3A : memref<!tpu.dma_semaphore, #tpu.memory_space<semaphore_mem>>) src(%dma_wait3A_29 : memref<632x128xf32, #tpu.memory_space<hbm>>) dst(%dma_wait3A_27 : memref<632x128xf32, #tpu.memory_space<vmem_shared>>)
      tpu.yield
    }) : () -> ()
    %mul3A_5 = arith.constant 80 : i32
    %mul3A_6 = arith.muli %add3A, %mul3A_5 : i32
    "tpu.region"() ({
      %run_scoped3A = tpu.sem_alloc : memref<!tpu.dma_semaphore, #tpu.memory_space<semaphore_mem>>
      %dma_start3A = arith.constant 0 : i32
      %dma_start3A_24 = tpu.memref_slice %arg2[%mul3A_6, %dma_start3A] : memref<2560x128xi32, #tpu.memory_space<hbm>> -> memref<80x128xi32, #tpu.memory_space<hbm>>
      %dma_start3A_25 = arith.constant 0 : i32
      %dma_start3A_26 = tpu.memref_slice %arg2[%mul3A_6, %dma_start3A_25] : memref<2560x128xi32, #tpu.memory_space<hbm>> -> memref<80x128xi32, #tpu.memory_space<hbm>>
      tpu.enqueue_dma source(%dma_start3A_26 : memref<80x128xi32, #tpu.memory_space<hbm>>) target(%arg5 : memref<80x128xi32, #tpu.memory_space<vmem>>) target_semaphore(%run_scoped3A : memref<!tpu.dma_semaphore, #tpu.memory_space<semaphore_mem>>)
      %dma_wait3A = arith.constant 0 : i32
      %dma_wait3A_27 = tpu.memref_slice %arg2[%mul3A_6, %dma_wait3A] : memref<2560x128xi32, #tpu.memory_space<hbm>> -> memref<80x128xi32, #tpu.memory_space<hbm>>
      %dma_wait3A_28 = arith.constant 0 : i32
      %dma_wait3A_29 = tpu.memref_slice %arg2[%mul3A_6, %dma_wait3A_28] : memref<2560x128xi32, #tpu.memory_space<hbm>> -> memref<80x128xi32, #tpu.memory_space<hbm>>
      tpu.wait_dma2 semaphore(%run_scoped3A : memref<!tpu.dma_semaphore, #tpu.memory_space<semaphore_mem>>) src(%dma_wait3A_29 : memref<80x128xi32, #tpu.memory_space<hbm>>) dst(%arg5 : memref<80x128xi32, #tpu.memory_space<vmem>>)
      tpu.yield
    }) : () -> ()
    %broadcast_in_dim3A = arith.constant 1.000000e+00 : f32
    %broadcast_in_dim3A_7 = vector.broadcast %broadcast_in_dim3A : f32 to vector<16xf32>
    %scan3A = arith.constant 0 : i32
    %scan3A_8 = arith.constant 0 : i32
    %scan3A_9 = arith.constant 128 : i32
    %scan3A_10 = arith.addi %scan3A_8, %scan3A_9 : i32
    %scan3A_11 = arith.constant 1 : i32
    scf.for %scan3A_24 = %scan3A_8 to %scan3A_10 step %scan3A_11  : i32 {
      %swap3A = arith.index_cast %scan3A_24 : i32 to index
      %swap3A_25 = arith.constant 0 : index
      %swap3A_26 = tpu.vector_load %arg6[%swap3A, %swap3A_25] {strides = array<i32>} : memref<128x128xf32, #tpu.memory_space<vmem>>, vector<1x16xf32>,
      %swap3A_27 = vector.shape_cast %swap3A_26 : vector<1x16xf32> to vector<16xf32>
      %swap3A_28 = vector.shape_cast %broadcast_in_dim3A_7 : vector<16xf32> to vector<1x16xf32>
      tpu.vector_store %arg6[%swap3A, %swap3A_25], %swap3A_28 {strides = array<i32>} : memref<128x128xf32, #tpu.memory_space<vmem>>, vector<1x16xf32>,
      %swap3A_29 = arith.index_cast %scan3A_24 : i32 to index
      %swap3A_30 = arith.constant 16 : index
      %swap3A_31 = tpu.vector_load %arg6[%swap3A_29, %swap3A_30] {strides = array<i32>} : memref<128x128xf32, #tpu.memory_space<vmem>>, vector<1x16xf32>,
      %swap3A_32 = vector.shape_cast %swap3A_31 : vector<1x16xf32> to vector<16xf32>
      %swap3A_33 = vector.shape_cast %broadcast_in_dim3A_7 : vector<16xf32> to vector<1x16xf32>
      tpu.vector_store %arg6[%swap3A_29, %swap3A_30], %swap3A_33 {strides = array<i32>} : memref<128x128xf32, #tpu.memory_space<vmem>>, vector<1x16xf32>,
      %swap3A_34 = arith.index_cast %scan3A_24 : i32 to index
      %swap3A_35 = arith.constant 32 : index
      %swap3A_36 = tpu.vector_load %arg6[%swap3A_34, %swap3A_35] {strides = array<i32>} : memref<128x128xf32, #tpu.memory_space<vmem>>, vector<1x16xf32>,
      %swap3A_37 = vector.shape_cast %swap3A_36 : vector<1x16xf32> to vector<16xf32>
      %swap3A_38 = vector.shape_cast %broadcast_in_dim3A_7 : vector<16xf32> to vector<1x16xf32>
      tpu.vector_store %arg6[%swap3A_34, %swap3A_35], %swap3A_38 {strides = array<i32>} : memref<128x128xf32, #tpu.memory_space<vmem>>, vector<1x16xf32>,
      %swap3A_39 = arith.index_cast %scan3A_24 : i32 to index
      %swap3A_40 = arith.constant 48 : index
      %swap3A_41 = tpu.vector_load %arg6[%swap3A_39, %swap3A_40] {strides = array<i32>} : memref<128x128xf32, #tpu.memory_space<vmem>>, vector<1x16xf32>,
      %swap3A_42 = vector.shape_cast %swap3A_41 : vector<1x16xf32> to vector<16xf32>
      %swap3A_43 = vector.shape_cast %broadcast_in_dim3A_7 : vector<16xf32> to vector<1x16xf32>
      tpu.vector_store %arg6[%swap3A_39, %swap3A_40], %swap3A_43 {strides = array<i32>} : memref<128x128xf32, #tpu.memory_space<vmem>>, vector<1x16xf32>,
      %swap3A_44 = arith.index_cast %scan3A_24 : i32 to index
      %swap3A_45 = arith.constant 64 : index
      %swap3A_46 = tpu.vector_load %arg6[%swap3A_44, %swap3A_45] {strides = array<i32>} : memref<128x128xf32, #tpu.memory_space<vmem>>, vector<1x16xf32>,
      %swap3A_47 = vector.shape_cast %swap3A_46 : vector<1x16xf32> to vector<16xf32>
      %swap3A_48 = vector.shape_cast %broadcast_in_dim3A_7 : vector<16xf32> to vector<1x16xf32>
      tpu.vector_store %arg6[%swap3A_44, %swap3A_45], %swap3A_48 {strides = array<i32>} : memref<128x128xf32, #tpu.memory_space<vmem>>, vector<1x16xf32>,
      %swap3A_49 = arith.index_cast %scan3A_24 : i32 to index
      %swap3A_50 = arith.constant 80 : index
      %swap3A_51 = tpu.vector_load %arg6[%swap3A_49, %swap3A_50] {strides = array<i32>} : memref<128x128xf32, #tpu.memory_space<vmem>>, vector<1x16xf32>,
      %swap3A_52 = vector.shape_cast %swap3A_51 : vector<1x16xf32> to vector<16xf32>
      %swap3A_53 = vector.shape_cast %broadcast_in_dim3A_7 : vector<16xf32> to vector<1x16xf32>
      tpu.vector_store %arg6[%swap3A_49, %swap3A_50], %swap3A_53 {strides = array<i32>} : memref<128x128xf32, #tpu.memory_space<vmem>>, vector<1x16xf32>,
      %swap3A_54 = arith.index_cast %scan3A_24 : i32 to index
      %swap3A_55 = arith.constant 96 : index
      %swap3A_56 = tpu.vector_load %arg6[%swap3A_54, %swap3A_55] {strides = array<i32>} : memref<128x128xf32, #tpu.memory_space<vmem>>, vector<1x16xf32>,
      %swap3A_57 = vector.shape_cast %swap3A_56 : vector<1x16xf32> to vector<16xf32>
      %swap3A_58 = vector.shape_cast %broadcast_in_dim3A_7 : vector<16xf32> to vector<1x16xf32>
      tpu.vector_store %arg6[%swap3A_54, %swap3A_55], %swap3A_58 {strides = array<i32>} : memref<128x128xf32, #tpu.memory_space<vmem>>, vector<1x16xf32>,
      %swap3A_59 = arith.index_cast %scan3A_24 : i32 to index
      %swap3A_60 = arith.constant 112 : index
      %swap3A_61 = tpu.vector_load %arg6[%swap3A_59, %swap3A_60] {strides = array<i32>} : memref<128x128xf32, #tpu.memory_space<vmem>>, vector<1x16xf32>,
      %swap3A_62 = vector.shape_cast %swap3A_61 : vector<1x16xf32> to vector<16xf32>
      %swap3A_63 = vector.shape_cast %broadcast_in_dim3A_7 : vector<16xf32> to vector<1x16xf32>
      tpu.vector_store %arg6[%swap3A_59, %swap3A_60], %swap3A_63 {strides = array<i32>} : memref<128x128xf32, #tpu.memory_space<vmem>>, vector<1x16xf32>,
    }
    %scan3A_12 = arith.constant 128 : i32
    %barrier3A = arith.constant 0 : index
    tpu.barrier barrier_id(%barrier3A)
    %scan3A_13 = arith.constant 0 : i32
    %scan3A_14 = arith.constant 0 : i32
    %scan3A_15 = arith.constant 80 : i32
    %scan3A_16 = arith.addi %scan3A_14, %scan3A_15 : i32
    %scan3A_17 = arith.constant 1 : i32
    scf.for %scan3A_24 = %scan3A_14 to %scan3A_16 step %scan3A_17  : i32 {
      "tpu.region"() ({
        %run_scoped3A = tpu.sem_alloc : memref<!tpu.dma_semaphore, #tpu.memory_space<semaphore_mem>>
        %dma_start3A = arith.constant 0 : i32
        %dma_start3A_25 = tpu.memref_slice %arg5[%scan3A_24, %dma_start3A] : memref<80x128xi32, #tpu.memory_space<vmem>> -> memref<1x128xi32, #tpu.memory_space<vmem>>
        %dma_start3A_26 = tpu.memref_squeeze %dma_start3A_25 : memref<1x128xi32, #tpu.memory_space<vmem>> -> memref<128xi32, #tpu.memory_space<vmem>>
        %dma_start3A_27 = arith.constant 0 : i32
        %dma_start3A_28 = arith.constant 0 : i32
        %dma_start3A_29 = tpu.memref_slice %arg7[%dma_start3A_27, %dma_start3A_28] : memref<10112x128xf32, #tpu.memory_space<vmem_shared>> -> memref<10112x128xf32, #tpu.memory_space<vmem_shared>>
        tpu.enqueue_indirect_dma source(%arg6 : memref<128x128xf32, #tpu.memory_space<vmem>>) target(%dma_start3A_29 : memref<10112x128xf32, #tpu.memory_space<vmem_shared>>) offsets(%dma_start3A_26 : memref<128xi32, #tpu.memory_space<vmem>>) semaphore(%run_scoped3A : memref<!tpu.dma_semaphore, #tpu.memory_space<semaphore_mem>>) {add = true}
        %dma_wait3A = arith.constant 0 : i32
        %dma_wait3A_30 = tpu.memref_slice %arg5[%scan3A_24, %dma_wait3A] : memref<80x128xi32, #tpu.memory_space<vmem>> -> memref<1x128xi32, #tpu.memory_space<vmem>>
        %dma_wait3A_31 = tpu.memref_squeeze %dma_wait3A_30 : memref<1x128xi32, #tpu.memory_space<vmem>> -> memref<128xi32, #tpu.memory_space<vmem>>
        %dma_wait3A_32 = arith.constant 0 : i32
        %dma_wait3A_33 = arith.constant 0 : i32
        %dma_wait3A_34 = tpu.memref_slice %arg7[%dma_wait3A_32, %dma_wait3A_33] : memref<10112x128xf32, #tpu.memory_space<vmem_shared>> -> memref<10112x128xf32, #tpu.memory_space<vmem_shared>>
        tpu.wait_indirect_dma semaphore(%run_scoped3A : memref<!tpu.dma_semaphore, #tpu.memory_space<semaphore_mem>>) src(%arg6 : memref<128x128xf32, #tpu.memory_space<vmem>>) dst(%dma_wait3A_34 : memref<10112x128xf32, #tpu.memory_space<vmem_shared>>)
        tpu.yield
      }) : () -> ()
    }
    %scan3A_18 = arith.constant 80 : i32
    %barrier3A_19 = arith.constant 0 : index
    tpu.barrier barrier_id(%barrier3A_19)
    %mul3A_20 = arith.constant 632 : i32
    %mul3A_21 = arith.muli %arg1, %mul3A_20 : i32
    %mul3A_22 = arith.constant 632 : i32
    %mul3A_23 = arith.muli %arg1, %mul3A_22 : i32
    "tpu.region"() ({
      %run_scoped3A = tpu.sem_alloc : memref<!tpu.dma_semaphore, #tpu.memory_space<semaphore_mem>>
      %dma_start3A = arith.constant 0 : i32
      %dma_start3A_24 = tpu.memref_slice %arg4[%arg0, %mul3A_23, %dma_start3A] : memref<2x10112x128xf32, #tpu.memory_space<hbm>> -> memref<1x632x128xf32, #tpu.memory_space<hbm>>
      %dma_start3A_25 = tpu.memref_squeeze %dma_start3A_24 : memref<1x632x128xf32, #tpu.memory_space<hbm>> -> memref<632x128xf32, #tpu.memory_space<hbm>>
      %dma_start3A_26 = arith.constant 0 : i32
      %dma_start3A_27 = tpu.memref_slice %arg7[%mul3A_21, %dma_start3A_26] : memref<10112x128xf32, #tpu.memory_space<vmem_shared>> -> memref<632x128xf32, #tpu.memory_space<vmem_shared>>
      tpu.enqueue_dma source(%dma_start3A_27 : memref<632x128xf32, #tpu.memory_space<vmem_shared>>) target(%dma_start3A_25 : memref<632x128xf32, #tpu.memory_space<hbm>>) target_semaphore(%run_scoped3A : memref<!tpu.dma_semaphore, #tpu.memory_space<semaphore_mem>>)
      %dma_wait3A = arith.constant 0 : i32
      %dma_wait3A_28 = tpu.memref_slice %arg4[%arg0, %mul3A_23, %dma_wait3A] : memref<2x10112x128xf32, #tpu.memory_space<hbm>> -> memref<1x632x128xf32, #tpu.memory_space<hbm>>
      %dma_wait3A_29 = tpu.memref_squeeze %dma_wait3A_28 : memref<1x632x128xf32, #tpu.memory_space<hbm>> -> memref<632x128xf32, #tpu.memory_space<hbm>>
      %dma_wait3A_30 = arith.constant 0 : i32
      %dma_wait3A_31 = tpu.memref_slice %arg7[%mul3A_21, %dma_wait3A_30] : memref<10112x128xf32, #tpu.memory_space<vmem_shared>> -> memref<632x128xf32, #tpu.memory_space<vmem_shared>>
      tpu.wait_dma2 semaphore(%run_scoped3A : memref<!tpu.dma_semaphore, #tpu.memory_space<semaphore_mem>>) src(%dma_wait3A_31 : memref<632x128xf32, #tpu.memory_space<vmem_shared>>) dst(%dma_wait3A_29 : memref<632x128xf32, #tpu.memory_space<hbm>>)
      tpu.yield
    }) : () -> ()
    return
  }
}

#map = affine_map<(d0, d1) -> (0, 0)>
#map1 = affine_map<(d0, d1) -> (0, 0, 0)>
module attributes {stable_mosaic.version = 14 : i64} {
  func.func @_conv_wide(%arg0: i32, %arg1: i32, %arg2: memref<10112x128xf32, #tpu.memory_space<hbm>>, %arg3: memref<2560x128xi32, #tpu.memory_space<hbm>>, %arg4: memref<2560x128xi32, #tpu.memory_space<hbm>>, %arg5: memref<10112x128xf32, #tpu.memory_space<hbm>>, %arg6: memref<2x10112x128xf32, #tpu.memory_space<hbm>>, %arg7: memref<80x128xi32, #tpu.memory_space<vmem>>, %arg8: memref<80x128xi32, #tpu.memory_space<vmem>>, %arg9: memref<128x128xf32, #tpu.memory_space<vmem>>, %arg10: memref<10112x128xf32, #tpu.memory_space<vmem_shared>>, %arg11: memref<!tpu.dma_semaphore, #tpu.memory_space<semaphore_mem>>) attributes {dimension_semantics = [#tpu.dimension_semantics<core_parallel>, #tpu.dimension_semantics<subcore_parallel>], iteration_bounds = array<i64: 2, 16>, scalar_prefetch = 0 : i64, scratch_operands = 5 : i64, tpu.core_type = #tpu.core_type<sc_vector_subcore>, window_params = [{transform_indices = #map}, {transform_indices = #map}, {transform_indices = #map}, {transform_indices = #map}, {transform_indices = #map1}]} {
    %mul3A = arith.constant 16 : i32
    %mul3A_0 = arith.muli %arg0, %mul3A : i32
    %add3A = arith.addi %mul3A_0, %arg1 : i32
    %mul3A_1 = arith.constant 632 : i32
    %mul3A_2 = arith.muli %arg1, %mul3A_1 : i32
    %mul3A_3 = arith.constant 632 : i32
    %mul3A_4 = arith.muli %arg1, %mul3A_3 : i32
    "tpu.region"() ({
      %run_scoped3A = tpu.sem_alloc : memref<!tpu.dma_semaphore, #tpu.memory_space<semaphore_mem>>
      %dma_start3A = arith.constant 0 : i32
      %dma_start3A_19 = tpu.memref_slice %arg10[%mul3A_4, %dma_start3A] : memref<10112x128xf32, #tpu.memory_space<vmem_shared>> -> memref<632x128xf32, #tpu.memory_space<vmem_shared>>
      %dma_start3A_20 = arith.constant 0 : i32
      %dma_start3A_21 = tpu.memref_slice %arg5[%mul3A_2, %dma_start3A_20] : memref<10112x128xf32, #tpu.memory_space<hbm>> -> memref<632x128xf32, #tpu.memory_space<hbm>>
      tpu.enqueue_dma source(%dma_start3A_21 : memref<632x128xf32, #tpu.memory_space<hbm>>) target(%dma_start3A_19 : memref<632x128xf32, #tpu.memory_space<vmem_shared>>) target_semaphore(%run_scoped3A : memref<!tpu.dma_semaphore, #tpu.memory_space<semaphore_mem>>)
      %dma_wait3A = arith.constant 0 : i32
      %dma_wait3A_22 = tpu.memref_slice %arg10[%mul3A_4, %dma_wait3A] : memref<10112x128xf32, #tpu.memory_space<vmem_shared>> -> memref<632x128xf32, #tpu.memory_space<vmem_shared>>
      %dma_wait3A_23 = arith.constant 0 : i32
      %dma_wait3A_24 = tpu.memref_slice %arg5[%mul3A_2, %dma_wait3A_23] : memref<10112x128xf32, #tpu.memory_space<hbm>> -> memref<632x128xf32, #tpu.memory_space<hbm>>
      tpu.wait_dma2 semaphore(%run_scoped3A : memref<!tpu.dma_semaphore, #tpu.memory_space<semaphore_mem>>) src(%dma_wait3A_24 : memref<632x128xf32, #tpu.memory_space<hbm>>) dst(%dma_wait3A_22 : memref<632x128xf32, #tpu.memory_space<vmem_shared>>)
      tpu.yield
    }) : () -> ()
    %mul3A_5 = arith.constant 80 : i32
    %mul3A_6 = arith.muli %add3A, %mul3A_5 : i32
    "tpu.region"() ({
      %run_scoped3A = tpu.sem_alloc : memref<!tpu.dma_semaphore, #tpu.memory_space<semaphore_mem>>
      %dma_start3A = arith.constant 0 : i32
      %dma_start3A_19 = tpu.memref_slice %arg3[%mul3A_6, %dma_start3A] : memref<2560x128xi32, #tpu.memory_space<hbm>> -> memref<80x128xi32, #tpu.memory_space<hbm>>
      %dma_start3A_20 = arith.constant 0 : i32
      %dma_start3A_21 = tpu.memref_slice %arg3[%mul3A_6, %dma_start3A_20] : memref<2560x128xi32, #tpu.memory_space<hbm>> -> memref<80x128xi32, #tpu.memory_space<hbm>>
      tpu.enqueue_dma source(%dma_start3A_21 : memref<80x128xi32, #tpu.memory_space<hbm>>) target(%arg7 : memref<80x128xi32, #tpu.memory_space<vmem>>) target_semaphore(%run_scoped3A : memref<!tpu.dma_semaphore, #tpu.memory_space<semaphore_mem>>)
      %dma_wait3A = arith.constant 0 : i32
      %dma_wait3A_22 = tpu.memref_slice %arg3[%mul3A_6, %dma_wait3A] : memref<2560x128xi32, #tpu.memory_space<hbm>> -> memref<80x128xi32, #tpu.memory_space<hbm>>
      %dma_wait3A_23 = arith.constant 0 : i32
      %dma_wait3A_24 = tpu.memref_slice %arg3[%mul3A_6, %dma_wait3A_23] : memref<2560x128xi32, #tpu.memory_space<hbm>> -> memref<80x128xi32, #tpu.memory_space<hbm>>
      tpu.wait_dma2 semaphore(%run_scoped3A : memref<!tpu.dma_semaphore, #tpu.memory_space<semaphore_mem>>) src(%dma_wait3A_24 : memref<80x128xi32, #tpu.memory_space<hbm>>) dst(%arg7 : memref<80x128xi32, #tpu.memory_space<vmem>>)
      tpu.yield
    }) : () -> ()
    %mul3A_7 = arith.constant 80 : i32
    %mul3A_8 = arith.muli %add3A, %mul3A_7 : i32
    "tpu.region"() ({
      %run_scoped3A = tpu.sem_alloc : memref<!tpu.dma_semaphore, #tpu.memory_space<semaphore_mem>>
      %dma_start3A = arith.constant 0 : i32
      %dma_start3A_19 = tpu.memref_slice %arg4[%mul3A_8, %dma_start3A] : memref<2560x128xi32, #tpu.memory_space<hbm>> -> memref<80x128xi32, #tpu.memory_space<hbm>>
      %dma_start3A_20 = arith.constant 0 : i32
      %dma_start3A_21 = tpu.memref_slice %arg4[%mul3A_8, %dma_start3A_20] : memref<2560x128xi32, #tpu.memory_space<hbm>> -> memref<80x128xi32, #tpu.memory_space<hbm>>
      tpu.enqueue_dma source(%dma_start3A_21 : memref<80x128xi32, #tpu.memory_space<hbm>>) target(%arg8 : memref<80x128xi32, #tpu.memory_space<vmem>>) target_semaphore(%run_scoped3A : memref<!tpu.dma_semaphore, #tpu.memory_space<semaphore_mem>>)
      %dma_wait3A = arith.constant 0 : i32
      %dma_wait3A_22 = tpu.memref_slice %arg4[%mul3A_8, %dma_wait3A] : memref<2560x128xi32, #tpu.memory_space<hbm>> -> memref<80x128xi32, #tpu.memory_space<hbm>>
      %dma_wait3A_23 = arith.constant 0 : i32
      %dma_wait3A_24 = tpu.memref_slice %arg4[%mul3A_8, %dma_wait3A_23] : memref<2560x128xi32, #tpu.memory_space<hbm>> -> memref<80x128xi32, #tpu.memory_space<hbm>>
      tpu.wait_dma2 semaphore(%run_scoped3A : memref<!tpu.dma_semaphore, #tpu.memory_space<semaphore_mem>>) src(%dma_wait3A_24 : memref<80x128xi32, #tpu.memory_space<hbm>>) dst(%arg8 : memref<80x128xi32, #tpu.memory_space<vmem>>)
      tpu.yield
    }) : () -> ()
    %barrier3A = arith.constant 0 : index
    tpu.barrier barrier_id(%barrier3A)
    %scan3A = arith.constant 0 : i32
    %scan3A_9 = arith.constant 0 : i32
    %scan3A_10 = arith.constant 80 : i32
    %scan3A_11 = arith.addi %scan3A_9, %scan3A_10 : i32
    %scan3A_12 = arith.constant 1 : i32
    scf.for %scan3A_19 = %scan3A_9 to %scan3A_11 step %scan3A_12  : i32 {
      %dma_start3A = arith.constant 0 : i32
      %dma_start3A_20 = tpu.memref_slice %arg7[%scan3A_19, %dma_start3A] : memref<80x128xi32, #tpu.memory_space<vmem>> -> memref<1x128xi32, #tpu.memory_space<vmem>>
      %dma_start3A_21 = tpu.memref_squeeze %dma_start3A_20 : memref<1x128xi32, #tpu.memory_space<vmem>> -> memref<128xi32, #tpu.memory_space<vmem>>
      %dma_start3A_22 = arith.constant 0 : i32
      %dma_start3A_23 = arith.constant 0 : i32
      %dma_start3A_24 = tpu.memref_slice %arg2[%dma_start3A_22, %dma_start3A_23] : memref<10112x128xf32, #tpu.memory_space<hbm>> -> memref<10112x128xf32, #tpu.memory_space<hbm>>
      tpu.enqueue_indirect_dma source(%dma_start3A_24 : memref<10112x128xf32, #tpu.memory_space<hbm>>) target(%arg9 : memref<128x128xf32, #tpu.memory_space<vmem>>) offsets(%dma_start3A_21 : memref<128xi32, #tpu.memory_space<vmem>>) semaphore(%arg11 : memref<!tpu.dma_semaphore, #tpu.memory_space<semaphore_mem>>)
      %dma_wait3A = arith.constant 0 : i32
      %dma_wait3A_25 = tpu.memref_slice %arg7[%scan3A_19, %dma_wait3A] : memref<80x128xi32, #tpu.memory_space<vmem>> -> memref<1x128xi32, #tpu.memory_space<vmem>>
      %dma_wait3A_26 = tpu.memref_squeeze %dma_wait3A_25 : memref<1x128xi32, #tpu.memory_space<vmem>> -> memref<128xi32, #tpu.memory_space<vmem>>
      %dma_wait3A_27 = arith.constant 0 : i32
      %dma_wait3A_28 = arith.constant 0 : i32
      %dma_wait3A_29 = tpu.memref_slice %arg2[%dma_wait3A_27, %dma_wait3A_28] : memref<10112x128xf32, #tpu.memory_space<hbm>> -> memref<10112x128xf32, #tpu.memory_space<hbm>>
      tpu.wait_indirect_dma semaphore(%arg11 : memref<!tpu.dma_semaphore, #tpu.memory_space<semaphore_mem>>) src(%dma_wait3A_29 : memref<10112x128xf32, #tpu.memory_space<hbm>>) dst(%arg9 : memref<128x128xf32, #tpu.memory_space<vmem>>)
      "tpu.region"() ({
        %run_scoped3A = tpu.sem_alloc : memref<!tpu.dma_semaphore, #tpu.memory_space<semaphore_mem>>
        %dma_start3A_30 = arith.constant 0 : i32
        %dma_start3A_31 = tpu.memref_slice %arg8[%scan3A_19, %dma_start3A_30] : memref<80x128xi32, #tpu.memory_space<vmem>> -> memref<1x128xi32, #tpu.memory_space<vmem>>
        %dma_start3A_32 = tpu.memref_squeeze %dma_start3A_31 : memref<1x128xi32, #tpu.memory_space<vmem>> -> memref<128xi32, #tpu.memory_space<vmem>>
        %dma_start3A_33 = arith.constant 0 : i32
        %dma_start3A_34 = arith.constant 0 : i32
        %dma_start3A_35 = tpu.memref_slice %arg10[%dma_start3A_33, %dma_start3A_34] : memref<10112x128xf32, #tpu.memory_space<vmem_shared>> -> memref<10112x128xf32, #tpu.memory_space<vmem_shared>>
        tpu.enqueue_indirect_dma source(%arg9 : memref<128x128xf32, #tpu.memory_space<vmem>>) target(%dma_start3A_35 : memref<10112x128xf32, #tpu.memory_space<vmem_shared>>) offsets(%dma_start3A_32 : memref<128xi32, #tpu.memory_space<vmem>>) semaphore(%run_scoped3A : memref<!tpu.dma_semaphore, #tpu.memory_space<semaphore_mem>>) {add = true}
        %dma_wait3A_36 = arith.constant 0 : i32
        %dma_wait3A_37 = tpu.memref_slice %arg8[%scan3A_19, %dma_wait3A_36] : memref<80x128xi32, #tpu.memory_space<vmem>> -> memref<1x128xi32, #tpu.memory_space<vmem>>
        %dma_wait3A_38 = tpu.memref_squeeze %dma_wait3A_37 : memref<1x128xi32, #tpu.memory_space<vmem>> -> memref<128xi32, #tpu.memory_space<vmem>>
        %dma_wait3A_39 = arith.constant 0 : i32
        %dma_wait3A_40 = arith.constant 0 : i32
        %dma_wait3A_41 = tpu.memref_slice %arg10[%dma_wait3A_39, %dma_wait3A_40] : memref<10112x128xf32, #tpu.memory_space<vmem_shared>> -> memref<10112x128xf32, #tpu.memory_space<vmem_shared>>
        tpu.wait_indirect_dma semaphore(%run_scoped3A : memref<!tpu.dma_semaphore, #tpu.memory_space<semaphore_mem>>) src(%arg9 : memref<128x128xf32, #tpu.memory_space<vmem>>) dst(%dma_wait3A_41 : memref<10112x128xf32, #tpu.memory_space<vmem_shared>>)
        tpu.yield
      }) : () -> ()
    }
    %scan3A_13 = arith.constant 80 : i32
    %barrier3A_14 = arith.constant 0 : index
    tpu.barrier barrier_id(%barrier3A_14)
    %mul3A_15 = arith.constant 632 : i32
    %mul3A_16 = arith.muli %arg1, %mul3A_15 : i32
    %mul3A_17 = arith.constant 632 : i32
    %mul3A_18 = arith.muli %arg1, %mul3A_17 : i32
    "tpu.region"() ({
      %run_scoped3A = tpu.sem_alloc : memref<!tpu.dma_semaphore, #tpu.memory_space<semaphore_mem>>
      %dma_start3A = arith.constant 0 : i32
      %dma_start3A_19 = tpu.memref_slice %arg6[%arg0, %mul3A_18, %dma_start3A] : memref<2x10112x128xf32, #tpu.memory_space<hbm>> -> memref<1x632x128xf32, #tpu.memory_space<hbm>>
      %dma_start3A_20 = tpu.memref_squeeze %dma_start3A_19 : memref<1x632x128xf32, #tpu.memory_space<hbm>> -> memref<632x128xf32, #tpu.memory_space<hbm>>
      %dma_start3A_21 = arith.constant 0 : i32
      %dma_start3A_22 = tpu.memref_slice %arg10[%mul3A_16, %dma_start3A_21] : memref<10112x128xf32, #tpu.memory_space<vmem_shared>> -> memref<632x128xf32, #tpu.memory_space<vmem_shared>>
      tpu.enqueue_dma source(%dma_start3A_22 : memref<632x128xf32, #tpu.memory_space<vmem_shared>>) target(%dma_start3A_20 : memref<632x128xf32, #tpu.memory_space<hbm>>) target_semaphore(%run_scoped3A : memref<!tpu.dma_semaphore, #tpu.memory_space<semaphore_mem>>)
      %dma_wait3A = arith.constant 0 : i32
      %dma_wait3A_23 = tpu.memref_slice %arg6[%arg0, %mul3A_18, %dma_wait3A] : memref<2x10112x128xf32, #tpu.memory_space<hbm>> -> memref<1x632x128xf32, #tpu.memory_space<hbm>>
      %dma_wait3A_24 = tpu.memref_squeeze %dma_wait3A_23 : memref<1x632x128xf32, #tpu.memory_space<hbm>> -> memref<632x128xf32, #tpu.memory_space<hbm>>
      %dma_wait3A_25 = arith.constant 0 : i32
      %dma_wait3A_26 = tpu.memref_slice %arg10[%mul3A_16, %dma_wait3A_25] : memref<10112x128xf32, #tpu.memory_space<vmem_shared>> -> memref<632x128xf32, #tpu.memory_space<vmem_shared>>
      tpu.wait_dma2 semaphore(%run_scoped3A : memref<!tpu.dma_semaphore, #tpu.memory_space<semaphore_mem>>) src(%dma_wait3A_26 : memref<632x128xf32, #tpu.memory_space<vmem_shared>>) dst(%dma_wait3A_24 : memref<632x128xf32, #tpu.memory_space<hbm>>)
      tpu.yield
    }) : () -> ()
    return
  }
}

#map = affine_map<(d0, d1) -> (0, 0)>
#map1 = affine_map<(d0, d1) -> (0, 0, 0)>
module attributes {stable_mosaic.version = 14 : i64} {
  func.func @_conv_wide(%arg0: i32, %arg1: i32, %arg2: memref<10112x128xf32, #tpu.memory_space<hbm>>, %arg3: memref<2560x128xi32, #tpu.memory_space<hbm>>, %arg4: memref<2560x128xi32, #tpu.memory_space<hbm>>, %arg5: memref<10112x128xf32, #tpu.memory_space<hbm>>, %arg6: memref<2x10112x128xf32, #tpu.memory_space<hbm>>, %arg7: memref<80x128xi32, #tpu.memory_space<vmem>>, %arg8: memref<80x128xi32, #tpu.memory_space<vmem>>, %arg9: memref<128x128xf32, #tpu.memory_space<vmem>>, %arg10: memref<10112x128xf32, #tpu.memory_space<vmem_shared>>, %arg11: memref<!tpu.dma_semaphore, #tpu.memory_space<semaphore_mem>>) attributes {dimension_semantics = [#tpu.dimension_semantics<core_parallel>, #tpu.dimension_semantics<subcore_parallel>], iteration_bounds = array<i64: 2, 16>, scalar_prefetch = 0 : i64, scratch_operands = 5 : i64, tpu.core_type = #tpu.core_type<sc_vector_subcore>, window_params = [{transform_indices = #map}, {transform_indices = #map}, {transform_indices = #map}, {transform_indices = #map}, {transform_indices = #map1}]} {
    %mul3A = arith.constant 16 : i32
    %mul3A_0 = arith.muli %arg0, %mul3A : i32
    %add3A = arith.addi %mul3A_0, %arg1 : i32
    %mul3A_1 = arith.constant 632 : i32
    %mul3A_2 = arith.muli %arg1, %mul3A_1 : i32
    %mul3A_3 = arith.constant 632 : i32
    %mul3A_4 = arith.muli %arg1, %mul3A_3 : i32
    "tpu.region"() ({
      %run_scoped3A = tpu.sem_alloc : memref<!tpu.dma_semaphore, #tpu.memory_space<semaphore_mem>>
      %dma_start3A = arith.constant 0 : i32
      %dma_start3A_19 = tpu.memref_slice %arg10[%mul3A_4, %dma_start3A] : memref<10112x128xf32, #tpu.memory_space<vmem_shared>> -> memref<632x128xf32, #tpu.memory_space<vmem_shared>>
      %dma_start3A_20 = arith.constant 0 : i32
      %dma_start3A_21 = tpu.memref_slice %arg5[%mul3A_2, %dma_start3A_20] : memref<10112x128xf32, #tpu.memory_space<hbm>> -> memref<632x128xf32, #tpu.memory_space<hbm>>
      tpu.enqueue_dma source(%dma_start3A_21 : memref<632x128xf32, #tpu.memory_space<hbm>>) target(%dma_start3A_19 : memref<632x128xf32, #tpu.memory_space<vmem_shared>>) target_semaphore(%run_scoped3A : memref<!tpu.dma_semaphore, #tpu.memory_space<semaphore_mem>>)
      %dma_wait3A = arith.constant 0 : i32
      %dma_wait3A_22 = tpu.memref_slice %arg10[%mul3A_4, %dma_wait3A] : memref<10112x128xf32, #tpu.memory_space<vmem_shared>> -> memref<632x128xf32, #tpu.memory_space<vmem_shared>>
      %dma_wait3A_23 = arith.constant 0 : i32
      %dma_wait3A_24 = tpu.memref_slice %arg5[%mul3A_2, %dma_wait3A_23] : memref<10112x128xf32, #tpu.memory_space<hbm>> -> memref<632x128xf32, #tpu.memory_space<hbm>>
      tpu.wait_dma2 semaphore(%run_scoped3A : memref<!tpu.dma_semaphore, #tpu.memory_space<semaphore_mem>>) src(%dma_wait3A_24 : memref<632x128xf32, #tpu.memory_space<hbm>>) dst(%dma_wait3A_22 : memref<632x128xf32, #tpu.memory_space<vmem_shared>>)
      tpu.yield
    }) : () -> ()
    %mul3A_5 = arith.constant 80 : i32
    %mul3A_6 = arith.muli %add3A, %mul3A_5 : i32
    "tpu.region"() ({
      %run_scoped3A = tpu.sem_alloc : memref<!tpu.dma_semaphore, #tpu.memory_space<semaphore_mem>>
      %dma_start3A = arith.constant 0 : i32
      %dma_start3A_19 = tpu.memref_slice %arg3[%mul3A_6, %dma_start3A] : memref<2560x128xi32, #tpu.memory_space<hbm>> -> memref<80x128xi32, #tpu.memory_space<hbm>>
      %dma_start3A_20 = arith.constant 0 : i32
      %dma_start3A_21 = tpu.memref_slice %arg3[%mul3A_6, %dma_start3A_20] : memref<2560x128xi32, #tpu.memory_space<hbm>> -> memref<80x128xi32, #tpu.memory_space<hbm>>
      tpu.enqueue_dma source(%dma_start3A_21 : memref<80x128xi32, #tpu.memory_space<hbm>>) target(%arg7 : memref<80x128xi32, #tpu.memory_space<vmem>>) target_semaphore(%run_scoped3A : memref<!tpu.dma_semaphore, #tpu.memory_space<semaphore_mem>>)
      %dma_wait3A = arith.constant 0 : i32
      %dma_wait3A_22 = tpu.memref_slice %arg3[%mul3A_6, %dma_wait3A] : memref<2560x128xi32, #tpu.memory_space<hbm>> -> memref<80x128xi32, #tpu.memory_space<hbm>>
      %dma_wait3A_23 = arith.constant 0 : i32
      %dma_wait3A_24 = tpu.memref_slice %arg3[%mul3A_6, %dma_wait3A_23] : memref<2560x128xi32, #tpu.memory_space<hbm>> -> memref<80x128xi32, #tpu.memory_space<hbm>>
      tpu.wait_dma2 semaphore(%run_scoped3A : memref<!tpu.dma_semaphore, #tpu.memory_space<semaphore_mem>>) src(%dma_wait3A_24 : memref<80x128xi32, #tpu.memory_space<hbm>>) dst(%arg7 : memref<80x128xi32, #tpu.memory_space<vmem>>)
      tpu.yield
    }) : () -> ()
    %mul3A_7 = arith.constant 80 : i32
    %mul3A_8 = arith.muli %add3A, %mul3A_7 : i32
    "tpu.region"() ({
      %run_scoped3A = tpu.sem_alloc : memref<!tpu.dma_semaphore, #tpu.memory_space<semaphore_mem>>
      %dma_start3A = arith.constant 0 : i32
      %dma_start3A_19 = tpu.memref_slice %arg4[%mul3A_8, %dma_start3A] : memref<2560x128xi32, #tpu.memory_space<hbm>> -> memref<80x128xi32, #tpu.memory_space<hbm>>
      %dma_start3A_20 = arith.constant 0 : i32
      %dma_start3A_21 = tpu.memref_slice %arg4[%mul3A_8, %dma_start3A_20] : memref<2560x128xi32, #tpu.memory_space<hbm>> -> memref<80x128xi32, #tpu.memory_space<hbm>>
      tpu.enqueue_dma source(%dma_start3A_21 : memref<80x128xi32, #tpu.memory_space<hbm>>) target(%arg8 : memref<80x128xi32, #tpu.memory_space<vmem>>) target_semaphore(%run_scoped3A : memref<!tpu.dma_semaphore, #tpu.memory_space<semaphore_mem>>)
      %dma_wait3A = arith.constant 0 : i32
      %dma_wait3A_22 = tpu.memref_slice %arg4[%mul3A_8, %dma_wait3A] : memref<2560x128xi32, #tpu.memory_space<hbm>> -> memref<80x128xi32, #tpu.memory_space<hbm>>
      %dma_wait3A_23 = arith.constant 0 : i32
      %dma_wait3A_24 = tpu.memref_slice %arg4[%mul3A_8, %dma_wait3A_23] : memref<2560x128xi32, #tpu.memory_space<hbm>> -> memref<80x128xi32, #tpu.memory_space<hbm>>
      tpu.wait_dma2 semaphore(%run_scoped3A : memref<!tpu.dma_semaphore, #tpu.memory_space<semaphore_mem>>) src(%dma_wait3A_24 : memref<80x128xi32, #tpu.memory_space<hbm>>) dst(%arg8 : memref<80x128xi32, #tpu.memory_space<vmem>>)
      tpu.yield
    }) : () -> ()
    %barrier3A = arith.constant 0 : index
    tpu.barrier barrier_id(%barrier3A)
    %scan3A = arith.constant 0 : i32
    %scan3A_9 = arith.constant 0 : i32
    %scan3A_10 = arith.constant 80 : i32
    %scan3A_11 = arith.addi %scan3A_9, %scan3A_10 : i32
    %scan3A_12 = arith.constant 1 : i32
    scf.for %scan3A_19 = %scan3A_9 to %scan3A_11 step %scan3A_12  : i32 {
      %dma_start3A = arith.constant 0 : i32
      %dma_start3A_20 = tpu.memref_slice %arg7[%scan3A_19, %dma_start3A] : memref<80x128xi32, #tpu.memory_space<vmem>> -> memref<1x128xi32, #tpu.memory_space<vmem>>
      %dma_start3A_21 = tpu.memref_squeeze %dma_start3A_20 : memref<1x128xi32, #tpu.memory_space<vmem>> -> memref<128xi32, #tpu.memory_space<vmem>>
      %dma_start3A_22 = arith.constant 0 : i32
      %dma_start3A_23 = arith.constant 0 : i32
      %dma_start3A_24 = tpu.memref_slice %arg2[%dma_start3A_22, %dma_start3A_23] : memref<10112x128xf32, #tpu.memory_space<hbm>> -> memref<10112x128xf32, #tpu.memory_space<hbm>>
      tpu.enqueue_indirect_dma source(%dma_start3A_24 : memref<10112x128xf32, #tpu.memory_space<hbm>>) target(%arg9 : memref<128x128xf32, #tpu.memory_space<vmem>>) offsets(%dma_start3A_21 : memref<128xi32, #tpu.memory_space<vmem>>) semaphore(%arg11 : memref<!tpu.dma_semaphore, #tpu.memory_space<semaphore_mem>>)
      %dma_wait3A = arith.constant 0 : i32
      %dma_wait3A_25 = tpu.memref_slice %arg7[%scan3A_19, %dma_wait3A] : memref<80x128xi32, #tpu.memory_space<vmem>> -> memref<1x128xi32, #tpu.memory_space<vmem>>
      %dma_wait3A_26 = tpu.memref_squeeze %dma_wait3A_25 : memref<1x128xi32, #tpu.memory_space<vmem>> -> memref<128xi32, #tpu.memory_space<vmem>>
      %dma_wait3A_27 = arith.constant 0 : i32
      %dma_wait3A_28 = arith.constant 0 : i32
      %dma_wait3A_29 = tpu.memref_slice %arg2[%dma_wait3A_27, %dma_wait3A_28] : memref<10112x128xf32, #tpu.memory_space<hbm>> -> memref<10112x128xf32, #tpu.memory_space<hbm>>
      tpu.wait_indirect_dma semaphore(%arg11 : memref<!tpu.dma_semaphore, #tpu.memory_space<semaphore_mem>>) src(%dma_wait3A_29 : memref<10112x128xf32, #tpu.memory_space<hbm>>) dst(%arg9 : memref<128x128xf32, #tpu.memory_space<vmem>>)
      "tpu.region"() ({
        %run_scoped3A = tpu.sem_alloc : memref<!tpu.dma_semaphore, #tpu.memory_space<semaphore_mem>>
        %dma_start3A_30 = arith.constant 0 : i32
        %dma_start3A_31 = tpu.memref_slice %arg8[%scan3A_19, %dma_start3A_30] : memref<80x128xi32, #tpu.memory_space<vmem>> -> memref<1x128xi32, #tpu.memory_space<vmem>>
        %dma_start3A_32 = tpu.memref_squeeze %dma_start3A_31 : memref<1x128xi32, #tpu.memory_space<vmem>> -> memref<128xi32, #tpu.memory_space<vmem>>
        %dma_start3A_33 = arith.constant 0 : i32
        %dma_start3A_34 = arith.constant 0 : i32
        %dma_start3A_35 = tpu.memref_slice %arg10[%dma_start3A_33, %dma_start3A_34] : memref<10112x128xf32, #tpu.memory_space<vmem_shared>> -> memref<10112x128xf32, #tpu.memory_space<vmem_shared>>
        tpu.enqueue_indirect_dma source(%arg9 : memref<128x128xf32, #tpu.memory_space<vmem>>) target(%dma_start3A_35 : memref<10112x128xf32, #tpu.memory_space<vmem_shared>>) offsets(%dma_start3A_32 : memref<128xi32, #tpu.memory_space<vmem>>) semaphore(%run_scoped3A : memref<!tpu.dma_semaphore, #tpu.memory_space<semaphore_mem>>) {add = true}
        %dma_wait3A_36 = arith.constant 0 : i32
        %dma_wait3A_37 = tpu.memref_slice %arg8[%scan3A_19, %dma_wait3A_36] : memref<80x128xi32, #tpu.memory_space<vmem>> -> memref<1x128xi32, #tpu.memory_space<vmem>>
        %dma_wait3A_38 = tpu.memref_squeeze %dma_wait3A_37 : memref<1x128xi32, #tpu.memory_space<vmem>> -> memref<128xi32, #tpu.memory_space<vmem>>
        %dma_wait3A_39 = arith.constant 0 : i32
        %dma_wait3A_40 = arith.constant 0 : i32
        %dma_wait3A_41 = tpu.memref_slice %arg10[%dma_wait3A_39, %dma_wait3A_40] : memref<10112x128xf32, #tpu.memory_space<vmem_shared>> -> memref<10112x128xf32, #tpu.memory_space<vmem_shared>>
        tpu.wait_indirect_dma semaphore(%run_scoped3A : memref<!tpu.dma_semaphore, #tpu.memory_space<semaphore_mem>>) src(%arg9 : memref<128x128xf32, #tpu.memory_space<vmem>>) dst(%dma_wait3A_41 : memref<10112x128xf32, #tpu.memory_space<vmem_shared>>)
        tpu.yield
      }) : () -> ()
    }
    %scan3A_13 = arith.constant 80 : i32
    %barrier3A_14 = arith.constant 0 : index
    tpu.barrier barrier_id(%barrier3A_14)
    %mul3A_15 = arith.constant 632 : i32
    %mul3A_16 = arith.muli %arg1, %mul3A_15 : i32
    %mul3A_17 = arith.constant 632 : i32
    %mul3A_18 = arith.muli %arg1, %mul3A_17 : i32
    "tpu.region"() ({
      %run_scoped3A = tpu.sem_alloc : memref<!tpu.dma_semaphore, #tpu.memory_space<semaphore_mem>>
      %dma_start3A = arith.constant 0 : i32
      %dma_start3A_19 = tpu.memref_slice %arg6[%arg0, %mul3A_18, %dma_start3A] : memref<2x10112x128xf32, #tpu.memory_space<hbm>> -> memref<1x632x128xf32, #tpu.memory_space<hbm>>
      %dma_start3A_20 = tpu.memref_squeeze %dma_start3A_19 : memref<1x632x128xf32, #tpu.memory_space<hbm>> -> memref<632x128xf32, #tpu.memory_space<hbm>>
      %dma_start3A_21 = arith.constant 0 : i32
      %dma_start3A_22 = tpu.memref_slice %arg10[%mul3A_16, %dma_start3A_21] : memref<10112x128xf32, #tpu.memory_space<vmem_shared>> -> memref<632x128xf32, #tpu.memory_space<vmem_shared>>
      tpu.enqueue_dma source(%dma_start3A_22 : memref<632x128xf32, #tpu.memory_space<vmem_shared>>) target(%dma_start3A_20 : memref<632x128xf32, #tpu.memory_space<hbm>>) target_semaphore(%run_scoped3A : memref<!tpu.dma_semaphore, #tpu.memory_space<semaphore_mem>>)
      %dma_wait3A = arith.constant 0 : i32
      %dma_wait3A_23 = tpu.memref_slice %arg6[%arg0, %mul3A_18, %dma_wait3A] : memref<2x10112x128xf32, #tpu.memory_space<hbm>> -> memref<1x632x128xf32, #tpu.memory_space<hbm>>
      %dma_wait3A_24 = tpu.memref_squeeze %dma_wait3A_23 : memref<1x632x128xf32, #tpu.memory_space<hbm>> -> memref<632x128xf32, #tpu.memory_space<hbm>>
      %dma_wait3A_25 = arith.constant 0 : i32
      %dma_wait3A_26 = tpu.memref_slice %arg10[%mul3A_16, %dma_wait3A_25] : memref<10112x128xf32, #tpu.memory_space<vmem_shared>> -> memref<632x128xf32, #tpu.memory_space<vmem_shared>>
      tpu.wait_dma2 semaphore(%run_scoped3A : memref<!tpu.dma_semaphore, #tpu.memory_space<semaphore_mem>>) src(%dma_wait3A_26 : memref<632x128xf32, #tpu.memory_space<vmem_shared>>) dst(%dma_wait3A_24 : memref<632x128xf32, #tpu.memory_space<hbm>>)
      tpu.yield
    }) : () -> ()
    return
  }
}

#map = affine_map<(d0, d1) -> (0, 0)>
#map1 = affine_map<(d0, d1) -> (0, 0, 0)>
module attributes {stable_mosaic.version = 14 : i64} {
  func.func @_conv_wide(%arg0: i32, %arg1: i32, %arg2: memref<10112x128xf32, #tpu.memory_space<hbm>>, %arg3: memref<2560x128xi32, #tpu.memory_space<hbm>>, %arg4: memref<2560x128xi32, #tpu.memory_space<hbm>>, %arg5: memref<10112x128xf32, #tpu.memory_space<hbm>>, %arg6: memref<2x10112x128xf32, #tpu.memory_space<hbm>>, %arg7: memref<80x128xi32, #tpu.memory_space<vmem>>, %arg8: memref<80x128xi32, #tpu.memory_space<vmem>>, %arg9: memref<128x128xf32, #tpu.memory_space<vmem>>, %arg10: memref<10112x128xf32, #tpu.memory_space<vmem_shared>>, %arg11: memref<!tpu.dma_semaphore, #tpu.memory_space<semaphore_mem>>) attributes {dimension_semantics = [#tpu.dimension_semantics<core_parallel>, #tpu.dimension_semantics<subcore_parallel>], iteration_bounds = array<i64: 2, 16>, scalar_prefetch = 0 : i64, scratch_operands = 5 : i64, tpu.core_type = #tpu.core_type<sc_vector_subcore>, window_params = [{transform_indices = #map}, {transform_indices = #map}, {transform_indices = #map}, {transform_indices = #map}, {transform_indices = #map1}]} {
    %mul3A = arith.constant 16 : i32
    %mul3A_0 = arith.muli %arg0, %mul3A : i32
    %add3A = arith.addi %mul3A_0, %arg1 : i32
    %mul3A_1 = arith.constant 632 : i32
    %mul3A_2 = arith.muli %arg1, %mul3A_1 : i32
    %mul3A_3 = arith.constant 632 : i32
    %mul3A_4 = arith.muli %arg1, %mul3A_3 : i32
    "tpu.region"() ({
      %run_scoped3A = tpu.sem_alloc : memref<!tpu.dma_semaphore, #tpu.memory_space<semaphore_mem>>
      %dma_start3A = arith.constant 0 : i32
      %dma_start3A_19 = tpu.memref_slice %arg10[%mul3A_4, %dma_start3A] : memref<10112x128xf32, #tpu.memory_space<vmem_shared>> -> memref<632x128xf32, #tpu.memory_space<vmem_shared>>
      %dma_start3A_20 = arith.constant 0 : i32
      %dma_start3A_21 = tpu.memref_slice %arg5[%mul3A_2, %dma_start3A_20] : memref<10112x128xf32, #tpu.memory_space<hbm>> -> memref<632x128xf32, #tpu.memory_space<hbm>>
      tpu.enqueue_dma source(%dma_start3A_21 : memref<632x128xf32, #tpu.memory_space<hbm>>) target(%dma_start3A_19 : memref<632x128xf32, #tpu.memory_space<vmem_shared>>) target_semaphore(%run_scoped3A : memref<!tpu.dma_semaphore, #tpu.memory_space<semaphore_mem>>)
      %dma_wait3A = arith.constant 0 : i32
      %dma_wait3A_22 = tpu.memref_slice %arg10[%mul3A_4, %dma_wait3A] : memref<10112x128xf32, #tpu.memory_space<vmem_shared>> -> memref<632x128xf32, #tpu.memory_space<vmem_shared>>
      %dma_wait3A_23 = arith.constant 0 : i32
      %dma_wait3A_24 = tpu.memref_slice %arg5[%mul3A_2, %dma_wait3A_23] : memref<10112x128xf32, #tpu.memory_space<hbm>> -> memref<632x128xf32, #tpu.memory_space<hbm>>
      tpu.wait_dma2 semaphore(%run_scoped3A : memref<!tpu.dma_semaphore, #tpu.memory_space<semaphore_mem>>) src(%dma_wait3A_24 : memref<632x128xf32, #tpu.memory_space<hbm>>) dst(%dma_wait3A_22 : memref<632x128xf32, #tpu.memory_space<vmem_shared>>)
      tpu.yield
    }) : () -> ()
    %mul3A_5 = arith.constant 80 : i32
    %mul3A_6 = arith.muli %add3A, %mul3A_5 : i32
    "tpu.region"() ({
      %run_scoped3A = tpu.sem_alloc : memref<!tpu.dma_semaphore, #tpu.memory_space<semaphore_mem>>
      %dma_start3A = arith.constant 0 : i32
      %dma_start3A_19 = tpu.memref_slice %arg3[%mul3A_6, %dma_start3A] : memref<2560x128xi32, #tpu.memory_space<hbm>> -> memref<80x128xi32, #tpu.memory_space<hbm>>
      %dma_start3A_20 = arith.constant 0 : i32
      %dma_start3A_21 = tpu.memref_slice %arg3[%mul3A_6, %dma_start3A_20] : memref<2560x128xi32, #tpu.memory_space<hbm>> -> memref<80x128xi32, #tpu.memory_space<hbm>>
      tpu.enqueue_dma source(%dma_start3A_21 : memref<80x128xi32, #tpu.memory_space<hbm>>) target(%arg7 : memref<80x128xi32, #tpu.memory_space<vmem>>) target_semaphore(%run_scoped3A : memref<!tpu.dma_semaphore, #tpu.memory_space<semaphore_mem>>)
      %dma_wait3A = arith.constant 0 : i32
      %dma_wait3A_22 = tpu.memref_slice %arg3[%mul3A_6, %dma_wait3A] : memref<2560x128xi32, #tpu.memory_space<hbm>> -> memref<80x128xi32, #tpu.memory_space<hbm>>
      %dma_wait3A_23 = arith.constant 0 : i32
      %dma_wait3A_24 = tpu.memref_slice %arg3[%mul3A_6, %dma_wait3A_23] : memref<2560x128xi32, #tpu.memory_space<hbm>> -> memref<80x128xi32, #tpu.memory_space<hbm>>
      tpu.wait_dma2 semaphore(%run_scoped3A : memref<!tpu.dma_semaphore, #tpu.memory_space<semaphore_mem>>) src(%dma_wait3A_24 : memref<80x128xi32, #tpu.memory_space<hbm>>) dst(%arg7 : memref<80x128xi32, #tpu.memory_space<vmem>>)
      tpu.yield
    }) : () -> ()
    %mul3A_7 = arith.constant 80 : i32
    %mul3A_8 = arith.muli %add3A, %mul3A_7 : i32
    "tpu.region"() ({
      %run_scoped3A = tpu.sem_alloc : memref<!tpu.dma_semaphore, #tpu.memory_space<semaphore_mem>>
      %dma_start3A = arith.constant 0 : i32
      %dma_start3A_19 = tpu.memref_slice %arg4[%mul3A_8, %dma_start3A] : memref<2560x128xi32, #tpu.memory_space<hbm>> -> memref<80x128xi32, #tpu.memory_space<hbm>>
      %dma_start3A_20 = arith.constant 0 : i32
      %dma_start3A_21 = tpu.memref_slice %arg4[%mul3A_8, %dma_start3A_20] : memref<2560x128xi32, #tpu.memory_space<hbm>> -> memref<80x128xi32, #tpu.memory_space<hbm>>
      tpu.enqueue_dma source(%dma_start3A_21 : memref<80x128xi32, #tpu.memory_space<hbm>>) target(%arg8 : memref<80x128xi32, #tpu.memory_space<vmem>>) target_semaphore(%run_scoped3A : memref<!tpu.dma_semaphore, #tpu.memory_space<semaphore_mem>>)
      %dma_wait3A = arith.constant 0 : i32
      %dma_wait3A_22 = tpu.memref_slice %arg4[%mul3A_8, %dma_wait3A] : memref<2560x128xi32, #tpu.memory_space<hbm>> -> memref<80x128xi32, #tpu.memory_space<hbm>>
      %dma_wait3A_23 = arith.constant 0 : i32
      %dma_wait3A_24 = tpu.memref_slice %arg4[%mul3A_8, %dma_wait3A_23] : memref<2560x128xi32, #tpu.memory_space<hbm>> -> memref<80x128xi32, #tpu.memory_space<hbm>>
      tpu.wait_dma2 semaphore(%run_scoped3A : memref<!tpu.dma_semaphore, #tpu.memory_space<semaphore_mem>>) src(%dma_wait3A_24 : memref<80x128xi32, #tpu.memory_space<hbm>>) dst(%arg8 : memref<80x128xi32, #tpu.memory_space<vmem>>)
      tpu.yield
    }) : () -> ()
    %barrier3A = arith.constant 0 : index
    tpu.barrier barrier_id(%barrier3A)
    %scan3A = arith.constant 0 : i32
    %scan3A_9 = arith.constant 0 : i32
    %scan3A_10 = arith.constant 80 : i32
    %scan3A_11 = arith.addi %scan3A_9, %scan3A_10 : i32
    %scan3A_12 = arith.constant 1 : i32
    scf.for %scan3A_19 = %scan3A_9 to %scan3A_11 step %scan3A_12  : i32 {
      %dma_start3A = arith.constant 0 : i32
      %dma_start3A_20 = tpu.memref_slice %arg7[%scan3A_19, %dma_start3A] : memref<80x128xi32, #tpu.memory_space<vmem>> -> memref<1x128xi32, #tpu.memory_space<vmem>>
      %dma_start3A_21 = tpu.memref_squeeze %dma_start3A_20 : memref<1x128xi32, #tpu.memory_space<vmem>> -> memref<128xi32, #tpu.memory_space<vmem>>
      %dma_start3A_22 = arith.constant 0 : i32
      %dma_start3A_23 = arith.constant 0 : i32
      %dma_start3A_24 = tpu.memref_slice %arg2[%dma_start3A_22, %dma_start3A_23] : memref<10112x128xf32, #tpu.memory_space<hbm>> -> memref<10112x128xf32, #tpu.memory_space<hbm>>
      tpu.enqueue_indirect_dma source(%dma_start3A_24 : memref<10112x128xf32, #tpu.memory_space<hbm>>) target(%arg9 : memref<128x128xf32, #tpu.memory_space<vmem>>) offsets(%dma_start3A_21 : memref<128xi32, #tpu.memory_space<vmem>>) semaphore(%arg11 : memref<!tpu.dma_semaphore, #tpu.memory_space<semaphore_mem>>)
      %dma_wait3A = arith.constant 0 : i32
      %dma_wait3A_25 = tpu.memref_slice %arg7[%scan3A_19, %dma_wait3A] : memref<80x128xi32, #tpu.memory_space<vmem>> -> memref<1x128xi32, #tpu.memory_space<vmem>>
      %dma_wait3A_26 = tpu.memref_squeeze %dma_wait3A_25 : memref<1x128xi32, #tpu.memory_space<vmem>> -> memref<128xi32, #tpu.memory_space<vmem>>
      %dma_wait3A_27 = arith.constant 0 : i32
      %dma_wait3A_28 = arith.constant 0 : i32
      %dma_wait3A_29 = tpu.memref_slice %arg2[%dma_wait3A_27, %dma_wait3A_28] : memref<10112x128xf32, #tpu.memory_space<hbm>> -> memref<10112x128xf32, #tpu.memory_space<hbm>>
      tpu.wait_indirect_dma semaphore(%arg11 : memref<!tpu.dma_semaphore, #tpu.memory_space<semaphore_mem>>) src(%dma_wait3A_29 : memref<10112x128xf32, #tpu.memory_space<hbm>>) dst(%arg9 : memref<128x128xf32, #tpu.memory_space<vmem>>)
      "tpu.region"() ({
        %run_scoped3A = tpu.sem_alloc : memref<!tpu.dma_semaphore, #tpu.memory_space<semaphore_mem>>
        %dma_start3A_30 = arith.constant 0 : i32
        %dma_start3A_31 = tpu.memref_slice %arg8[%scan3A_19, %dma_start3A_30] : memref<80x128xi32, #tpu.memory_space<vmem>> -> memref<1x128xi32, #tpu.memory_space<vmem>>
        %dma_start3A_32 = tpu.memref_squeeze %dma_start3A_31 : memref<1x128xi32, #tpu.memory_space<vmem>> -> memref<128xi32, #tpu.memory_space<vmem>>
        %dma_start3A_33 = arith.constant 0 : i32
        %dma_start3A_34 = arith.constant 0 : i32
        %dma_start3A_35 = tpu.memref_slice %arg10[%dma_start3A_33, %dma_start3A_34] : memref<10112x128xf32, #tpu.memory_space<vmem_shared>> -> memref<10112x128xf32, #tpu.memory_space<vmem_shared>>
        tpu.enqueue_indirect_dma source(%arg9 : memref<128x128xf32, #tpu.memory_space<vmem>>) target(%dma_start3A_35 : memref<10112x128xf32, #tpu.memory_space<vmem_shared>>) offsets(%dma_start3A_32 : memref<128xi32, #tpu.memory_space<vmem>>) semaphore(%run_scoped3A : memref<!tpu.dma_semaphore, #tpu.memory_space<semaphore_mem>>) {add = true}
        %dma_wait3A_36 = arith.constant 0 : i32
        %dma_wait3A_37 = tpu.memref_slice %arg8[%scan3A_19, %dma_wait3A_36] : memref<80x128xi32, #tpu.memory_space<vmem>> -> memref<1x128xi32, #tpu.memory_space<vmem>>
        %dma_wait3A_38 = tpu.memref_squeeze %dma_wait3A_37 : memref<1x128xi32, #tpu.memory_space<vmem>> -> memref<128xi32, #tpu.memory_space<vmem>>
        %dma_wait3A_39 = arith.constant 0 : i32
        %dma_wait3A_40 = arith.constant 0 : i32
        %dma_wait3A_41 = tpu.memref_slice %arg10[%dma_wait3A_39, %dma_wait3A_40] : memref<10112x128xf32, #tpu.memory_space<vmem_shared>> -> memref<10112x128xf32, #tpu.memory_space<vmem_shared>>
        tpu.wait_indirect_dma semaphore(%run_scoped3A : memref<!tpu.dma_semaphore, #tpu.memory_space<semaphore_mem>>) src(%arg9 : memref<128x128xf32, #tpu.memory_space<vmem>>) dst(%dma_wait3A_41 : memref<10112x128xf32, #tpu.memory_space<vmem_shared>>)
        tpu.yield
      }) : () -> ()
    }
    %scan3A_13 = arith.constant 80 : i32
    %barrier3A_14 = arith.constant 0 : index
    tpu.barrier barrier_id(%barrier3A_14)
    %mul3A_15 = arith.constant 632 : i32
    %mul3A_16 = arith.muli %arg1, %mul3A_15 : i32
    %mul3A_17 = arith.constant 632 : i32
    %mul3A_18 = arith.muli %arg1, %mul3A_17 : i32
    "tpu.region"() ({
      %run_scoped3A = tpu.sem_alloc : memref<!tpu.dma_semaphore, #tpu.memory_space<semaphore_mem>>
      %dma_start3A = arith.constant 0 : i32
      %dma_start3A_19 = tpu.memref_slice %arg6[%arg0, %mul3A_18, %dma_start3A] : memref<2x10112x128xf32, #tpu.memory_space<hbm>> -> memref<1x632x128xf32, #tpu.memory_space<hbm>>
      %dma_start3A_20 = tpu.memref_squeeze %dma_start3A_19 : memref<1x632x128xf32, #tpu.memory_space<hbm>> -> memref<632x128xf32, #tpu.memory_space<hbm>>
      %dma_start3A_21 = arith.constant 0 : i32
      %dma_start3A_22 = tpu.memref_slice %arg10[%mul3A_16, %dma_start3A_21] : memref<10112x128xf32, #tpu.memory_space<vmem_shared>> -> memref<632x128xf32, #tpu.memory_space<vmem_shared>>
      tpu.enqueue_dma source(%dma_start3A_22 : memref<632x128xf32, #tpu.memory_space<vmem_shared>>) target(%dma_start3A_20 : memref<632x128xf32, #tpu.memory_space<hbm>>) target_semaphore(%run_scoped3A : memref<!tpu.dma_semaphore, #tpu.memory_space<semaphore_mem>>)
      %dma_wait3A = arith.constant 0 : i32
      %dma_wait3A_23 = tpu.memref_slice %arg6[%arg0, %mul3A_18, %dma_wait3A] : memref<2x10112x128xf32, #tpu.memory_space<hbm>> -> memref<1x632x128xf32, #tpu.memory_space<hbm>>
      %dma_wait3A_24 = tpu.memref_squeeze %dma_wait3A_23 : memref<1x632x128xf32, #tpu.memory_space<hbm>> -> memref<632x128xf32, #tpu.memory_space<hbm>>
      %dma_wait3A_25 = arith.constant 0 : i32
      %dma_wait3A_26 = tpu.memref_slice %arg10[%mul3A_16, %dma_wait3A_25] : memref<10112x128xf32, #tpu.memory_space<vmem_shared>> -> memref<632x128xf32, #tpu.memory_space<vmem_shared>>
      tpu.wait_dma2 semaphore(%run_scoped3A : memref<!tpu.dma_semaphore, #tpu.memory_space<semaphore_mem>>) src(%dma_wait3A_26 : memref<632x128xf32, #tpu.memory_space<vmem_shared>>) dst(%dma_wait3A_24 : memref<632x128xf32, #tpu.memory_space<hbm>>)
      tpu.yield
    }) : () -> ()
    return
  }
}

#map = affine_map<(d0, d1) -> (0, 0)>
#map1 = affine_map<(d0, d1) -> (0, 0, 0)>
module attributes {stable_mosaic.version = 14 : i64} {
  func.func @_conv_wide(%arg0: i32, %arg1: i32, %arg2: memref<10112x128xf32, #tpu.memory_space<hbm>>, %arg3: memref<2560x128xi32, #tpu.memory_space<hbm>>, %arg4: memref<2560x128xi32, #tpu.memory_space<hbm>>, %arg5: memref<10112x128xf32, #tpu.memory_space<hbm>>, %arg6: memref<2x10112x128xf32, #tpu.memory_space<hbm>>, %arg7: memref<80x128xi32, #tpu.memory_space<vmem>>, %arg8: memref<80x128xi32, #tpu.memory_space<vmem>>, %arg9: memref<128x128xf32, #tpu.memory_space<vmem>>, %arg10: memref<10112x128xf32, #tpu.memory_space<vmem_shared>>, %arg11: memref<!tpu.dma_semaphore, #tpu.memory_space<semaphore_mem>>) attributes {dimension_semantics = [#tpu.dimension_semantics<core_parallel>, #tpu.dimension_semantics<subcore_parallel>], iteration_bounds = array<i64: 2, 16>, scalar_prefetch = 0 : i64, scratch_operands = 5 : i64, tpu.core_type = #tpu.core_type<sc_vector_subcore>, window_params = [{transform_indices = #map}, {transform_indices = #map}, {transform_indices = #map}, {transform_indices = #map}, {transform_indices = #map1}]} {
    %mul3A = arith.constant 16 : i32
    %mul3A_0 = arith.muli %arg0, %mul3A : i32
    %add3A = arith.addi %mul3A_0, %arg1 : i32
    %mul3A_1 = arith.constant 632 : i32
    %mul3A_2 = arith.muli %arg1, %mul3A_1 : i32
    %mul3A_3 = arith.constant 632 : i32
    %mul3A_4 = arith.muli %arg1, %mul3A_3 : i32
    "tpu.region"() ({
      %run_scoped3A = tpu.sem_alloc : memref<!tpu.dma_semaphore, #tpu.memory_space<semaphore_mem>>
      %dma_start3A = arith.constant 0 : i32
      %dma_start3A_19 = tpu.memref_slice %arg10[%mul3A_4, %dma_start3A] : memref<10112x128xf32, #tpu.memory_space<vmem_shared>> -> memref<632x128xf32, #tpu.memory_space<vmem_shared>>
      %dma_start3A_20 = arith.constant 0 : i32
      %dma_start3A_21 = tpu.memref_slice %arg5[%mul3A_2, %dma_start3A_20] : memref<10112x128xf32, #tpu.memory_space<hbm>> -> memref<632x128xf32, #tpu.memory_space<hbm>>
      tpu.enqueue_dma source(%dma_start3A_21 : memref<632x128xf32, #tpu.memory_space<hbm>>) target(%dma_start3A_19 : memref<632x128xf32, #tpu.memory_space<vmem_shared>>) target_semaphore(%run_scoped3A : memref<!tpu.dma_semaphore, #tpu.memory_space<semaphore_mem>>)
      %dma_wait3A = arith.constant 0 : i32
      %dma_wait3A_22 = tpu.memref_slice %arg10[%mul3A_4, %dma_wait3A] : memref<10112x128xf32, #tpu.memory_space<vmem_shared>> -> memref<632x128xf32, #tpu.memory_space<vmem_shared>>
      %dma_wait3A_23 = arith.constant 0 : i32
      %dma_wait3A_24 = tpu.memref_slice %arg5[%mul3A_2, %dma_wait3A_23] : memref<10112x128xf32, #tpu.memory_space<hbm>> -> memref<632x128xf32, #tpu.memory_space<hbm>>
      tpu.wait_dma2 semaphore(%run_scoped3A : memref<!tpu.dma_semaphore, #tpu.memory_space<semaphore_mem>>) src(%dma_wait3A_24 : memref<632x128xf32, #tpu.memory_space<hbm>>) dst(%dma_wait3A_22 : memref<632x128xf32, #tpu.memory_space<vmem_shared>>)
      tpu.yield
    }) : () -> ()
    %mul3A_5 = arith.constant 80 : i32
    %mul3A_6 = arith.muli %add3A, %mul3A_5 : i32
    "tpu.region"() ({
      %run_scoped3A = tpu.sem_alloc : memref<!tpu.dma_semaphore, #tpu.memory_space<semaphore_mem>>
      %dma_start3A = arith.constant 0 : i32
      %dma_start3A_19 = tpu.memref_slice %arg3[%mul3A_6, %dma_start3A] : memref<2560x128xi32, #tpu.memory_space<hbm>> -> memref<80x128xi32, #tpu.memory_space<hbm>>
      %dma_start3A_20 = arith.constant 0 : i32
      %dma_start3A_21 = tpu.memref_slice %arg3[%mul3A_6, %dma_start3A_20] : memref<2560x128xi32, #tpu.memory_space<hbm>> -> memref<80x128xi32, #tpu.memory_space<hbm>>
      tpu.enqueue_dma source(%dma_start3A_21 : memref<80x128xi32, #tpu.memory_space<hbm>>) target(%arg7 : memref<80x128xi32, #tpu.memory_space<vmem>>) target_semaphore(%run_scoped3A : memref<!tpu.dma_semaphore, #tpu.memory_space<semaphore_mem>>)
      %dma_wait3A = arith.constant 0 : i32
      %dma_wait3A_22 = tpu.memref_slice %arg3[%mul3A_6, %dma_wait3A] : memref<2560x128xi32, #tpu.memory_space<hbm>> -> memref<80x128xi32, #tpu.memory_space<hbm>>
      %dma_wait3A_23 = arith.constant 0 : i32
      %dma_wait3A_24 = tpu.memref_slice %arg3[%mul3A_6, %dma_wait3A_23] : memref<2560x128xi32, #tpu.memory_space<hbm>> -> memref<80x128xi32, #tpu.memory_space<hbm>>
      tpu.wait_dma2 semaphore(%run_scoped3A : memref<!tpu.dma_semaphore, #tpu.memory_space<semaphore_mem>>) src(%dma_wait3A_24 : memref<80x128xi32, #tpu.memory_space<hbm>>) dst(%arg7 : memref<80x128xi32, #tpu.memory_space<vmem>>)
      tpu.yield
    }) : () -> ()
    %mul3A_7 = arith.constant 80 : i32
    %mul3A_8 = arith.muli %add3A, %mul3A_7 : i32
    "tpu.region"() ({
      %run_scoped3A = tpu.sem_alloc : memref<!tpu.dma_semaphore, #tpu.memory_space<semaphore_mem>>
      %dma_start3A = arith.constant 0 : i32
      %dma_start3A_19 = tpu.memref_slice %arg4[%mul3A_8, %dma_start3A] : memref<2560x128xi32, #tpu.memory_space<hbm>> -> memref<80x128xi32, #tpu.memory_space<hbm>>
      %dma_start3A_20 = arith.constant 0 : i32
      %dma_start3A_21 = tpu.memref_slice %arg4[%mul3A_8, %dma_start3A_20] : memref<2560x128xi32, #tpu.memory_space<hbm>> -> memref<80x128xi32, #tpu.memory_space<hbm>>
      tpu.enqueue_dma source(%dma_start3A_21 : memref<80x128xi32, #tpu.memory_space<hbm>>) target(%arg8 : memref<80x128xi32, #tpu.memory_space<vmem>>) target_semaphore(%run_scoped3A : memref<!tpu.dma_semaphore, #tpu.memory_space<semaphore_mem>>)
      %dma_wait3A = arith.constant 0 : i32
      %dma_wait3A_22 = tpu.memref_slice %arg4[%mul3A_8, %dma_wait3A] : memref<2560x128xi32, #tpu.memory_space<hbm>> -> memref<80x128xi32, #tpu.memory_space<hbm>>
      %dma_wait3A_23 = arith.constant 0 : i32
      %dma_wait3A_24 = tpu.memref_slice %arg4[%mul3A_8, %dma_wait3A_23] : memref<2560x128xi32, #tpu.memory_space<hbm>> -> memref<80x128xi32, #tpu.memory_space<hbm>>
      tpu.wait_dma2 semaphore(%run_scoped3A : memref<!tpu.dma_semaphore, #tpu.memory_space<semaphore_mem>>) src(%dma_wait3A_24 : memref<80x128xi32, #tpu.memory_space<hbm>>) dst(%arg8 : memref<80x128xi32, #tpu.memory_space<vmem>>)
      tpu.yield
    }) : () -> ()
    %barrier3A = arith.constant 0 : index
    tpu.barrier barrier_id(%barrier3A)
    %scan3A = arith.constant 0 : i32
    %scan3A_9 = arith.constant 0 : i32
    %scan3A_10 = arith.constant 80 : i32
    %scan3A_11 = arith.addi %scan3A_9, %scan3A_10 : i32
    %scan3A_12 = arith.constant 1 : i32
    scf.for %scan3A_19 = %scan3A_9 to %scan3A_11 step %scan3A_12  : i32 {
      %dma_start3A = arith.constant 0 : i32
      %dma_start3A_20 = tpu.memref_slice %arg7[%scan3A_19, %dma_start3A] : memref<80x128xi32, #tpu.memory_space<vmem>> -> memref<1x128xi32, #tpu.memory_space<vmem>>
      %dma_start3A_21 = tpu.memref_squeeze %dma_start3A_20 : memref<1x128xi32, #tpu.memory_space<vmem>> -> memref<128xi32, #tpu.memory_space<vmem>>
      %dma_start3A_22 = arith.constant 0 : i32
      %dma_start3A_23 = arith.constant 0 : i32
      %dma_start3A_24 = tpu.memref_slice %arg2[%dma_start3A_22, %dma_start3A_23] : memref<10112x128xf32, #tpu.memory_space<hbm>> -> memref<10112x128xf32, #tpu.memory_space<hbm>>
      tpu.enqueue_indirect_dma source(%dma_start3A_24 : memref<10112x128xf32, #tpu.memory_space<hbm>>) target(%arg9 : memref<128x128xf32, #tpu.memory_space<vmem>>) offsets(%dma_start3A_21 : memref<128xi32, #tpu.memory_space<vmem>>) semaphore(%arg11 : memref<!tpu.dma_semaphore, #tpu.memory_space<semaphore_mem>>)
      %dma_wait3A = arith.constant 0 : i32
      %dma_wait3A_25 = tpu.memref_slice %arg7[%scan3A_19, %dma_wait3A] : memref<80x128xi32, #tpu.memory_space<vmem>> -> memref<1x128xi32, #tpu.memory_space<vmem>>
      %dma_wait3A_26 = tpu.memref_squeeze %dma_wait3A_25 : memref<1x128xi32, #tpu.memory_space<vmem>> -> memref<128xi32, #tpu.memory_space<vmem>>
      %dma_wait3A_27 = arith.constant 0 : i32
      %dma_wait3A_28 = arith.constant 0 : i32
      %dma_wait3A_29 = tpu.memref_slice %arg2[%dma_wait3A_27, %dma_wait3A_28] : memref<10112x128xf32, #tpu.memory_space<hbm>> -> memref<10112x128xf32, #tpu.memory_space<hbm>>
      tpu.wait_indirect_dma semaphore(%arg11 : memref<!tpu.dma_semaphore, #tpu.memory_space<semaphore_mem>>) src(%dma_wait3A_29 : memref<10112x128xf32, #tpu.memory_space<hbm>>) dst(%arg9 : memref<128x128xf32, #tpu.memory_space<vmem>>)
      "tpu.region"() ({
        %run_scoped3A = tpu.sem_alloc : memref<!tpu.dma_semaphore, #tpu.memory_space<semaphore_mem>>
        %dma_start3A_30 = arith.constant 0 : i32
        %dma_start3A_31 = tpu.memref_slice %arg8[%scan3A_19, %dma_start3A_30] : memref<80x128xi32, #tpu.memory_space<vmem>> -> memref<1x128xi32, #tpu.memory_space<vmem>>
        %dma_start3A_32 = tpu.memref_squeeze %dma_start3A_31 : memref<1x128xi32, #tpu.memory_space<vmem>> -> memref<128xi32, #tpu.memory_space<vmem>>
        %dma_start3A_33 = arith.constant 0 : i32
        %dma_start3A_34 = arith.constant 0 : i32
        %dma_start3A_35 = tpu.memref_slice %arg10[%dma_start3A_33, %dma_start3A_34] : memref<10112x128xf32, #tpu.memory_space<vmem_shared>> -> memref<10112x128xf32, #tpu.memory_space<vmem_shared>>
        tpu.enqueue_indirect_dma source(%arg9 : memref<128x128xf32, #tpu.memory_space<vmem>>) target(%dma_start3A_35 : memref<10112x128xf32, #tpu.memory_space<vmem_shared>>) offsets(%dma_start3A_32 : memref<128xi32, #tpu.memory_space<vmem>>) semaphore(%run_scoped3A : memref<!tpu.dma_semaphore, #tpu.memory_space<semaphore_mem>>) {add = true}
        %dma_wait3A_36 = arith.constant 0 : i32
        %dma_wait3A_37 = tpu.memref_slice %arg8[%scan3A_19, %dma_wait3A_36] : memref<80x128xi32, #tpu.memory_space<vmem>> -> memref<1x128xi32, #tpu.memory_space<vmem>>
        %dma_wait3A_38 = tpu.memref_squeeze %dma_wait3A_37 : memref<1x128xi32, #tpu.memory_space<vmem>> -> memref<128xi32, #tpu.memory_space<vmem>>
        %dma_wait3A_39 = arith.constant 0 : i32
        %dma_wait3A_40 = arith.constant 0 : i32
        %dma_wait3A_41 = tpu.memref_slice %arg10[%dma_wait3A_39, %dma_wait3A_40] : memref<10112x128xf32, #tpu.memory_space<vmem_shared>> -> memref<10112x128xf32, #tpu.memory_space<vmem_shared>>
        tpu.wait_indirect_dma semaphore(%run_scoped3A : memref<!tpu.dma_semaphore, #tpu.memory_space<semaphore_mem>>) src(%arg9 : memref<128x128xf32, #tpu.memory_space<vmem>>) dst(%dma_wait3A_41 : memref<10112x128xf32, #tpu.memory_space<vmem_shared>>)
        tpu.yield
      }) : () -> ()
    }
    %scan3A_13 = arith.constant 80 : i32
    %barrier3A_14 = arith.constant 0 : index
    tpu.barrier barrier_id(%barrier3A_14)
    %mul3A_15 = arith.constant 632 : i32
    %mul3A_16 = arith.muli %arg1, %mul3A_15 : i32
    %mul3A_17 = arith.constant 632 : i32
    %mul3A_18 = arith.muli %arg1, %mul3A_17 : i32
    "tpu.region"() ({
      %run_scoped3A = tpu.sem_alloc : memref<!tpu.dma_semaphore, #tpu.memory_space<semaphore_mem>>
      %dma_start3A = arith.constant 0 : i32
      %dma_start3A_19 = tpu.memref_slice %arg6[%arg0, %mul3A_18, %dma_start3A] : memref<2x10112x128xf32, #tpu.memory_space<hbm>> -> memref<1x632x128xf32, #tpu.memory_space<hbm>>
      %dma_start3A_20 = tpu.memref_squeeze %dma_start3A_19 : memref<1x632x128xf32, #tpu.memory_space<hbm>> -> memref<632x128xf32, #tpu.memory_space<hbm>>
      %dma_start3A_21 = arith.constant 0 : i32
      %dma_start3A_22 = tpu.memref_slice %arg10[%mul3A_16, %dma_start3A_21] : memref<10112x128xf32, #tpu.memory_space<vmem_shared>> -> memref<632x128xf32, #tpu.memory_space<vmem_shared>>
      tpu.enqueue_dma source(%dma_start3A_22 : memref<632x128xf32, #tpu.memory_space<vmem_shared>>) target(%dma_start3A_20 : memref<632x128xf32, #tpu.memory_space<hbm>>) target_semaphore(%run_scoped3A : memref<!tpu.dma_semaphore, #tpu.memory_space<semaphore_mem>>)
      %dma_wait3A = arith.constant 0 : i32
      %dma_wait3A_23 = tpu.memref_slice %arg6[%arg0, %mul3A_18, %dma_wait3A] : memref<2x10112x128xf32, #tpu.memory_space<hbm>> -> memref<1x632x128xf32, #tpu.memory_space<hbm>>
      %dma_wait3A_24 = tpu.memref_squeeze %dma_wait3A_23 : memref<1x632x128xf32, #tpu.memory_space<hbm>> -> memref<632x128xf32, #tpu.memory_space<hbm>>
      %dma_wait3A_25 = arith.constant 0 : i32
      %dma_wait3A_26 = tpu.memref_slice %arg10[%mul3A_16, %dma_wait3A_25] : memref<10112x128xf32, #tpu.memory_space<vmem_shared>> -> memref<632x128xf32, #tpu.memory_space<vmem_shared>>
      tpu.wait_dma2 semaphore(%run_scoped3A : memref<!tpu.dma_semaphore, #tpu.memory_space<semaphore_mem>>) src(%dma_wait3A_26 : memref<632x128xf32, #tpu.memory_space<vmem_shared>>) dst(%dma_wait3A_24 : memref<632x128xf32, #tpu.memory_space<hbm>>)
      tpu.yield
    }) : () -> ()
    return
  }
}

#map = affine_map<(d0, d1) -> (0)>
module attributes {stable_mosaic.version = 14 : i64} {
  func.func @_pool(%arg0: i32, %arg1: i32, %arg2: memref<327680xf32, #tpu.memory_space<hbm>>, %arg3: memref<10240xi32, #tpu.memory_space<hbm>>, %arg4: memref<131072xf32, #tpu.memory_space<hbm>>, %arg5: memref<131072xf32, #tpu.memory_space<hbm>>, %arg6: memref<10240xf32, #tpu.memory_space<vmem>>, %arg7: memref<320xi32, #tpu.memory_space<vmem>>, %arg8: memref<4352xf32, #tpu.memory_space<vmem>>, %arg9: memref<4352xf32, #tpu.memory_space<vmem>>) attributes {dimension_semantics = [#tpu.dimension_semantics<core_parallel>, #tpu.dimension_semantics<subcore_parallel>], iteration_bounds = array<i64: 2, 16>, scalar_prefetch = 0 : i64, scratch_operands = 4 : i64, tpu.core_type = #tpu.core_type<sc_vector_subcore>, window_params = [{transform_indices = #map}, {transform_indices = #map}, {transform_indices = #map}, {transform_indices = #map}]} {
    %mul3A = arith.constant 16 : i32
    %mul3A_0 = arith.muli %arg0, %mul3A : i32
    %add3A = arith.addi %mul3A_0, %arg1 : i32
    %mul3A_1 = arith.constant 10240 : i32
    %mul3A_2 = arith.muli %add3A, %mul3A_1 : i32
    "tpu.region"() ({
      %run_scoped3A = tpu.sem_alloc : memref<!tpu.dma_semaphore, #tpu.memory_space<semaphore_mem>>
      %dma_start3A = tpu.memref_slice %arg2[%mul3A_2] : memref<327680xf32, #tpu.memory_space<hbm>> -> memref<10240xf32, #tpu.memory_space<hbm>>
      %dma_start3A_23 = tpu.memref_slice %arg2[%mul3A_2] : memref<327680xf32, #tpu.memory_space<hbm>> -> memref<10240xf32, #tpu.memory_space<hbm>>
      tpu.enqueue_dma source(%dma_start3A_23 : memref<10240xf32, #tpu.memory_space<hbm>>) target(%arg6 : memref<10240xf32, #tpu.memory_space<vmem>>) target_semaphore(%run_scoped3A : memref<!tpu.dma_semaphore, #tpu.memory_space<semaphore_mem>>)
      %dma_wait3A = tpu.memref_slice %arg2[%mul3A_2] : memref<327680xf32, #tpu.memory_space<hbm>> -> memref<10240xf32, #tpu.memory_space<hbm>>
      %dma_wait3A_24 = tpu.memref_slice %arg2[%mul3A_2] : memref<327680xf32, #tpu.memory_space<hbm>> -> memref<10240xf32, #tpu.memory_space<hbm>>
      tpu.wait_dma2 semaphore(%run_scoped3A : memref<!tpu.dma_semaphore, #tpu.memory_space<semaphore_mem>>) src(%dma_wait3A_24 : memref<10240xf32, #tpu.memory_space<hbm>>) dst(%arg6 : memref<10240xf32, #tpu.memory_space<vmem>>)
      tpu.yield
    }) : () -> ()
    %mul3A_3 = arith.constant 320 : i32
    %mul3A_4 = arith.muli %add3A, %mul3A_3 : i32
    "tpu.region"() ({
      %run_scoped3A = tpu.sem_alloc : memref<!tpu.dma_semaphore, #tpu.memory_space<semaphore_mem>>
      %dma_start3A = tpu.memref_slice %arg3[%mul3A_4] : memref<10240xi32, #tpu.memory_space<hbm>> -> memref<320xi32, #tpu.memory_space<hbm>>
      %dma_start3A_23 = tpu.memref_slice %arg3[%mul3A_4] : memref<10240xi32, #tpu.memory_space<hbm>> -> memref<320xi32, #tpu.memory_space<hbm>>
      tpu.enqueue_dma source(%dma_start3A_23 : memref<320xi32, #tpu.memory_space<hbm>>) target(%arg7 : memref<320xi32, #tpu.memory_space<vmem>>) target_semaphore(%run_scoped3A : memref<!tpu.dma_semaphore, #tpu.memory_space<semaphore_mem>>)
      %dma_wait3A = tpu.memref_slice %arg3[%mul3A_4] : memref<10240xi32, #tpu.memory_space<hbm>> -> memref<320xi32, #tpu.memory_space<hbm>>
      %dma_wait3A_24 = tpu.memref_slice %arg3[%mul3A_4] : memref<10240xi32, #tpu.memory_space<hbm>> -> memref<320xi32, #tpu.memory_space<hbm>>
      tpu.wait_dma2 semaphore(%run_scoped3A : memref<!tpu.dma_semaphore, #tpu.memory_space<semaphore_mem>>) src(%dma_wait3A_24 : memref<320xi32, #tpu.memory_space<hbm>>) dst(%arg7 : memref<320xi32, #tpu.memory_space<vmem>>)
      tpu.yield
    }) : () -> ()
    %broadcast_in_dim3A = arith.constant 0.000000e+00 : f32
    %broadcast_in_dim3A_5 = vector.broadcast %broadcast_in_dim3A : f32 to vector<16xf32>
    %broadcast_in_dim3A_6 = arith.constant 0xFF800000 : f32
    %broadcast_in_dim3A_7 = vector.broadcast %broadcast_in_dim3A_6 : f32 to vector<16xf32>
    %scan3A = arith.constant 0 : i32
    %scan3A_8 = arith.constant 0 : i32
    %scan3A_9 = arith.constant 272 : i32
    %scan3A_10 = arith.addi %scan3A_8, %scan3A_9 : i32
    %scan3A_11 = arith.constant 1 : i32
    scf.for %scan3A_23 = %scan3A_8 to %scan3A_10 step %scan3A_11  : i32 {
      %mul3A_24 = arith.constant 16 : i32
      %mul3A_25 = arith.muli %scan3A_23, %mul3A_24 : i32
      %swap3A = arith.index_cast %mul3A_25 : i32 to index
      %swap3A_26 = tpu.vector_load %arg8[%swap3A] {strides = array<i32>} : memref<4352xf32, #tpu.memory_space<vmem>>, vector<16xf32>,
      %swap3A_27 = vector.shape_cast %swap3A_26 : vector<16xf32> to vector<16xf32>
      %swap3A_28 = vector.shape_cast %broadcast_in_dim3A_5 : vector<16xf32> to vector<16xf32>
      tpu.vector_store %arg8[%swap3A], %swap3A_28 {strides = array<i32>} : memref<4352xf32, #tpu.memory_space<vmem>>, vector<16xf32>,
      %mul3A_29 = arith.constant 16 : i32
      %mul3A_30 = arith.muli %scan3A_23, %mul3A_29 : i32
      %swap3A_31 = arith.index_cast %mul3A_30 : i32 to index
      %swap3A_32 = tpu.vector_load %arg9[%swap3A_31] {strides = array<i32>} : memref<4352xf32, #tpu.memory_space<vmem>>, vector<16xf32>,
      %swap3A_33 = vector.shape_cast %swap3A_32 : vector<16xf32> to vector<16xf32>
      %swap3A_34 = vector.shape_cast %broadcast_in_dim3A_7 : vector<16xf32> to vector<16xf32>
      tpu.vector_store %arg9[%swap3A_31], %swap3A_34 {strides = array<i32>} : memref<4352xf32, #tpu.memory_space<vmem>>, vector<16xf32>,
    }
    %scan3A_12 = arith.constant 272 : i32
    %scan3A_13 = arith.constant 0 : i32
    %scan3A_14 = arith.constant 0 : i32
    %scan3A_15 = arith.constant 20 : i32
    %scan3A_16 = arith.addi %scan3A_14, %scan3A_15 : i32
    %scan3A_17 = arith.constant 1 : i32
    scf.for %scan3A_23 = %scan3A_14 to %scan3A_16 step %scan3A_17  : i32 {
      %mul3A_24 = arith.constant 16 : i32
      %mul3A_25 = arith.muli %scan3A_23, %mul3A_24 : i32
      %get3A = arith.index_cast %mul3A_25 : i32 to index
      %get3A_26 = tpu.vector_load %arg7[%get3A] {strides = array<i32>} : memref<320xi32, #tpu.memory_space<vmem>>, vector<16xi32>,
      %get3A_27 = vector.shape_cast %get3A_26 : vector<16xi32> to vector<16xi32>
      %slice3A = vector.extract_strided_slice %get3A_27 {offsets = [0], sizes = [1], strides = [1]} : vector<16xi32> to vector<1xi32>
      %squeeze3A = vector.extract %slice3A[0] : i32 from vector<1xi32>
      %mul3A_28 = arith.constant 16 : i32
      %mul3A_29 = arith.muli %scan3A_23, %mul3A_28 : i32
      %add3A_30 = arith.constant 0 : i32
      %add3A_31 = arith.addi %mul3A_29, %add3A_30 : i32
      %mul3A_32 = arith.constant 32 : i32
      %mul3A_33 = arith.muli %add3A_31, %mul3A_32 : i32
      %add3A_34 = arith.constant 0 : i32
      %add3A_35 = arith.addi %mul3A_33, %add3A_34 : i32
      %get3A_36 = arith.index_cast %add3A_35 : i32 to index
      %get3A_37 = tpu.vector_load %arg6[%get3A_36] {strides = array<i32>} : memref<10240xf32, #tpu.memory_space<vmem>>, vector<16xf32>,
      %get3A_38 = vector.shape_cast %get3A_37 : vector<16xf32> to vector<16xf32>
      %mul3A_39 = arith.constant 32 : i32
      %mul3A_40 = arith.muli %squeeze3A, %mul3A_39 : i32
      %add3A_41 = arith.constant 0 : i32
      %add3A_42 = arith.addi %mul3A_40, %add3A_41 : i32
      %get3A_43 = arith.index_cast %add3A_42 : i32 to index
      %get3A_44 = tpu.vector_load %arg8[%get3A_43] {strides = array<i32>} : memref<4352xf32, #tpu.memory_space<vmem>>, vector<16xf32>,
      %get3A_45 = vector.shape_cast %get3A_44 : vector<16xf32> to vector<16xf32>
      %add3A_46 = arith.addf %get3A_45, %get3A_38 : vector<16xf32>
      %swap3A = arith.index_cast %add3A_42 : i32 to index
      %swap3A_47 = tpu.vector_load %arg8[%swap3A] {strides = array<i32>} : memref<4352xf32, #tpu.memory_space<vmem>>, vector<16xf32>,
      %swap3A_48 = vector.shape_cast %swap3A_47 : vector<16xf32> to vector<16xf32>
      %swap3A_49 = vector.shape_cast %add3A_46 : vector<16xf32> to vector<16xf32>
      tpu.vector_store %arg8[%swap3A], %swap3A_49 {strides = array<i32>} : memref<4352xf32, #tpu.memory_space<vmem>>, vector<16xf32>,
      %get3A_50 = arith.index_cast %add3A_42 : i32 to index
      %get3A_51 = tpu.vector_load %arg9[%get3A_50] {strides = array<i32>} : memref<4352xf32, #tpu.memory_space<vmem>>, vector<16xf32>,
      %get3A_52 = vector.shape_cast %get3A_51 : vector<16xf32> to vector<16xf32>
      %max3A = arith.maximumf %get3A_52, %get3A_38 : vector<16xf32>
      %swap3A_53 = arith.index_cast %add3A_42 : i32 to index
      %swap3A_54 = tpu.vector_load %arg9[%swap3A_53] {strides = array<i32>} : memref<4352xf32, #tpu.memory_space<vmem>>, vector<16xf32>,
      %swap3A_55 = vector.shape_cast %swap3A_54 : vector<16xf32> to vector<16xf32>
      %swap3A_56 = vector.shape_cast %max3A : vector<16xf32> to vector<16xf32>
      tpu.vector_store %arg9[%swap3A_53], %swap3A_56 {strides = array<i32>} : memref<4352xf32, #tpu.memory_space<vmem>>, vector<16xf32>,
      %mul3A_57 = arith.constant 32 : i32
      %mul3A_58 = arith.muli %add3A_31, %mul3A_57 : i32
      %add3A_59 = arith.constant 16 : i32
      %add3A_60 = arith.addi %mul3A_58, %add3A_59 : i32
      %get3A_61 = arith.index_cast %add3A_60 : i32 to index
      %get3A_62 = tpu.vector_load %arg6[%get3A_61] {strides = array<i32>} : memref<10240xf32, #tpu.memory_space<vmem>>, vector<16xf32>,
      %get3A_63 = vector.shape_cast %get3A_62 : vector<16xf32> to vector<16xf32>
      %mul3A_64 = arith.constant 32 : i32
      %mul3A_65 = arith.muli %squeeze3A, %mul3A_64 : i32
      %add3A_66 = arith.constant 16 : i32
      %add3A_67 = arith.addi %mul3A_65, %add3A_66 : i32
      %get3A_68 = arith.index_cast %add3A_67 : i32 to index
      %get3A_69 = tpu.vector_load %arg8[%get3A_68] {strides = array<i32>} : memref<4352xf32, #tpu.memory_space<vmem>>, vector<16xf32>,
      %get3A_70 = vector.shape_cast %get3A_69 : vector<16xf32> to vector<16xf32>
      %add3A_71 = arith.addf %get3A_70, %get3A_63 : vector<16xf32>
      %swap3A_72 = arith.index_cast %add3A_67 : i32 to index
      %swap3A_73 = tpu.vector_load %arg8[%swap3A_72] {strides = array<i32>} : memref<4352xf32, #tpu.memory_space<vmem>>, vector<16xf32>,
      %swap3A_74 = vector.shape_cast %swap3A_73 : vector<16xf32> to vector<16xf32>
      %swap3A_75 = vector.shape_cast %add3A_71 : vector<16xf32> to vector<16xf32>
      tpu.vector_store %arg8[%swap3A_72], %swap3A_75 {strides = array<i32>} : memref<4352xf32, #tpu.memory_space<vmem>>, vector<16xf32>,
      %get3A_76 = arith.index_cast %add3A_67 : i32 to index
      %get3A_77 = tpu.vector_load %arg9[%get3A_76] {strides = array<i32>} : memref<4352xf32, #tpu.memory_space<vmem>>, vector<16xf32>,
      %get3A_78 = vector.shape_cast %get3A_77 : vector<16xf32> to vector<16xf32>
      %max3A_79 = arith.maximumf %get3A_78, %get3A_63 : vector<16xf32>
      %swap3A_80 = arith.index_cast %add3A_67 : i32 to index
      %swap3A_81 = tpu.vector_load %arg9[%swap3A_80] {strides = array<i32>} : memref<4352xf32, #tpu.memory_space<vmem>>, vector<16xf32>,
      %swap3A_82 = vector.shape_cast %swap3A_81 : vector<16xf32> to vector<16xf32>
      %swap3A_83 = vector.shape_cast %max3A_79 : vector<16xf32> to vector<16xf32>
      tpu.vector_store %arg9[%swap3A_80], %swap3A_83 {strides = array<i32>} : memref<4352xf32, #tpu.memory_space<vmem>>, vector<16xf32>,
      %slice3A_84 = vector.extract_strided_slice %get3A_27 {offsets = [1], sizes = [1], strides = [1]} : vector<16xi32> to vector<1xi32>
      %squeeze3A_85 = vector.extract %slice3A_84[0] : i32 from vector<1xi32>
      %mul3A_86 = arith.constant 16 : i32
      %mul3A_87 = arith.muli %scan3A_23, %mul3A_86 : i32
      %add3A_88 = arith.constant 1 : i32
      %add3A_89 = arith.addi %mul3A_87, %add3A_88 : i32
      %mul3A_90 = arith.constant 32 : i32
      %mul3A_91 = arith.muli %add3A_89, %mul3A_90 : i32
      %add3A_92 = arith.constant 0 : i32
      %add3A_93 = arith.addi %mul3A_91, %add3A_92 : i32
      %get3A_94 = arith.index_cast %add3A_93 : i32 to index
      %get3A_95 = tpu.vector_load %arg6[%get3A_94] {strides = array<i32>} : memref<10240xf32, #tpu.memory_space<vmem>>, vector<16xf32>,
      %get3A_96 = vector.shape_cast %get3A_95 : vector<16xf32> to vector<16xf32>
      %mul3A_97 = arith.constant 32 : i32
      %mul3A_98 = arith.muli %squeeze3A_85, %mul3A_97 : i32
      %add3A_99 = arith.constant 0 : i32
      %add3A_100 = arith.addi %mul3A_98, %add3A_99 : i32
      %get3A_101 = arith.index_cast %add3A_100 : i32 to index
      %get3A_102 = tpu.vector_load %arg8[%get3A_101] {strides = array<i32>} : memref<4352xf32, #tpu.memory_space<vmem>>, vector<16xf32>,
      %get3A_103 = vector.shape_cast %get3A_102 : vector<16xf32> to vector<16xf32>
      %add3A_104 = arith.addf %get3A_103, %get3A_96 : vector<16xf32>
      %swap3A_105 = arith.index_cast %add3A_100 : i32 to index
      %swap3A_106 = tpu.vector_load %arg8[%swap3A_105] {strides = array<i32>} : memref<4352xf32, #tpu.memory_space<vmem>>, vector<16xf32>,
      %swap3A_107 = vector.shape_cast %swap3A_106 : vector<16xf32> to vector<16xf32>
      %swap3A_108 = vector.shape_cast %add3A_104 : vector<16xf32> to vector<16xf32>
      tpu.vector_store %arg8[%swap3A_105], %swap3A_108 {strides = array<i32>} : memref<4352xf32, #tpu.memory_space<vmem>>, vector<16xf32>,
      %get3A_109 = arith.index_cast %add3A_100 : i32 to index
      %get3A_110 = tpu.vector_load %arg9[%get3A_109] {strides = array<i32>} : memref<4352xf32, #tpu.memory_space<vmem>>, vector<16xf32>,
      %get3A_111 = vector.shape_cast %get3A_110 : vector<16xf32> to vector<16xf32>
      %max3A_112 = arith.maximumf %get3A_111, %get3A_96 : vector<16xf32>
      %swap3A_113 = arith.index_cast %add3A_100 : i32 to index
      %swap3A_114 = tpu.vector_load %arg9[%swap3A_113] {strides = array<i32>} : memref<4352xf32, #tpu.memory_space<vmem>>, vector<16xf32>,
      %swap3A_115 = vector.shape_cast %swap3A_114 : vector<16xf32> to vector<16xf32>
      %swap3A_116 = vector.shape_cast %max3A_112 : vector<16xf32> to vector<16xf32>
      tpu.vector_store %arg9[%swap3A_113], %swap3A_116 {strides = array<i32>} : memref<4352xf32, #tpu.memory_space<vmem>>, vector<16xf32>,
      %mul3A_117 = arith.constant 32 : i32
      %mul3A_118 = arith.muli %add3A_89, %mul3A_117 : i32
      %add3A_119 = arith.constant 16 : i32
      %add3A_120 = arith.addi %mul3A_118, %add3A_119 : i32
      %get3A_121 = arith.index_cast %add3A_120 : i32 to index
      %get3A_122 = tpu.vector_load %arg6[%get3A_121] {strides = array<i32>} : memref<10240xf32, #tpu.memory_space<vmem>>, vector<16xf32>,
      %get3A_123 = vector.shape_cast %get3A_122 : vector<16xf32> to vector<16xf32>
      %mul3A_124 = arith.constant 32 : i32
      %mul3A_125 = arith.muli %squeeze3A_85, %mul3A_124 : i32
      %add3A_126 = arith.constant 16 : i32
      %add3A_127 = arith.addi %mul3A_125, %add3A_126 : i32
      %get3A_128 = arith.index_cast %add3A_127 : i32 to index
      %get3A_129 = tpu.vector_load %arg8[%get3A_128] {strides = array<i32>} : memref<4352xf32, #tpu.memory_space<vmem>>, vector<16xf32>,
      %get3A_130 = vector.shape_cast %get3A_129 : vector<16xf32> to vector<16xf32>
      %add3A_131 = arith.addf %get3A_130, %get3A_123 : vector<16xf32>
      %swap3A_132 = arith.index_cast %add3A_127 : i32 to index
      %swap3A_133 = tpu.vector_load %arg8[%swap3A_132] {strides = array<i32>} : memref<4352xf32, #tpu.memory_space<vmem>>, vector<16xf32>,
      %swap3A_134 = vector.shape_cast %swap3A_133 : vector<16xf32> to vector<16xf32>
      %swap3A_135 = vector.shape_cast %add3A_131 : vector<16xf32> to vector<16xf32>
      tpu.vector_store %arg8[%swap3A_132], %swap3A_135 {strides = array<i32>} : memref<4352xf32, #tpu.memory_space<vmem>>, vector<16xf32>,
      %get3A_136 = arith.index_cast %add3A_127 : i32 to index
      %get3A_137 = tpu.vector_load %arg9[%get3A_136] {strides = array<i32>} : memref<4352xf32, #tpu.memory_space<vmem>>, vector<16xf32>,
      %get3A_138 = vector.shape_cast %get3A_137 : vector<16xf32> to vector<16xf32>
      %max3A_139 = arith.maximumf %get3A_138, %get3A_123 : vector<16xf32>
      %swap3A_140 = arith.index_cast %add3A_127 : i32 to index
      %swap3A_141 = tpu.vector_load %arg9[%swap3A_140] {strides = array<i32>} : memref<4352xf32, #tpu.memory_space<vmem>>, vector<16xf32>,
      %swap3A_142 = vector.shape_cast %swap3A_141 : vector<16xf32> to vector<16xf32>
      %swap3A_143 = vector.shape_cast %max3A_139 : vector<16xf32> to vector<16xf32>
      tpu.vector_store %arg9[%swap3A_140], %swap3A_143 {strides = array<i32>} : memref<4352xf32, #tpu.memory_space<vmem>>, vector<16xf32>,
      %slice3A_144 = vector.extract_strided_slice %get3A_27 {offsets = [2], sizes = [1], strides = [1]} : vector<16xi32> to vector<1xi32>
      %squeeze3A_145 = vector.extract %slice3A_144[0] : i32 from vector<1xi32>
      %mul3A_146 = arith.constant 16 : i32
      %mul3A_147 = arith.muli %scan3A_23, %mul3A_146 : i32
      %add3A_148 = arith.constant 2 : i32
      %add3A_149 = arith.addi %mul3A_147, %add3A_148 : i32
      %mul3A_150 = arith.constant 32 : i32
      %mul3A_151 = arith.muli %add3A_149, %mul3A_150 : i32
      %add3A_152 = arith.constant 0 : i32
      %add3A_153 = arith.addi %mul3A_151, %add3A_152 : i32
      %get3A_154 = arith.index_cast %add3A_153 : i32 to index
      %get3A_155 = tpu.vector_load %arg6[%get3A_154] {strides = array<i32>} : memref<10240xf32, #tpu.memory_space<vmem>>, vector<16xf32>,
      %get3A_156 = vector.shape_cast %get3A_155 : vector<16xf32> to vector<16xf32>
      %mul3A_157 = arith.constant 32 : i32
      %mul3A_158 = arith.muli %squeeze3A_145, %mul3A_157 : i32
      %add3A_159 = arith.constant 0 : i32
      %add3A_160 = arith.addi %mul3A_158, %add3A_159 : i32
      %get3A_161 = arith.index_cast %add3A_160 : i32 to index
      %get3A_162 = tpu.vector_load %arg8[%get3A_161] {strides = array<i32>} : memref<4352xf32, #tpu.memory_space<vmem>>, vector<16xf32>,
      %get3A_163 = vector.shape_cast %get3A_162 : vector<16xf32> to vector<16xf32>
      %add3A_164 = arith.addf %get3A_163, %get3A_156 : vector<16xf32>
      %swap3A_165 = arith.index_cast %add3A_160 : i32 to index
      %swap3A_166 = tpu.vector_load %arg8[%swap3A_165] {strides = array<i32>} : memref<4352xf32, #tpu.memory_space<vmem>>, vector<16xf32>,
      %swap3A_167 = vector.shape_cast %swap3A_166 : vector<16xf32> to vector<16xf32>
      %swap3A_168 = vector.shape_cast %add3A_164 : vector<16xf32> to vector<16xf32>
      tpu.vector_store %arg8[%swap3A_165], %swap3A_168 {strides = array<i32>} : memref<4352xf32, #tpu.memory_space<vmem>>, vector<16xf32>,
      %get3A_169 = arith.index_cast %add3A_160 : i32 to index
      %get3A_170 = tpu.vector_load %arg9[%get3A_169] {strides = array<i32>} : memref<4352xf32, #tpu.memory_space<vmem>>, vector<16xf32>,
      %get3A_171 = vector.shape_cast %get3A_170 : vector<16xf32> to vector<16xf32>
      %max3A_172 = arith.maximumf %get3A_171, %get3A_156 : vector<16xf32>
      %swap3A_173 = arith.index_cast %add3A_160 : i32 to index
      %swap3A_174 = tpu.vector_load %arg9[%swap3A_173] {strides = array<i32>} : memref<4352xf32, #tpu.memory_space<vmem>>, vector<16xf32>,
      %swap3A_175 = vector.shape_cast %swap3A_174 : vector<16xf32> to vector<16xf32>
      %swap3A_176 = vector.shape_cast %max3A_172 : vector<16xf32> to vector<16xf32>
      tpu.vector_store %arg9[%swap3A_173], %swap3A_176 {strides = array<i32>} : memref<4352xf32, #tpu.memory_space<vmem>>, vector<16xf32>,
      %mul3A_177 = arith.constant 32 : i32
      %mul3A_178 = arith.muli %add3A_149, %mul3A_177 : i32
      %add3A_179 = arith.constant 16 : i32
      %add3A_180 = arith.addi %mul3A_178, %add3A_179 : i32
      %get3A_181 = arith.index_cast %add3A_180 : i32 to index
      %get3A_182 = tpu.vector_load %arg6[%get3A_181] {strides = array<i32>} : memref<10240xf32, #tpu.memory_space<vmem>>, vector<16xf32>,
      %get3A_183 = vector.shape_cast %get3A_182 : vector<16xf32> to vector<16xf32>
      %mul3A_184 = arith.constant 32 : i32
      %mul3A_185 = arith.muli %squeeze3A_145, %mul3A_184 : i32
      %add3A_186 = arith.constant 16 : i32
      %add3A_187 = arith.addi %mul3A_185, %add3A_186 : i32
      %get3A_188 = arith.index_cast %add3A_187 : i32 to index
      %get3A_189 = tpu.vector_load %arg8[%get3A_188] {strides = array<i32>} : memref<4352xf32, #tpu.memory_space<vmem>>, vector<16xf32>,
      %get3A_190 = vector.shape_cast %get3A_189 : vector<16xf32> to vector<16xf32>
      %add3A_191 = arith.addf %get3A_190, %get3A_183 : vector<16xf32>
      %swap3A_192 = arith.index_cast %add3A_187 : i32 to index
      %swap3A_193 = tpu.vector_load %arg8[%swap3A_192] {strides = array<i32>} : memref<4352xf32, #tpu.memory_space<vmem>>, vector<16xf32>,
      %swap3A_194 = vector.shape_cast %swap3A_193 : vector<16xf32> to vector<16xf32>
      %swap3A_195 = vector.shape_cast %add3A_191 : vector<16xf32> to vector<16xf32>
      tpu.vector_store %arg8[%swap3A_192], %swap3A_195 {strides = array<i32>} : memref<4352xf32, #tpu.memory_space<vmem>>, vector<16xf32>,
      %get3A_196 = arith.index_cast %add3A_187 : i32 to index
      %get3A_197 = tpu.vector_load %arg9[%get3A_196] {strides = array<i32>} : memref<4352xf32, #tpu.memory_space<vmem>>, vector<16xf32>,
      %get3A_198 = vector.shape_cast %get3A_197 : vector<16xf32> to vector<16xf32>
      %max3A_199 = arith.maximumf %get3A_198, %get3A_183 : vector<16xf32>
      %swap3A_200 = arith.index_cast %add3A_187 : i32 to index
      %swap3A_201 = tpu.vector_load %arg9[%swap3A_200] {strides = array<i32>} : memref<4352xf32, #tpu.memory_space<vmem>>, vector<16xf32>,
      %swap3A_202 = vector.shape_cast %swap3A_201 : vector<16xf32> to vector<16xf32>
      %swap3A_203 = vector.shape_cast %max3A_199 : vector<16xf32> to vector<16xf32>
      tpu.vector_store %arg9[%swap3A_200], %swap3A_203 {strides = array<i32>} : memref<4352xf32, #tpu.memory_space<vmem>>, vector<16xf32>,
      %slice3A_204 = vector.extract_strided_slice %get3A_27 {offsets = [3], sizes = [1], strides = [1]} : vector<16xi32> to vector<1xi32>
      %squeeze3A_205 = vector.extract %slice3A_204[0] : i32 from vector<1xi32>
      %mul3A_206 = arith.constant 16 : i32
      %mul3A_207 = arith.muli %scan3A_23, %mul3A_206 : i32
      %add3A_208 = arith.constant 3 : i32
      %add3A_209 = arith.addi %mul3A_207, %add3A_208 : i32
      %mul3A_210 = arith.constant 32 : i32
      %mul3A_211 = arith.muli %add3A_209, %mul3A_210 : i32
      %add3A_212 = arith.constant 0 : i32
      %add3A_213 = arith.addi %mul3A_211, %add3A_212 : i32
      %get3A_214 = arith.index_cast %add3A_213 : i32 to index
      %get3A_215 = tpu.vector_load %arg6[%get3A_214] {strides = array<i32>} : memref<10240xf32, #tpu.memory_space<vmem>>, vector<16xf32>,
      %get3A_216 = vector.shape_cast %get3A_215 : vector<16xf32> to vector<16xf32>
      %mul3A_217 = arith.constant 32 : i32
      %mul3A_218 = arith.muli %squeeze3A_205, %mul3A_217 : i32
      %add3A_219 = arith.constant 0 : i32
      %add3A_220 = arith.addi %mul3A_218, %add3A_219 : i32
      %get3A_221 = arith.index_cast %add3A_220 : i32 to index
      %get3A_222 = tpu.vector_load %arg8[%get3A_221] {strides = array<i32>} : memref<4352xf32, #tpu.memory_space<vmem>>, vector<16xf32>,
      %get3A_223 = vector.shape_cast %get3A_222 : vector<16xf32> to vector<16xf32>
      %add3A_224 = arith.addf %get3A_223, %get3A_216 : vector<16xf32>
      %swap3A_225 = arith.index_cast %add3A_220 : i32 to index
      %swap3A_226 = tpu.vector_load %arg8[%swap3A_225] {strides = array<i32>} : memref<4352xf32, #tpu.memory_space<vmem>>, vector<16xf32>,
      %swap3A_227 = vector.shape_cast %swap3A_226 : vector<16xf32> to vector<16xf32>
      %swap3A_228 = vector.shape_cast %add3A_224 : vector<16xf32> to vector<16xf32>
      tpu.vector_store %arg8[%swap3A_225], %swap3A_228 {strides = array<i32>} : memref<4352xf32, #tpu.memory_space<vmem>>, vector<16xf32>,
      %get3A_229 = arith.index_cast %add3A_220 : i32 to index
      %get3A_230 = tpu.vector_load %arg9[%get3A_229] {strides = array<i32>} : memref<4352xf32, #tpu.memory_space<vmem>>, vector<16xf32>,
      %get3A_231 = vector.shape_cast %get3A_230 : vector<16xf32> to vector<16xf32>
      %max3A_232 = arith.maximumf %get3A_231, %get3A_216 : vector<16xf32>
      %swap3A_233 = arith.index_cast %add3A_220 : i32 to index
      %swap3A_234 = tpu.vector_load %arg9[%swap3A_233] {strides = array<i32>} : memref<4352xf32, #tpu.memory_space<vmem>>, vector<16xf32>,
      %swap3A_235 = vector.shape_cast %swap3A_234 : vector<16xf32> to vector<16xf32>
      %swap3A_236 = vector.shape_cast %max3A_232 : vector<16xf32> to vector<16xf32>
      tpu.vector_store %arg9[%swap3A_233], %swap3A_236 {strides = array<i32>} : memref<4352xf32, #tpu.memory_space<vmem>>, vector<16xf32>,
      %mul3A_237 = arith.constant 32 : i32
      %mul3A_238 = arith.muli %add3A_209, %mul3A_237 : i32
      %add3A_239 = arith.constant 16 : i32
      %add3A_240 = arith.addi %mul3A_238, %add3A_239 : i32
      %get3A_241 = arith.index_cast %add3A_240 : i32 to index
      %get3A_242 = tpu.vector_load %arg6[%get3A_241] {strides = array<i32>} : memref<10240xf32, #tpu.memory_space<vmem>>, vector<16xf32>,
      %get3A_243 = vector.shape_cast %get3A_242 : vector<16xf32> to vector<16xf32>
      %mul3A_244 = arith.constant 32 : i32
      %mul3A_245 = arith.muli %squeeze3A_205, %mul3A_244 : i32
      %add3A_246 = arith.constant 16 : i32
      %add3A_247 = arith.addi %mul3A_245, %add3A_246 : i32
      %get3A_248 = arith.index_cast %add3A_247 : i32 to index
      %get3A_249 = tpu.vector_load %arg8[%get3A_248] {strides = array<i32>} : memref<4352xf32, #tpu.memory_space<vmem>>, vector<16xf32>,
      %get3A_250 = vector.shape_cast %get3A_249 : vector<16xf32> to vector<16xf32>
      %add3A_251 = arith.addf %get3A_250, %get3A_243 : vector<16xf32>
      %swap3A_252 = arith.index_cast %add3A_247 : i32 to index
      %swap3A_253 = tpu.vector_load %arg8[%swap3A_252] {strides = array<i32>} : memref<4352xf32, #tpu.memory_space<vmem>>, vector<16xf32>,
      %swap3A_254 = vector.shape_cast %swap3A_253 : vector<16xf32> to vector<16xf32>
      %swap3A_255 = vector.shape_cast %add3A_251 : vector<16xf32> to vector<16xf32>
      tpu.vector_store %arg8[%swap3A_252], %swap3A_255 {strides = array<i32>} : memref<4352xf32, #tpu.memory_space<vmem>>, vector<16xf32>,
      %get3A_256 = arith.index_cast %add3A_247 : i32 to index
      %get3A_257 = tpu.vector_load %arg9[%get3A_256] {strides = array<i32>} : memref<4352xf32, #tpu.memory_space<vmem>>, vector<16xf32>,
      %get3A_258 = vector.shape_cast %get3A_257 : vector<16xf32> to vector<16xf32>
      %max3A_259 = arith.maximumf %get3A_258, %get3A_243 : vector<16xf32>
      %swap3A_260 = arith.index_cast %add3A_247 : i32 to index
      %swap3A_261 = tpu.vector_load %arg9[%swap3A_260] {strides = array<i32>} : memref<4352xf32, #tpu.memory_space<vmem>>, vector<16xf32>,
      %swap3A_262 = vector.shape_cast %swap3A_261 : vector<16xf32> to vector<16xf32>
      %swap3A_263 = vector.shape_cast %max3A_259 : vector<16xf32> to vector<16xf32>
      tpu.vector_store %arg9[%swap3A_260], %swap3A_263 {strides = array<i32>} : memref<4352xf32, #tpu.memory_space<vmem>>, vector<16xf32>,
      %slice3A_264 = vector.extract_strided_slice %get3A_27 {offsets = [4], sizes = [1], strides = [1]} : vector<16xi32> to vector<1xi32>
      %squeeze3A_265 = vector.extract %slice3A_264[0] : i32 from vector<1xi32>
      %mul3A_266 = arith.constant 16 : i32
      %mul3A_267 = arith.muli %scan3A_23, %mul3A_266 : i32
      %add3A_268 = arith.constant 4 : i32
      %add3A_269 = arith.addi %mul3A_267, %add3A_268 : i32
      %mul3A_270 = arith.constant 32 : i32
      %mul3A_271 = arith.muli %add3A_269, %mul3A_270 : i32
      %add3A_272 = arith.constant 0 : i32
      %add3A_273 = arith.addi %mul3A_271, %add3A_272 : i32
      %get3A_274 = arith.index_cast %add3A_273 : i32 to index
      %get3A_275 = tpu.vector_load %arg6[%get3A_274] {strides = array<i32>} : memref<10240xf32, #tpu.memory_space<vmem>>, vector<16xf32>,
      %get3A_276 = vector.shape_cast %get3A_275 : vector<16xf32> to vector<16xf32>
      %mul3A_277 = arith.constant 32 : i32
      %mul3A_278 = arith.muli %squeeze3A_265, %mul3A_277 : i32
      %add3A_279 = arith.constant 0 : i32
      %add3A_280 = arith.addi %mul3A_278, %add3A_279 : i32
      %get3A_281 = arith.index_cast %add3A_280 : i32 to index
      %get3A_282 = tpu.vector_load %arg8[%get3A_281] {strides = array<i32>} : memref<4352xf32, #tpu.memory_space<vmem>>, vector<16xf32>,
      %get3A_283 = vector.shape_cast %get3A_282 : vector<16xf32> to vector<16xf32>
      %add3A_284 = arith.addf %get3A_283, %get3A_276 : vector<16xf32>
      %swap3A_285 = arith.index_cast %add3A_280 : i32 to index
      %swap3A_286 = tpu.vector_load %arg8[%swap3A_285] {strides = array<i32>} : memref<4352xf32, #tpu.memory_space<vmem>>, vector<16xf32>,
      %swap3A_287 = vector.shape_cast %swap3A_286 : vector<16xf32> to vector<16xf32>
      %swap3A_288 = vector.shape_cast %add3A_284 : vector<16xf32> to vector<16xf32>
      tpu.vector_store %arg8[%swap3A_285], %swap3A_288 {strides = array<i32>} : memref<4352xf32, #tpu.memory_space<vmem>>, vector<16xf32>,
      %get3A_289 = arith.index_cast %add3A_280 : i32 to index
      %get3A_290 = tpu.vector_load %arg9[%get3A_289] {strides = array<i32>} : memref<4352xf32, #tpu.memory_space<vmem>>, vector<16xf32>,
      %get3A_291 = vector.shape_cast %get3A_290 : vector<16xf32> to vector<16xf32>
      %max3A_292 = arith.maximumf %get3A_291, %get3A_276 : vector<16xf32>
      %swap3A_293 = arith.index_cast %add3A_280 : i32 to index
      %swap3A_294 = tpu.vector_load %arg9[%swap3A_293] {strides = array<i32>} : memref<4352xf32, #tpu.memory_space<vmem>>, vector<16xf32>,
      %swap3A_295 = vector.shape_cast %swap3A_294 : vector<16xf32> to vector<16xf32>
      %swap3A_296 = vector.shape_cast %max3A_292 : vector<16xf32> to vector<16xf32>
      tpu.vector_store %arg9[%swap3A_293], %swap3A_296 {strides = array<i32>} : memref<4352xf32, #tpu.memory_space<vmem>>, vector<16xf32>,
      %mul3A_297 = arith.constant 32 : i32
      %mul3A_298 = arith.muli %add3A_269, %mul3A_297 : i32
      %add3A_299 = arith.constant 16 : i32
      %add3A_300 = arith.addi %mul3A_298, %add3A_299 : i32
      %get3A_301 = arith.index_cast %add3A_300 : i32 to index
      %get3A_302 = tpu.vector_load %arg6[%get3A_301] {strides = array<i32>} : memref<10240xf32, #tpu.memory_space<vmem>>, vector<16xf32>,
      %get3A_303 = vector.shape_cast %get3A_302 : vector<16xf32> to vector<16xf32>
      %mul3A_304 = arith.constant 32 : i32
      %mul3A_305 = arith.muli %squeeze3A_265, %mul3A_304 : i32
      %add3A_306 = arith.constant 16 : i32
      %add3A_307 = arith.addi %mul3A_305, %add3A_306 : i32
      %get3A_308 = arith.index_cast %add3A_307 : i32 to index
      %get3A_309 = tpu.vector_load %arg8[%get3A_308] {strides = array<i32>} : memref<4352xf32, #tpu.memory_space<vmem>>, vector<16xf32>,
      %get3A_310 = vector.shape_cast %get3A_309 : vector<16xf32> to vector<16xf32>
      %add3A_311 = arith.addf %get3A_310, %get3A_303 : vector<16xf32>
      %swap3A_312 = arith.index_cast %add3A_307 : i32 to index
      %swap3A_313 = tpu.vector_load %arg8[%swap3A_312] {strides = array<i32>} : memref<4352xf32, #tpu.memory_space<vmem>>, vector<16xf32>,
      %swap3A_314 = vector.shape_cast %swap3A_313 : vector<16xf32> to vector<16xf32>
      %swap3A_315 = vector.shape_cast %add3A_311 : vector<16xf32> to vector<16xf32>
      tpu.vector_store %arg8[%swap3A_312], %swap3A_315 {strides = array<i32>} : memref<4352xf32, #tpu.memory_space<vmem>>, vector<16xf32>,
      %get3A_316 = arith.index_cast %add3A_307 : i32 to index
      %get3A_317 = tpu.vector_load %arg9[%get3A_316] {strides = array<i32>} : memref<4352xf32, #tpu.memory_space<vmem>>, vector<16xf32>,
      %get3A_318 = vector.shape_cast %get3A_317 : vector<16xf32> to vector<16xf32>
      %max3A_319 = arith.maximumf %get3A_318, %get3A_303 : vector<16xf32>
      %swap3A_320 = arith.index_cast %add3A_307 : i32 to index
      %swap3A_321 = tpu.vector_load %arg9[%swap3A_320] {strides = array<i32>} : memref<4352xf32, #tpu.memory_space<vmem>>, vector<16xf32>,
      %swap3A_322 = vector.shape_cast %swap3A_321 : vector<16xf32> to vector<16xf32>
      %swap3A_323 = vector.shape_cast %max3A_319 : vector<16xf32> to vector<16xf32>
      tpu.vector_store %arg9[%swap3A_320], %swap3A_323 {strides = array<i32>} : memref<4352xf32, #tpu.memory_space<vmem>>, vector<16xf32>,
      %slice3A_324 = vector.extract_strided_slice %get3A_27 {offsets = [5], sizes = [1], strides = [1]} : vector<16xi32> to vector<1xi32>
      %squeeze3A_325 = vector.extract %slice3A_324[0] : i32 from vector<1xi32>
      %mul3A_326 = arith.constant 16 : i32
      %mul3A_327 = arith.muli %scan3A_23, %mul3A_326 : i32
      %add3A_328 = arith.constant 5 : i32
      %add3A_329 = arith.addi %mul3A_327, %add3A_328 : i32
      %mul3A_330 = arith.constant 32 : i32
      %mul3A_331 = arith.muli %add3A_329, %mul3A_330 : i32
      %add3A_332 = arith.constant 0 : i32
      %add3A_333 = arith.addi %mul3A_331, %add3A_332 : i32
      %get3A_334 = arith.index_cast %add3A_333 : i32 to index
      %get3A_335 = tpu.vector_load %arg6[%get3A_334] {strides = array<i32>} : memref<10240xf32, #tpu.memory_space<vmem>>, vector<16xf32>,
      %get3A_336 = vector.shape_cast %get3A_335 : vector<16xf32> to vector<16xf32>
      %mul3A_337 = arith.constant 32 : i32
      %mul3A_338 = arith.muli %squeeze3A_325, %mul3A_337 : i32
      %add3A_339 = arith.constant 0 : i32
      %add3A_340 = arith.addi %mul3A_338, %add3A_339 : i32
      %get3A_341 = arith.index_cast %add3A_340 : i32 to index
      %get3A_342 = tpu.vector_load %arg8[%get3A_341] {strides = array<i32>} : memref<4352xf32, #tpu.memory_space<vmem>>, vector<16xf32>,
      %get3A_343 = vector.shape_cast %get3A_342 : vector<16xf32> to vector<16xf32>
      %add3A_344 = arith.addf %get3A_343, %get3A_336 : vector<16xf32>
      %swap3A_345 = arith.index_cast %add3A_340 : i32 to index
      %swap3A_346 = tpu.vector_load %arg8[%swap3A_345] {strides = array<i32>} : memref<4352xf32, #tpu.memory_space<vmem>>, vector<16xf32>,
      %swap3A_347 = vector.shape_cast %swap3A_346 : vector<16xf32> to vector<16xf32>
      %swap3A_348 = vector.shape_cast %add3A_344 : vector<16xf32> to vector<16xf32>
      tpu.vector_store %arg8[%swap3A_345], %swap3A_348 {strides = array<i32>} : memref<4352xf32, #tpu.memory_space<vmem>>, vector<16xf32>,
      %get3A_349 = arith.index_cast %add3A_340 : i32 to index
      %get3A_350 = tpu.vector_load %arg9[%get3A_349] {strides = array<i32>} : memref<4352xf32, #tpu.memory_space<vmem>>, vector<16xf32>,
      %get3A_351 = vector.shape_cast %get3A_350 : vector<16xf32> to vector<16xf32>
      %max3A_352 = arith.maximumf %get3A_351, %get3A_336 : vector<16xf32>
      %swap3A_353 = arith.index_cast %add3A_340 : i32 to index
      %swap3A_354 = tpu.vector_load %arg9[%swap3A_353] {strides = array<i32>} : memref<4352xf32, #tpu.memory_space<vmem>>, vector<16xf32>,
      %swap3A_355 = vector.shape_cast %swap3A_354 : vector<16xf32> to vector<16xf32>
      %swap3A_356 = vector.shape_cast %max3A_352 : vector<16xf32> to vector<16xf32>
      tpu.vector_store %arg9[%swap3A_353], %swap3A_356 {strides = array<i32>} : memref<4352xf32, #tpu.memory_space<vmem>>, vector<16xf32>,
      %mul3A_357 = arith.constant 32 : i32
      %mul3A_358 = arith.muli %add3A_329, %mul3A_357 : i32
      %add3A_359 = arith.constant 16 : i32
      %add3A_360 = arith.addi %mul3A_358, %add3A_359 : i32
      %get3A_361 = arith.index_cast %add3A_360 : i32 to index
      %get3A_362 = tpu.vector_load %arg6[%get3A_361] {strides = array<i32>} : memref<10240xf32, #tpu.memory_space<vmem>>, vector<16xf32>,
      %get3A_363 = vector.shape_cast %get3A_362 : vector<16xf32> to vector<16xf32>
      %mul3A_364 = arith.constant 32 : i32
      %mul3A_365 = arith.muli %squeeze3A_325, %mul3A_364 : i32
      %add3A_366 = arith.constant 16 : i32
      %add3A_367 = arith.addi %mul3A_365, %add3A_366 : i32
      %get3A_368 = arith.index_cast %add3A_367 : i32 to index
      %get3A_369 = tpu.vector_load %arg8[%get3A_368] {strides = array<i32>} : memref<4352xf32, #tpu.memory_space<vmem>>, vector<16xf32>,
      %get3A_370 = vector.shape_cast %get3A_369 : vector<16xf32> to vector<16xf32>
      %add3A_371 = arith.addf %get3A_370, %get3A_363 : vector<16xf32>
      %swap3A_372 = arith.index_cast %add3A_367 : i32 to index
      %swap3A_373 = tpu.vector_load %arg8[%swap3A_372] {strides = array<i32>} : memref<4352xf32, #tpu.memory_space<vmem>>, vector<16xf32>,
      %swap3A_374 = vector.shape_cast %swap3A_373 : vector<16xf32> to vector<16xf32>
      %swap3A_375 = vector.shape_cast %add3A_371 : vector<16xf32> to vector<16xf32>
      tpu.vector_store %arg8[%swap3A_372], %swap3A_375 {strides = array<i32>} : memref<4352xf32, #tpu.memory_space<vmem>>, vector<16xf32>,
      %get3A_376 = arith.index_cast %add3A_367 : i32 to index
      %get3A_377 = tpu.vector_load %arg9[%get3A_376] {strides = array<i32>} : memref<4352xf32, #tpu.memory_space<vmem>>, vector<16xf32>,
      %get3A_378 = vector.shape_cast %get3A_377 : vector<16xf32> to vector<16xf32>
      %max3A_379 = arith.maximumf %get3A_378, %get3A_363 : vector<16xf32>
      %swap3A_380 = arith.index_cast %add3A_367 : i32 to index
      %swap3A_381 = tpu.vector_load %arg9[%swap3A_380] {strides = array<i32>} : memref<4352xf32, #tpu.memory_space<vmem>>, vector<16xf32>,
      %swap3A_382 = vector.shape_cast %swap3A_381 : vector<16xf32> to vector<16xf32>
      %swap3A_383 = vector.shape_cast %max3A_379 : vector<16xf32> to vector<16xf32>
      tpu.vector_store %arg9[%swap3A_380], %swap3A_383 {strides = array<i32>} : memref<4352xf32, #tpu.memory_space<vmem>>, vector<16xf32>,
      %slice3A_384 = vector.extract_strided_slice %get3A_27 {offsets = [6], sizes = [1], strides = [1]} : vector<16xi32> to vector<1xi32>
      %squeeze3A_385 = vector.extract %slice3A_384[0] : i32 from vector<1xi32>
      %mul3A_386 = arith.constant 16 : i32
      %mul3A_387 = arith.muli %scan3A_23, %mul3A_386 : i32
      %add3A_388 = arith.constant 6 : i32
      %add3A_389 = arith.addi %mul3A_387, %add3A_388 : i32
      %mul3A_390 = arith.constant 32 : i32
      %mul3A_391 = arith.muli %add3A_389, %mul3A_390 : i32
      %add3A_392 = arith.constant 0 : i32
      %add3A_393 = arith.addi %mul3A_391, %add3A_392 : i32
      %get3A_394 = arith.index_cast %add3A_393 : i32 to index
      %get3A_395 = tpu.vector_load %arg6[%get3A_394] {strides = array<i32>} : memref<10240xf32, #tpu.memory_space<vmem>>, vector<16xf32>,
      %get3A_396 = vector.shape_cast %get3A_395 : vector<16xf32> to vector<16xf32>
      %mul3A_397 = arith.constant 32 : i32
      %mul3A_398 = arith.muli %squeeze3A_385, %mul3A_397 : i32
      %add3A_399 = arith.constant 0 : i32
      %add3A_400 = arith.addi %mul3A_398, %add3A_399 : i32
      %get3A_401 = arith.index_cast %add3A_400 : i32 to index
      %get3A_402 = tpu.vector_load %arg8[%get3A_401] {strides = array<i32>} : memref<4352xf32, #tpu.memory_space<vmem>>, vector<16xf32>,
      %get3A_403 = vector.shape_cast %get3A_402 : vector<16xf32> to vector<16xf32>
      %add3A_404 = arith.addf %get3A_403, %get3A_396 : vector<16xf32>
      %swap3A_405 = arith.index_cast %add3A_400 : i32 to index
      %swap3A_406 = tpu.vector_load %arg8[%swap3A_405] {strides = array<i32>} : memref<4352xf32, #tpu.memory_space<vmem>>, vector<16xf32>,
      %swap3A_407 = vector.shape_cast %swap3A_406 : vector<16xf32> to vector<16xf32>
      %swap3A_408 = vector.shape_cast %add3A_404 : vector<16xf32> to vector<16xf32>
      tpu.vector_store %arg8[%swap3A_405], %swap3A_408 {strides = array<i32>} : memref<4352xf32, #tpu.memory_space<vmem>>, vector<16xf32>,
      %get3A_409 = arith.index_cast %add3A_400 : i32 to index
      %get3A_410 = tpu.vector_load %arg9[%get3A_409] {strides = array<i32>} : memref<4352xf32, #tpu.memory_space<vmem>>, vector<16xf32>,
      %get3A_411 = vector.shape_cast %get3A_410 : vector<16xf32> to vector<16xf32>
      %max3A_412 = arith.maximumf %get3A_411, %get3A_396 : vector<16xf32>
      %swap3A_413 = arith.index_cast %add3A_400 : i32 to index
      %swap3A_414 = tpu.vector_load %arg9[%swap3A_413] {strides = array<i32>} : memref<4352xf32, #tpu.memory_space<vmem>>, vector<16xf32>,
      %swap3A_415 = vector.shape_cast %swap3A_414 : vector<16xf32> to vector<16xf32>
      %swap3A_416 = vector.shape_cast %max3A_412 : vector<16xf32> to vector<16xf32>
      tpu.vector_store %arg9[%swap3A_413], %swap3A_416 {strides = array<i32>} : memref<4352xf32, #tpu.memory_space<vmem>>, vector<16xf32>,
      %mul3A_417 = arith.constant 32 : i32
      %mul3A_418 = arith.muli %add3A_389, %mul3A_417 : i32
      %add3A_419 = arith.constant 16 : i32
      %add3A_420 = arith.addi %mul3A_418, %add3A_419 : i32
      %get3A_421 = arith.index_cast %add3A_420 : i32 to index
      %get3A_422 = tpu.vector_load %arg6[%get3A_421] {strides = array<i32>} : memref<10240xf32, #tpu.memory_space<vmem>>, vector<16xf32>,
      %get3A_423 = vector.shape_cast %get3A_422 : vector<16xf32> to vector<16xf32>
      %mul3A_424 = arith.constant 32 : i32
      %mul3A_425 = arith.muli %squeeze3A_385, %mul3A_424 : i32
      %add3A_426 = arith.constant 16 : i32
      %add3A_427 = arith.addi %mul3A_425, %add3A_426 : i32
      %get3A_428 = arith.index_cast %add3A_427 : i32 to index
      %get3A_429 = tpu.vector_load %arg8[%get3A_428] {strides = array<i32>} : memref<4352xf32, #tpu.memory_space<vmem>>, vector<16xf32>,
      %get3A_430 = vector.shape_cast %get3A_429 : vector<16xf32> to vector<16xf32>
      %add3A_431 = arith.addf %get3A_430, %get3A_423 : vector<16xf32>
      %swap3A_432 = arith.index_cast %add3A_427 : i32 to index
      %swap3A_433 = tpu.vector_load %arg8[%swap3A_432] {strides = array<i32>} : memref<4352xf32, #tpu.memory_space<vmem>>, vector<16xf32>,
      %swap3A_434 = vector.shape_cast %swap3A_433 : vector<16xf32> to vector<16xf32>
      %swap3A_435 = vector.shape_cast %add3A_431 : vector<16xf32> to vector<16xf32>
      tpu.vector_store %arg8[%swap3A_432], %swap3A_435 {strides = array<i32>} : memref<4352xf32, #tpu.memory_space<vmem>>, vector<16xf32>,
      %get3A_436 = arith.index_cast %add3A_427 : i32 to index
      %get3A_437 = tpu.vector_load %arg9[%get3A_436] {strides = array<i32>} : memref<4352xf32, #tpu.memory_space<vmem>>, vector<16xf32>,
      %get3A_438 = vector.shape_cast %get3A_437 : vector<16xf32> to vector<16xf32>
      %max3A_439 = arith.maximumf %get3A_438, %get3A_423 : vector<16xf32>
      %swap3A_440 = arith.index_cast %add3A_427 : i32 to index
      %swap3A_441 = tpu.vector_load %arg9[%swap3A_440] {strides = array<i32>} : memref<4352xf32, #tpu.memory_space<vmem>>, vector<16xf32>,
      %swap3A_442 = vector.shape_cast %swap3A_441 : vector<16xf32> to vector<16xf32>
      %swap3A_443 = vector.shape_cast %max3A_439 : vector<16xf32> to vector<16xf32>
      tpu.vector_store %arg9[%swap3A_440], %swap3A_443 {strides = array<i32>} : memref<4352xf32, #tpu.memory_space<vmem>>, vector<16xf32>,
      %slice3A_444 = vector.extract_strided_slice %get3A_27 {offsets = [7], sizes = [1], strides = [1]} : vector<16xi32> to vector<1xi32>
      %squeeze3A_445 = vector.extract %slice3A_444[0] : i32 from vector<1xi32>
      %mul3A_446 = arith.constant 16 : i32
      %mul3A_447 = arith.muli %scan3A_23, %mul3A_446 : i32
      %add3A_448 = arith.constant 7 : i32
      %add3A_449 = arith.addi %mul3A_447, %add3A_448 : i32
      %mul3A_450 = arith.constant 32 : i32
      %mul3A_451 = arith.muli %add3A_449, %mul3A_450 : i32
      %add3A_452 = arith.constant 0 : i32
      %add3A_453 = arith.addi %mul3A_451, %add3A_452 : i32
      %get3A_454 = arith.index_cast %add3A_453 : i32 to index
      %get3A_455 = tpu.vector_load %arg6[%get3A_454] {strides = array<i32>} : memref<10240xf32, #tpu.memory_space<vmem>>, vector<16xf32>,
      %get3A_456 = vector.shape_cast %get3A_455 : vector<16xf32> to vector<16xf32>
      %mul3A_457 = arith.constant 32 : i32
      %mul3A_458 = arith.muli %squeeze3A_445, %mul3A_457 : i32
      %add3A_459 = arith.constant 0 : i32
      %add3A_460 = arith.addi %mul3A_458, %add3A_459 : i32
      %get3A_461 = arith.index_cast %add3A_460 : i32 to index
      %get3A_462 = tpu.vector_load %arg8[%get3A_461] {strides = array<i32>} : memref<4352xf32, #tpu.memory_space<vmem>>, vector<16xf32>,
      %get3A_463 = vector.shape_cast %get3A_462 : vector<16xf32> to vector<16xf32>
      %add3A_464 = arith.addf %get3A_463, %get3A_456 : vector<16xf32>
      %swap3A_465 = arith.index_cast %add3A_460 : i32 to index
      %swap3A_466 = tpu.vector_load %arg8[%swap3A_465] {strides = array<i32>} : memref<4352xf32, #tpu.memory_space<vmem>>, vector<16xf32>,
      %swap3A_467 = vector.shape_cast %swap3A_466 : vector<16xf32> to vector<16xf32>
      %swap3A_468 = vector.shape_cast %add3A_464 : vector<16xf32> to vector<16xf32>
      tpu.vector_store %arg8[%swap3A_465], %swap3A_468 {strides = array<i32>} : memref<4352xf32, #tpu.memory_space<vmem>>, vector<16xf32>,
      %get3A_469 = arith.index_cast %add3A_460 : i32 to index
      %get3A_470 = tpu.vector_load %arg9[%get3A_469] {strides = array<i32>} : memref<4352xf32, #tpu.memory_space<vmem>>, vector<16xf32>,
      %get3A_471 = vector.shape_cast %get3A_470 : vector<16xf32> to vector<16xf32>
      %max3A_472 = arith.maximumf %get3A_471, %get3A_456 : vector<16xf32>
      %swap3A_473 = arith.index_cast %add3A_460 : i32 to index
      %swap3A_474 = tpu.vector_load %arg9[%swap3A_473] {strides = array<i32>} : memref<4352xf32, #tpu.memory_space<vmem>>, vector<16xf32>,
      %swap3A_475 = vector.shape_cast %swap3A_474 : vector<16xf32> to vector<16xf32>
      %swap3A_476 = vector.shape_cast %max3A_472 : vector<16xf32> to vector<16xf32>
      tpu.vector_store %arg9[%swap3A_473], %swap3A_476 {strides = array<i32>} : memref<4352xf32, #tpu.memory_space<vmem>>, vector<16xf32>,
      %mul3A_477 = arith.constant 32 : i32
      %mul3A_478 = arith.muli %add3A_449, %mul3A_477 : i32
      %add3A_479 = arith.constant 16 : i32
      %add3A_480 = arith.addi %mul3A_478, %add3A_479 : i32
      %get3A_481 = arith.index_cast %add3A_480 : i32 to index
      %get3A_482 = tpu.vector_load %arg6[%get3A_481] {strides = array<i32>} : memref<10240xf32, #tpu.memory_space<vmem>>, vector<16xf32>,
      %get3A_483 = vector.shape_cast %get3A_482 : vector<16xf32> to vector<16xf32>
      %mul3A_484 = arith.constant 32 : i32
      %mul3A_485 = arith.muli %squeeze3A_445, %mul3A_484 : i32
      %add3A_486 = arith.constant 16 : i32
      %add3A_487 = arith.addi %mul3A_485, %add3A_486 : i32
      %get3A_488 = arith.index_cast %add3A_487 : i32 to index
      %get3A_489 = tpu.vector_load %arg8[%get3A_488] {strides = array<i32>} : memref<4352xf32, #tpu.memory_space<vmem>>, vector<16xf32>,
      %get3A_490 = vector.shape_cast %get3A_489 : vector<16xf32> to vector<16xf32>
      %add3A_491 = arith.addf %get3A_490, %get3A_483 : vector<16xf32>
      %swap3A_492 = arith.index_cast %add3A_487 : i32 to index
      %swap3A_493 = tpu.vector_load %arg8[%swap3A_492] {strides = array<i32>} : memref<4352xf32, #tpu.memory_space<vmem>>, vector<16xf32>,
      %swap3A_494 = vector.shape_cast %swap3A_493 : vector<16xf32> to vector<16xf32>
      %swap3A_495 = vector.shape_cast %add3A_491 : vector<16xf32> to vector<16xf32>
      tpu.vector_store %arg8[%swap3A_492], %swap3A_495 {strides = array<i32>} : memref<4352xf32, #tpu.memory_space<vmem>>, vector<16xf32>,
      %get3A_496 = arith.index_cast %add3A_487 : i32 to index
      %get3A_497 = tpu.vector_load %arg9[%get3A_496] {strides = array<i32>} : memref<4352xf32, #tpu.memory_space<vmem>>, vector<16xf32>,
      %get3A_498 = vector.shape_cast %get3A_497 : vector<16xf32> to vector<16xf32>
      %max3A_499 = arith.maximumf %get3A_498, %get3A_483 : vector<16xf32>
      %swap3A_500 = arith.index_cast %add3A_487 : i32 to index
      %swap3A_501 = tpu.vector_load %arg9[%swap3A_500] {strides = array<i32>} : memref<4352xf32, #tpu.memory_space<vmem>>, vector<16xf32>,
      %swap3A_502 = vector.shape_cast %swap3A_501 : vector<16xf32> to vector<16xf32>
      %swap3A_503 = vector.shape_cast %max3A_499 : vector<16xf32> to vector<16xf32>
      tpu.vector_store %arg9[%swap3A_500], %swap3A_503 {strides = array<i32>} : memref<4352xf32, #tpu.memory_space<vmem>>, vector<16xf32>,
      %slice3A_504 = vector.extract_strided_slice %get3A_27 {offsets = [8], sizes = [1], strides = [1]} : vector<16xi32> to vector<1xi32>
      %squeeze3A_505 = vector.extract %slice3A_504[0] : i32 from vector<1xi32>
      %mul3A_506 = arith.constant 16 : i32
      %mul3A_507 = arith.muli %scan3A_23, %mul3A_506 : i32
      %add3A_508 = arith.constant 8 : i32
      %add3A_509 = arith.addi %mul3A_507, %add3A_508 : i32
      %mul3A_510 = arith.constant 32 : i32
      %mul3A_511 = arith.muli %add3A_509, %mul3A_510 : i32
      %add3A_512 = arith.constant 0 : i32
      %add3A_513 = arith.addi %mul3A_511, %add3A_512 : i32
      %get3A_514 = arith.index_cast %add3A_513 : i32 to index
      %get3A_515 = tpu.vector_load %arg6[%get3A_514] {strides = array<i32>} : memref<10240xf32, #tpu.memory_space<vmem>>, vector<16xf32>,
      %get3A_516 = vector.shape_cast %get3A_515 : vector<16xf32> to vector<16xf32>
      %mul3A_517 = arith.constant 32 : i32
      %mul3A_518 = arith.muli %squeeze3A_505, %mul3A_517 : i32
      %add3A_519 = arith.constant 0 : i32
      %add3A_520 = arith.addi %mul3A_518, %add3A_519 : i32
      %get3A_521 = arith.index_cast %add3A_520 : i32 to index
      %get3A_522 = tpu.vector_load %arg8[%get3A_521] {strides = array<i32>} : memref<4352xf32, #tpu.memory_space<vmem>>, vector<16xf32>,
      %get3A_523 = vector.shape_cast %get3A_522 : vector<16xf32> to vector<16xf32>
      %add3A_524 = arith.addf %get3A_523, %get3A_516 : vector<16xf32>
      %swap3A_525 = arith.index_cast %add3A_520 : i32 to index
      %swap3A_526 = tpu.vector_load %arg8[%swap3A_525] {strides = array<i32>} : memref<4352xf32, #tpu.memory_space<vmem>>, vector<16xf32>,
      %swap3A_527 = vector.shape_cast %swap3A_526 : vector<16xf32> to vector<16xf32>
      %swap3A_528 = vector.shape_cast %add3A_524 : vector<16xf32> to vector<16xf32>
      tpu.vector_store %arg8[%swap3A_525], %swap3A_528 {strides = array<i32>} : memref<4352xf32, #tpu.memory_space<vmem>>, vector<16xf32>,
      %get3A_529 = arith.index_cast %add3A_520 : i32 to index
      %get3A_530 = tpu.vector_load %arg9[%get3A_529] {strides = array<i32>} : memref<4352xf32, #tpu.memory_space<vmem>>, vector<16xf32>,
      %get3A_531 = vector.shape_cast %get3A_530 : vector<16xf32> to vector<16xf32>
      %max3A_532 = arith.maximumf %get3A_531, %get3A_516 : vector<16xf32>
      %swap3A_533 = arith.index_cast %add3A_520 : i32 to index
      %swap3A_534 = tpu.vector_load %arg9[%swap3A_533] {strides = array<i32>} : memref<4352xf32, #tpu.memory_space<vmem>>, vector<16xf32>,
      %swap3A_535 = vector.shape_cast %swap3A_534 : vector<16xf32> to vector<16xf32>
      %swap3A_536 = vector.shape_cast %max3A_532 : vector<16xf32> to vector<16xf32>
      tpu.vector_store %arg9[%swap3A_533], %swap3A_536 {strides = array<i32>} : memref<4352xf32, #tpu.memory_space<vmem>>, vector<16xf32>,
      %mul3A_537 = arith.constant 32 : i32
      %mul3A_538 = arith.muli %add3A_509, %mul3A_537 : i32
      %add3A_539 = arith.constant 16 : i32
      %add3A_540 = arith.addi %mul3A_538, %add3A_539 : i32
      %get3A_541 = arith.index_cast %add3A_540 : i32 to index
      %get3A_542 = tpu.vector_load %arg6[%get3A_541] {strides = array<i32>} : memref<10240xf32, #tpu.memory_space<vmem>>, vector<16xf32>,
      %get3A_543 = vector.shape_cast %get3A_542 : vector<16xf32> to vector<16xf32>
      %mul3A_544 = arith.constant 32 : i32
      %mul3A_545 = arith.muli %squeeze3A_505, %mul3A_544 : i32
      %add3A_546 = arith.constant 16 : i32
      %add3A_547 = arith.addi %mul3A_545, %add3A_546 : i32
      %get3A_548 = arith.index_cast %add3A_547 : i32 to index
      %get3A_549 = tpu.vector_load %arg8[%get3A_548] {strides = array<i32>} : memref<4352xf32, #tpu.memory_space<vmem>>, vector<16xf32>,
      %get3A_550 = vector.shape_cast %get3A_549 : vector<16xf32> to vector<16xf32>
      %add3A_551 = arith.addf %get3A_550, %get3A_543 : vector<16xf32>
      %swap3A_552 = arith.index_cast %add3A_547 : i32 to index
      %swap3A_553 = tpu.vector_load %arg8[%swap3A_552] {strides = array<i32>} : memref<4352xf32, #tpu.memory_space<vmem>>, vector<16xf32>,
      %swap3A_554 = vector.shape_cast %swap3A_553 : vector<16xf32> to vector<16xf32>
      %swap3A_555 = vector.shape_cast %add3A_551 : vector<16xf32> to vector<16xf32>
      tpu.vector_store %arg8[%swap3A_552], %swap3A_555 {strides = array<i32>} : memref<4352xf32, #tpu.memory_space<vmem>>, vector<16xf32>,
      %get3A_556 = arith.index_cast %add3A_547 : i32 to index
      %get3A_557 = tpu.vector_load %arg9[%get3A_556] {strides = array<i32>} : memref<4352xf32, #tpu.memory_space<vmem>>, vector<16xf32>,
      %get3A_558 = vector.shape_cast %get3A_557 : vector<16xf32> to vector<16xf32>
      %max3A_559 = arith.maximumf %get3A_558, %get3A_543 : vector<16xf32>
      %swap3A_560 = arith.index_cast %add3A_547 : i32 to index
      %swap3A_561 = tpu.vector_load %arg9[%swap3A_560] {strides = array<i32>} : memref<4352xf32, #tpu.memory_space<vmem>>, vector<16xf32>,
      %swap3A_562 = vector.shape_cast %swap3A_561 : vector<16xf32> to vector<16xf32>
      %swap3A_563 = vector.shape_cast %max3A_559 : vector<16xf32> to vector<16xf32>
      tpu.vector_store %arg9[%swap3A_560], %swap3A_563 {strides = array<i32>} : memref<4352xf32, #tpu.memory_space<vmem>>, vector<16xf32>,
      %slice3A_564 = vector.extract_strided_slice %get3A_27 {offsets = [9], sizes = [1], strides = [1]} : vector<16xi32> to vector<1xi32>
      %squeeze3A_565 = vector.extract %slice3A_564[0] : i32 from vector<1xi32>
      %mul3A_566 = arith.constant 16 : i32
      %mul3A_567 = arith.muli %scan3A_23, %mul3A_566 : i32
      %add3A_568 = arith.constant 9 : i32
      %add3A_569 = arith.addi %mul3A_567, %add3A_568 : i32
      %mul3A_570 = arith.constant 32 : i32
      %mul3A_571 = arith.muli %add3A_569, %mul3A_570 : i32
      %add3A_572 = arith.constant 0 : i32
      %add3A_573 = arith.addi %mul3A_571, %add3A_572 : i32
      %get3A_574 = arith.index_cast %add3A_573 : i32 to index
      %get3A_575 = tpu.vector_load %arg6[%get3A_574] {strides = array<i32>} : memref<10240xf32, #tpu.memory_space<vmem>>, vector<16xf32>,
      %get3A_576 = vector.shape_cast %get3A_575 : vector<16xf32> to vector<16xf32>
      %mul3A_577 = arith.constant 32 : i32
      %mul3A_578 = arith.muli %squeeze3A_565, %mul3A_577 : i32
      %add3A_579 = arith.constant 0 : i32
      %add3A_580 = arith.addi %mul3A_578, %add3A_579 : i32
      %get3A_581 = arith.index_cast %add3A_580 : i32 to index
      %get3A_582 = tpu.vector_load %arg8[%get3A_581] {strides = array<i32>} : memref<4352xf32, #tpu.memory_space<vmem>>, vector<16xf32>,
      %get3A_583 = vector.shape_cast %get3A_582 : vector<16xf32> to vector<16xf32>
      %add3A_584 = arith.addf %get3A_583, %get3A_576 : vector<16xf32>
      %swap3A_585 = arith.index_cast %add3A_580 : i32 to index
      %swap3A_586 = tpu.vector_load %arg8[%swap3A_585] {strides = array<i32>} : memref<4352xf32, #tpu.memory_space<vmem>>, vector<16xf32>,
      %swap3A_587 = vector.shape_cast %swap3A_586 : vector<16xf32> to vector<16xf32>
      %swap3A_588 = vector.shape_cast %add3A_584 : vector<16xf32> to vector<16xf32>
      tpu.vector_store %arg8[%swap3A_585], %swap3A_588 {strides = array<i32>} : memref<4352xf32, #tpu.memory_space<vmem>>, vector<16xf32>,
      %get3A_589 = arith.index_cast %add3A_580 : i32 to index
      %get3A_590 = tpu.vector_load %arg9[%get3A_589] {strides = array<i32>} : memref<4352xf32, #tpu.memory_space<vmem>>, vector<16xf32>,
      %get3A_591 = vector.shape_cast %get3A_590 : vector<16xf32> to vector<16xf32>
      %max3A_592 = arith.maximumf %get3A_591, %get3A_576 : vector<16xf32>
      %swap3A_593 = arith.index_cast %add3A_580 : i32 to index
      %swap3A_594 = tpu.vector_load %arg9[%swap3A_593] {strides = array<i32>} : memref<4352xf32, #tpu.memory_space<vmem>>, vector<16xf32>,
      %swap3A_595 = vector.shape_cast %swap3A_594 : vector<16xf32> to vector<16xf32>
      %swap3A_596 = vector.shape_cast %max3A_592 : vector<16xf32> to vector<16xf32>
      tpu.vector_store %arg9[%swap3A_593], %swap3A_596 {strides = array<i32>} : memref<4352xf32, #tpu.memory_space<vmem>>, vector<16xf32>,
      %mul3A_597 = arith.constant 32 : i32
      %mul3A_598 = arith.muli %add3A_569, %mul3A_597 : i32
      %add3A_599 = arith.constant 16 : i32
      %add3A_600 = arith.addi %mul3A_598, %add3A_599 : i32
      %get3A_601 = arith.index_cast %add3A_600 : i32 to index
      %get3A_602 = tpu.vector_load %arg6[%get3A_601] {strides = array<i32>} : memref<10240xf32, #tpu.memory_space<vmem>>, vector<16xf32>,
      %get3A_603 = vector.shape_cast %get3A_602 : vector<16xf32> to vector<16xf32>
      %mul3A_604 = arith.constant 32 : i32
      %mul3A_605 = arith.muli %squeeze3A_565, %mul3A_604 : i32
      %add3A_606 = arith.constant 16 : i32
      %add3A_607 = arith.addi %mul3A_605, %add3A_606 : i32
      %get3A_608 = arith.index_cast %add3A_607 : i32 to index
      %get3A_609 = tpu.vector_load %arg8[%get3A_608] {strides = array<i32>} : memref<4352xf32, #tpu.memory_space<vmem>>, vector<16xf32>,
      %get3A_610 = vector.shape_cast %get3A_609 : vector<16xf32> to vector<16xf32>
      %add3A_611 = arith.addf %get3A_610, %get3A_603 : vector<16xf32>
      %swap3A_612 = arith.index_cast %add3A_607 : i32 to index
      %swap3A_613 = tpu.vector_load %arg8[%swap3A_612] {strides = array<i32>} : memref<4352xf32, #tpu.memory_space<vmem>>, vector<16xf32>,
      %swap3A_614 = vector.shape_cast %swap3A_613 : vector<16xf32> to vector<16xf32>
      %swap3A_615 = vector.shape_cast %add3A_611 : vector<16xf32> to vector<16xf32>
      tpu.vector_store %arg8[%swap3A_612], %swap3A_615 {strides = array<i32>} : memref<4352xf32, #tpu.memory_space<vmem>>, vector<16xf32>,
      %get3A_616 = arith.index_cast %add3A_607 : i32 to index
      %get3A_617 = tpu.vector_load %arg9[%get3A_616] {strides = array<i32>} : memref<4352xf32, #tpu.memory_space<vmem>>, vector<16xf32>,
      %get3A_618 = vector.shape_cast %get3A_617 : vector<16xf32> to vector<16xf32>
      %max3A_619 = arith.maximumf %get3A_618, %get3A_603 : vector<16xf32>
      %swap3A_620 = arith.index_cast %add3A_607 : i32 to index
      %swap3A_621 = tpu.vector_load %arg9[%swap3A_620] {strides = array<i32>} : memref<4352xf32, #tpu.memory_space<vmem>>, vector<16xf32>,
      %swap3A_622 = vector.shape_cast %swap3A_621 : vector<16xf32> to vector<16xf32>
      %swap3A_623 = vector.shape_cast %max3A_619 : vector<16xf32> to vector<16xf32>
      tpu.vector_store %arg9[%swap3A_620], %swap3A_623 {strides = array<i32>} : memref<4352xf32, #tpu.memory_space<vmem>>, vector<16xf32>,
      %slice3A_624 = vector.extract_strided_slice %get3A_27 {offsets = [10], sizes = [1], strides = [1]} : vector<16xi32> to vector<1xi32>
      %squeeze3A_625 = vector.extract %slice3A_624[0] : i32 from vector<1xi32>
      %mul3A_626 = arith.constant 16 : i32
      %mul3A_627 = arith.muli %scan3A_23, %mul3A_626 : i32
      %add3A_628 = arith.constant 10 : i32
      %add3A_629 = arith.addi %mul3A_627, %add3A_628 : i32
      %mul3A_630 = arith.constant 32 : i32
      %mul3A_631 = arith.muli %add3A_629, %mul3A_630 : i32
      %add3A_632 = arith.constant 0 : i32
      %add3A_633 = arith.addi %mul3A_631, %add3A_632 : i32
      %get3A_634 = arith.index_cast %add3A_633 : i32 to index
      %get3A_635 = tpu.vector_load %arg6[%get3A_634] {strides = array<i32>} : memref<10240xf32, #tpu.memory_space<vmem>>, vector<16xf32>,
      %get3A_636 = vector.shape_cast %get3A_635 : vector<16xf32> to vector<16xf32>
      %mul3A_637 = arith.constant 32 : i32
      %mul3A_638 = arith.muli %squeeze3A_625, %mul3A_637 : i32
      %add3A_639 = arith.constant 0 : i32
      %add3A_640 = arith.addi %mul3A_638, %add3A_639 : i32
      %get3A_641 = arith.index_cast %add3A_640 : i32 to index
      %get3A_642 = tpu.vector_load %arg8[%get3A_641] {strides = array<i32>} : memref<4352xf32, #tpu.memory_space<vmem>>, vector<16xf32>,
      %get3A_643 = vector.shape_cast %get3A_642 : vector<16xf32> to vector<16xf32>
      %add3A_644 = arith.addf %get3A_643, %get3A_636 : vector<16xf32>
      %swap3A_645 = arith.index_cast %add3A_640 : i32 to index
      %swap3A_646 = tpu.vector_load %arg8[%swap3A_645] {strides = array<i32>} : memref<4352xf32, #tpu.memory_space<vmem>>, vector<16xf32>,
      %swap3A_647 = vector.shape_cast %swap3A_646 : vector<16xf32> to vector<16xf32>
      %swap3A_648 = vector.shape_cast %add3A_644 : vector<16xf32> to vector<16xf32>
      tpu.vector_store %arg8[%swap3A_645], %swap3A_648 {strides = array<i32>} : memref<4352xf32, #tpu.memory_space<vmem>>, vector<16xf32>,
      %get3A_649 = arith.index_cast %add3A_640 : i32 to index
      %get3A_650 = tpu.vector_load %arg9[%get3A_649] {strides = array<i32>} : memref<4352xf32, #tpu.memory_space<vmem>>, vector<16xf32>,
      %get3A_651 = vector.shape_cast %get3A_650 : vector<16xf32> to vector<16xf32>
      %max3A_652 = arith.maximumf %get3A_651, %get3A_636 : vector<16xf32>
      %swap3A_653 = arith.index_cast %add3A_640 : i32 to index
      %swap3A_654 = tpu.vector_load %arg9[%swap3A_653] {strides = array<i32>} : memref<4352xf32, #tpu.memory_space<vmem>>, vector<16xf32>,
      %swap3A_655 = vector.shape_cast %swap3A_654 : vector<16xf32> to vector<16xf32>
      %swap3A_656 = vector.shape_cast %max3A_652 : vector<16xf32> to vector<16xf32>
      tpu.vector_store %arg9[%swap3A_653], %swap3A_656 {strides = array<i32>} : memref<4352xf32, #tpu.memory_space<vmem>>, vector<16xf32>,
      %mul3A_657 = arith.constant 32 : i32
      %mul3A_658 = arith.muli %add3A_629, %mul3A_657 : i32
      %add3A_659 = arith.constant 16 : i32
      %add3A_660 = arith.addi %mul3A_658, %add3A_659 : i32
      %get3A_661 = arith.index_cast %add3A_660 : i32 to index
      %get3A_662 = tpu.vector_load %arg6[%get3A_661] {strides = array<i32>} : memref<10240xf32, #tpu.memory_space<vmem>>, vector<16xf32>,
      %get3A_663 = vector.shape_cast %get3A_662 : vector<16xf32> to vector<16xf32>
      %mul3A_664 = arith.constant 32 : i32
      %mul3A_665 = arith.muli %squeeze3A_625, %mul3A_664 : i32
      %add3A_666 = arith.constant 16 : i32
      %add3A_667 = arith.addi %mul3A_665, %add3A_666 : i32
      %get3A_668 = arith.index_cast %add3A_667 : i32 to index
      %get3A_669 = tpu.vector_load %arg8[%get3A_668] {strides = array<i32>} : memref<4352xf32, #tpu.memory_space<vmem>>, vector<16xf32>,
      %get3A_670 = vector.shape_cast %get3A_669 : vector<16xf32> to vector<16xf32>
      %add3A_671 = arith.addf %get3A_670, %get3A_663 : vector<16xf32>
      %swap3A_672 = arith.index_cast %add3A_667 : i32 to index
      %swap3A_673 = tpu.vector_load %arg8[%swap3A_672] {strides = array<i32>} : memref<4352xf32, #tpu.memory_space<vmem>>, vector<16xf32>,
      %swap3A_674 = vector.shape_cast %swap3A_673 : vector<16xf32> to vector<16xf32>
      %swap3A_675 = vector.shape_cast %add3A_671 : vector<16xf32> to vector<16xf32>
      tpu.vector_store %arg8[%swap3A_672], %swap3A_675 {strides = array<i32>} : memref<4352xf32, #tpu.memory_space<vmem>>, vector<16xf32>,
      %get3A_676 = arith.index_cast %add3A_667 : i32 to index
      %get3A_677 = tpu.vector_load %arg9[%get3A_676] {strides = array<i32>} : memref<4352xf32, #tpu.memory_space<vmem>>, vector<16xf32>,
      %get3A_678 = vector.shape_cast %get3A_677 : vector<16xf32> to vector<16xf32>
      %max3A_679 = arith.maximumf %get3A_678, %get3A_663 : vector<16xf32>
      %swap3A_680 = arith.index_cast %add3A_667 : i32 to index
      %swap3A_681 = tpu.vector_load %arg9[%swap3A_680] {strides = array<i32>} : memref<4352xf32, #tpu.memory_space<vmem>>, vector<16xf32>,
      %swap3A_682 = vector.shape_cast %swap3A_681 : vector<16xf32> to vector<16xf32>
      %swap3A_683 = vector.shape_cast %max3A_679 : vector<16xf32> to vector<16xf32>
      tpu.vector_store %arg9[%swap3A_680], %swap3A_683 {strides = array<i32>} : memref<4352xf32, #tpu.memory_space<vmem>>, vector<16xf32>,
      %slice3A_684 = vector.extract_strided_slice %get3A_27 {offsets = [11], sizes = [1], strides = [1]} : vector<16xi32> to vector<1xi32>
      %squeeze3A_685 = vector.extract %slice3A_684[0] : i32 from vector<1xi32>
      %mul3A_686 = arith.constant 16 : i32
      %mul3A_687 = arith.muli %scan3A_23, %mul3A_686 : i32
      %add3A_688 = arith.constant 11 : i32
      %add3A_689 = arith.addi %mul3A_687, %add3A_688 : i32
      %mul3A_690 = arith.constant 32 : i32
      %mul3A_691 = arith.muli %add3A_689, %mul3A_690 : i32
      %add3A_692 = arith.constant 0 : i32
      %add3A_693 = arith.addi %mul3A_691, %add3A_692 : i32
      %get3A_694 = arith.index_cast %add3A_693 : i32 to index
      %get3A_695 = tpu.vector_load %arg6[%get3A_694] {strides = array<i32>} : memref<10240xf32, #tpu.memory_space<vmem>>, vector<16xf32>,
      %get3A_696 = vector.shape_cast %get3A_695 : vector<16xf32> to vector<16xf32>
      %mul3A_697 = arith.constant 32 : i32
      %mul3A_698 = arith.muli %squeeze3A_685, %mul3A_697 : i32
      %add3A_699 = arith.constant 0 : i32
      %add3A_700 = arith.addi %mul3A_698, %add3A_699 : i32
      %get3A_701 = arith.index_cast %add3A_700 : i32 to index
      %get3A_702 = tpu.vector_load %arg8[%get3A_701] {strides = array<i32>} : memref<4352xf32, #tpu.memory_space<vmem>>, vector<16xf32>,
      %get3A_703 = vector.shape_cast %get3A_702 : vector<16xf32> to vector<16xf32>
      %add3A_704 = arith.addf %get3A_703, %get3A_696 : vector<16xf32>
      %swap3A_705 = arith.index_cast %add3A_700 : i32 to index
      %swap3A_706 = tpu.vector_load %arg8[%swap3A_705] {strides = array<i32>} : memref<4352xf32, #tpu.memory_space<vmem>>, vector<16xf32>,
      %swap3A_707 = vector.shape_cast %swap3A_706 : vector<16xf32> to vector<16xf32>
      %swap3A_708 = vector.shape_cast %add3A_704 : vector<16xf32> to vector<16xf32>
      tpu.vector_store %arg8[%swap3A_705], %swap3A_708 {strides = array<i32>} : memref<4352xf32, #tpu.memory_space<vmem>>, vector<16xf32>,
      %get3A_709 = arith.index_cast %add3A_700 : i32 to index
      %get3A_710 = tpu.vector_load %arg9[%get3A_709] {strides = array<i32>} : memref<4352xf32, #tpu.memory_space<vmem>>, vector<16xf32>,
      %get3A_711 = vector.shape_cast %get3A_710 : vector<16xf32> to vector<16xf32>
      %max3A_712 = arith.maximumf %get3A_711, %get3A_696 : vector<16xf32>
      %swap3A_713 = arith.index_cast %add3A_700 : i32 to index
      %swap3A_714 = tpu.vector_load %arg9[%swap3A_713] {strides = array<i32>} : memref<4352xf32, #tpu.memory_space<vmem>>, vector<16xf32>,
      %swap3A_715 = vector.shape_cast %swap3A_714 : vector<16xf32> to vector<16xf32>
      %swap3A_716 = vector.shape_cast %max3A_712 : vector<16xf32> to vector<16xf32>
      tpu.vector_store %arg9[%swap3A_713], %swap3A_716 {strides = array<i32>} : memref<4352xf32, #tpu.memory_space<vmem>>, vector<16xf32>,
      %mul3A_717 = arith.constant 32 : i32
      %mul3A_718 = arith.muli %add3A_689, %mul3A_717 : i32
      %add3A_719 = arith.constant 16 : i32
      %add3A_720 = arith.addi %mul3A_718, %add3A_719 : i32
      %get3A_721 = arith.index_cast %add3A_720 : i32 to index
      %get3A_722 = tpu.vector_load %arg6[%get3A_721] {strides = array<i32>} : memref<10240xf32, #tpu.memory_space<vmem>>, vector<16xf32>,
      %get3A_723 = vector.shape_cast %get3A_722 : vector<16xf32> to vector<16xf32>
      %mul3A_724 = arith.constant 32 : i32
      %mul3A_725 = arith.muli %squeeze3A_685, %mul3A_724 : i32
      %add3A_726 = arith.constant 16 : i32
      %add3A_727 = arith.addi %mul3A_725, %add3A_726 : i32
      %get3A_728 = arith.index_cast %add3A_727 : i32 to index
      %get3A_729 = tpu.vector_load %arg8[%get3A_728] {strides = array<i32>} : memref<4352xf32, #tpu.memory_space<vmem>>, vector<16xf32>,
      %get3A_730 = vector.shape_cast %get3A_729 : vector<16xf32> to vector<16xf32>
      %add3A_731 = arith.addf %get3A_730, %get3A_723 : vector<16xf32>
      %swap3A_732 = arith.index_cast %add3A_727 : i32 to index
      %swap3A_733 = tpu.vector_load %arg8[%swap3A_732] {strides = array<i32>} : memref<4352xf32, #tpu.memory_space<vmem>>, vector<16xf32>,
      %swap3A_734 = vector.shape_cast %swap3A_733 : vector<16xf32> to vector<16xf32>
      %swap3A_735 = vector.shape_cast %add3A_731 : vector<16xf32> to vector<16xf32>
      tpu.vector_store %arg8[%swap3A_732], %swap3A_735 {strides = array<i32>} : memref<4352xf32, #tpu.memory_space<vmem>>, vector<16xf32>,
      %get3A_736 = arith.index_cast %add3A_727 : i32 to index
      %get3A_737 = tpu.vector_load %arg9[%get3A_736] {strides = array<i32>} : memref<4352xf32, #tpu.memory_space<vmem>>, vector<16xf32>,
      %get3A_738 = vector.shape_cast %get3A_737 : vector<16xf32> to vector<16xf32>
      %max3A_739 = arith.maximumf %get3A_738, %get3A_723 : vector<16xf32>
      %swap3A_740 = arith.index_cast %add3A_727 : i32 to index
      %swap3A_741 = tpu.vector_load %arg9[%swap3A_740] {strides = array<i32>} : memref<4352xf32, #tpu.memory_space<vmem>>, vector<16xf32>,
      %swap3A_742 = vector.shape_cast %swap3A_741 : vector<16xf32> to vector<16xf32>
      %swap3A_743 = vector.shape_cast %max3A_739 : vector<16xf32> to vector<16xf32>
      tpu.vector_store %arg9[%swap3A_740], %swap3A_743 {strides = array<i32>} : memref<4352xf32, #tpu.memory_space<vmem>>, vector<16xf32>,
      %slice3A_744 = vector.extract_strided_slice %get3A_27 {offsets = [12], sizes = [1], strides = [1]} : vector<16xi32> to vector<1xi32>
      %squeeze3A_745 = vector.extract %slice3A_744[0] : i32 from vector<1xi32>
      %mul3A_746 = arith.constant 16 : i32
      %mul3A_747 = arith.muli %scan3A_23, %mul3A_746 : i32
      %add3A_748 = arith.constant 12 : i32
      %add3A_749 = arith.addi %mul3A_747, %add3A_748 : i32
      %mul3A_750 = arith.constant 32 : i32
      %mul3A_751 = arith.muli %add3A_749, %mul3A_750 : i32
      %add3A_752 = arith.constant 0 : i32
      %add3A_753 = arith.addi %mul3A_751, %add3A_752 : i32
      %get3A_754 = arith.index_cast %add3A_753 : i32 to index
      %get3A_755 = tpu.vector_load %arg6[%get3A_754] {strides = array<i32>} : memref<10240xf32, #tpu.memory_space<vmem>>, vector<16xf32>,
      %get3A_756 = vector.shape_cast %get3A_755 : vector<16xf32> to vector<16xf32>
      %mul3A_757 = arith.constant 32 : i32
      %mul3A_758 = arith.muli %squeeze3A_745, %mul3A_757 : i32
      %add3A_759 = arith.constant 0 : i32
      %add3A_760 = arith.addi %mul3A_758, %add3A_759 : i32
      %get3A_761 = arith.index_cast %add3A_760 : i32 to index
      %get3A_762 = tpu.vector_load %arg8[%get3A_761] {strides = array<i32>} : memref<4352xf32, #tpu.memory_space<vmem>>, vector<16xf32>,
      %get3A_763 = vector.shape_cast %get3A_762 : vector<16xf32> to vector<16xf32>
      %add3A_764 = arith.addf %get3A_763, %get3A_756 : vector<16xf32>
      %swap3A_765 = arith.index_cast %add3A_760 : i32 to index
      %swap3A_766 = tpu.vector_load %arg8[%swap3A_765] {strides = array<i32>} : memref<4352xf32, #tpu.memory_space<vmem>>, vector<16xf32>,
      %swap3A_767 = vector.shape_cast %swap3A_766 : vector<16xf32> to vector<16xf32>
      %swap3A_768 = vector.shape_cast %add3A_764 : vector<16xf32> to vector<16xf32>
      tpu.vector_store %arg8[%swap3A_765], %swap3A_768 {strides = array<i32>} : memref<4352xf32, #tpu.memory_space<vmem>>, vector<16xf32>,
      %get3A_769 = arith.index_cast %add3A_760 : i32 to index
      %get3A_770 = tpu.vector_load %arg9[%get3A_769] {strides = array<i32>} : memref<4352xf32, #tpu.memory_space<vmem>>, vector<16xf32>,
      %get3A_771 = vector.shape_cast %get3A_770 : vector<16xf32> to vector<16xf32>
      %max3A_772 = arith.maximumf %get3A_771, %get3A_756 : vector<16xf32>
      %swap3A_773 = arith.index_cast %add3A_760 : i32 to index
      %swap3A_774 = tpu.vector_load %arg9[%swap3A_773] {strides = array<i32>} : memref<4352xf32, #tpu.memory_space<vmem>>, vector<16xf32>,
      %swap3A_775 = vector.shape_cast %swap3A_774 : vector<16xf32> to vector<16xf32>
      %swap3A_776 = vector.shape_cast %max3A_772 : vector<16xf32> to vector<16xf32>
      tpu.vector_store %arg9[%swap3A_773], %swap3A_776 {strides = array<i32>} : memref<4352xf32, #tpu.memory_space<vmem>>, vector<16xf32>,
      %mul3A_777 = arith.constant 32 : i32
      %mul3A_778 = arith.muli %add3A_749, %mul3A_777 : i32
      %add3A_779 = arith.constant 16 : i32
      %add3A_780 = arith.addi %mul3A_778, %add3A_779 : i32
      %get3A_781 = arith.index_cast %add3A_780 : i32 to index
      %get3A_782 = tpu.vector_load %arg6[%get3A_781] {strides = array<i32>} : memref<10240xf32, #tpu.memory_space<vmem>>, vector<16xf32>,
      %get3A_783 = vector.shape_cast %get3A_782 : vector<16xf32> to vector<16xf32>
      %mul3A_784 = arith.constant 32 : i32
      %mul3A_785 = arith.muli %squeeze3A_745, %mul3A_784 : i32
      %add3A_786 = arith.constant 16 : i32
      %add3A_787 = arith.addi %mul3A_785, %add3A_786 : i32
      %get3A_788 = arith.index_cast %add3A_787 : i32 to index
      %get3A_789 = tpu.vector_load %arg8[%get3A_788] {strides = array<i32>} : memref<4352xf32, #tpu.memory_space<vmem>>, vector<16xf32>,
      %get3A_790 = vector.shape_cast %get3A_789 : vector<16xf32> to vector<16xf32>
      %add3A_791 = arith.addf %get3A_790, %get3A_783 : vector<16xf32>
      %swap3A_792 = arith.index_cast %add3A_787 : i32 to index
      %swap3A_793 = tpu.vector_load %arg8[%swap3A_792] {strides = array<i32>} : memref<4352xf32, #tpu.memory_space<vmem>>, vector<16xf32>,
      %swap3A_794 = vector.shape_cast %swap3A_793 : vector<16xf32> to vector<16xf32>
      %swap3A_795 = vector.shape_cast %add3A_791 : vector<16xf32> to vector<16xf32>
      tpu.vector_store %arg8[%swap3A_792], %swap3A_795 {strides = array<i32>} : memref<4352xf32, #tpu.memory_space<vmem>>, vector<16xf32>,
      %get3A_796 = arith.index_cast %add3A_787 : i32 to index
      %get3A_797 = tpu.vector_load %arg9[%get3A_796] {strides = array<i32>} : memref<4352xf32, #tpu.memory_space<vmem>>, vector<16xf32>,
      %get3A_798 = vector.shape_cast %get3A_797 : vector<16xf32> to vector<16xf32>
      %max3A_799 = arith.maximumf %get3A_798, %get3A_783 : vector<16xf32>
      %swap3A_800 = arith.index_cast %add3A_787 : i32 to index
      %swap3A_801 = tpu.vector_load %arg9[%swap3A_800] {strides = array<i32>} : memref<4352xf32, #tpu.memory_space<vmem>>, vector<16xf32>,
      %swap3A_802 = vector.shape_cast %swap3A_801 : vector<16xf32> to vector<16xf32>
      %swap3A_803 = vector.shape_cast %max3A_799 : vector<16xf32> to vector<16xf32>
      tpu.vector_store %arg9[%swap3A_800], %swap3A_803 {strides = array<i32>} : memref<4352xf32, #tpu.memory_space<vmem>>, vector<16xf32>,
      %slice3A_804 = vector.extract_strided_slice %get3A_27 {offsets = [13], sizes = [1], strides = [1]} : vector<16xi32> to vector<1xi32>
      %squeeze3A_805 = vector.extract %slice3A_804[0] : i32 from vector<1xi32>
      %mul3A_806 = arith.constant 16 : i32
      %mul3A_807 = arith.muli %scan3A_23, %mul3A_806 : i32
      %add3A_808 = arith.constant 13 : i32
      %add3A_809 = arith.addi %mul3A_807, %add3A_808 : i32
      %mul3A_810 = arith.constant 32 : i32
      %mul3A_811 = arith.muli %add3A_809, %mul3A_810 : i32
      %add3A_812 = arith.constant 0 : i32
      %add3A_813 = arith.addi %mul3A_811, %add3A_812 : i32
      %get3A_814 = arith.index_cast %add3A_813 : i32 to index
      %get3A_815 = tpu.vector_load %arg6[%get3A_814] {strides = array<i32>} : memref<10240xf32, #tpu.memory_space<vmem>>, vector<16xf32>,
      %get3A_816 = vector.shape_cast %get3A_815 : vector<16xf32> to vector<16xf32>
      %mul3A_817 = arith.constant 32 : i32
      %mul3A_818 = arith.muli %squeeze3A_805, %mul3A_817 : i32
      %add3A_819 = arith.constant 0 : i32
      %add3A_820 = arith.addi %mul3A_818, %add3A_819 : i32
      %get3A_821 = arith.index_cast %add3A_820 : i32 to index
      %get3A_822 = tpu.vector_load %arg8[%get3A_821] {strides = array<i32>} : memref<4352xf32, #tpu.memory_space<vmem>>, vector<16xf32>,
      %get3A_823 = vector.shape_cast %get3A_822 : vector<16xf32> to vector<16xf32>
      %add3A_824 = arith.addf %get3A_823, %get3A_816 : vector<16xf32>
      %swap3A_825 = arith.index_cast %add3A_820 : i32 to index
      %swap3A_826 = tpu.vector_load %arg8[%swap3A_825] {strides = array<i32>} : memref<4352xf32, #tpu.memory_space<vmem>>, vector<16xf32>,
      %swap3A_827 = vector.shape_cast %swap3A_826 : vector<16xf32> to vector<16xf32>
      %swap3A_828 = vector.shape_cast %add3A_824 : vector<16xf32> to vector<16xf32>
      tpu.vector_store %arg8[%swap3A_825], %swap3A_828 {strides = array<i32>} : memref<4352xf32, #tpu.memory_space<vmem>>, vector<16xf32>,
      %get3A_829 = arith.index_cast %add3A_820 : i32 to index
      %get3A_830 = tpu.vector_load %arg9[%get3A_829] {strides = array<i32>} : memref<4352xf32, #tpu.memory_space<vmem>>, vector<16xf32>,
      %get3A_831 = vector.shape_cast %get3A_830 : vector<16xf32> to vector<16xf32>
      %max3A_832 = arith.maximumf %get3A_831, %get3A_816 : vector<16xf32>
      %swap3A_833 = arith.index_cast %add3A_820 : i32 to index
      %swap3A_834 = tpu.vector_load %arg9[%swap3A_833] {strides = array<i32>} : memref<4352xf32, #tpu.memory_space<vmem>>, vector<16xf32>,
      %swap3A_835 = vector.shape_cast %swap3A_834 : vector<16xf32> to vector<16xf32>
      %swap3A_836 = vector.shape_cast %max3A_832 : vector<16xf32> to vector<16xf32>
      tpu.vector_store %arg9[%swap3A_833], %swap3A_836 {strides = array<i32>} : memref<4352xf32, #tpu.memory_space<vmem>>, vector<16xf32>,
      %mul3A_837 = arith.constant 32 : i32
      %mul3A_838 = arith.muli %add3A_809, %mul3A_837 : i32
      %add3A_839 = arith.constant 16 : i32
      %add3A_840 = arith.addi %mul3A_838, %add3A_839 : i32
      %get3A_841 = arith.index_cast %add3A_840 : i32 to index
      %get3A_842 = tpu.vector_load %arg6[%get3A_841] {strides = array<i32>} : memref<10240xf32, #tpu.memory_space<vmem>>, vector<16xf32>,
      %get3A_843 = vector.shape_cast %get3A_842 : vector<16xf32> to vector<16xf32>
      %mul3A_844 = arith.constant 32 : i32
      %mul3A_845 = arith.muli %squeeze3A_805, %mul3A_844 : i32
      %add3A_846 = arith.constant 16 : i32
      %add3A_847 = arith.addi %mul3A_845, %add3A_846 : i32
      %get3A_848 = arith.index_cast %add3A_847 : i32 to index
      %get3A_849 = tpu.vector_load %arg8[%get3A_848] {strides = array<i32>} : memref<4352xf32, #tpu.memory_space<vmem>>, vector<16xf32>,
      %get3A_850 = vector.shape_cast %get3A_849 : vector<16xf32> to vector<16xf32>
      %add3A_851 = arith.addf %get3A_850, %get3A_843 : vector<16xf32>
      %swap3A_852 = arith.index_cast %add3A_847 : i32 to index
      %swap3A_853 = tpu.vector_load %arg8[%swap3A_852] {strides = array<i32>} : memref<4352xf32, #tpu.memory_space<vmem>>, vector<16xf32>,
      %swap3A_854 = vector.shape_cast %swap3A_853 : vector<16xf32> to vector<16xf32>
      %swap3A_855 = vector.shape_cast %add3A_851 : vector<16xf32> to vector<16xf32>
      tpu.vector_store %arg8[%swap3A_852], %swap3A_855 {strides = array<i32>} : memref<4352xf32, #tpu.memory_space<vmem>>, vector<16xf32>,
      %get3A_856 = arith.index_cast %add3A_847 : i32 to index
      %get3A_857 = tpu.vector_load %arg9[%get3A_856] {strides = array<i32>} : memref<4352xf32, #tpu.memory_space<vmem>>, vector<16xf32>,
      %get3A_858 = vector.shape_cast %get3A_857 : vector<16xf32> to vector<16xf32>
      %max3A_859 = arith.maximumf %get3A_858, %get3A_843 : vector<16xf32>
      %swap3A_860 = arith.index_cast %add3A_847 : i32 to index
      %swap3A_861 = tpu.vector_load %arg9[%swap3A_860] {strides = array<i32>} : memref<4352xf32, #tpu.memory_space<vmem>>, vector<16xf32>,
      %swap3A_862 = vector.shape_cast %swap3A_861 : vector<16xf32> to vector<16xf32>
      %swap3A_863 = vector.shape_cast %max3A_859 : vector<16xf32> to vector<16xf32>
      tpu.vector_store %arg9[%swap3A_860], %swap3A_863 {strides = array<i32>} : memref<4352xf32, #tpu.memory_space<vmem>>, vector<16xf32>,
      %slice3A_864 = vector.extract_strided_slice %get3A_27 {offsets = [14], sizes = [1], strides = [1]} : vector<16xi32> to vector<1xi32>
      %squeeze3A_865 = vector.extract %slice3A_864[0] : i32 from vector<1xi32>
      %mul3A_866 = arith.constant 16 : i32
      %mul3A_867 = arith.muli %scan3A_23, %mul3A_866 : i32
      %add3A_868 = arith.constant 14 : i32
      %add3A_869 = arith.addi %mul3A_867, %add3A_868 : i32
      %mul3A_870 = arith.constant 32 : i32
      %mul3A_871 = arith.muli %add3A_869, %mul3A_870 : i32
      %add3A_872 = arith.constant 0 : i32
      %add3A_873 = arith.addi %mul3A_871, %add3A_872 : i32
      %get3A_874 = arith.index_cast %add3A_873 : i32 to index
      %get3A_875 = tpu.vector_load %arg6[%get3A_874] {strides = array<i32>} : memref<10240xf32, #tpu.memory_space<vmem>>, vector<16xf32>,
      %get3A_876 = vector.shape_cast %get3A_875 : vector<16xf32> to vector<16xf32>
      %mul3A_877 = arith.constant 32 : i32
      %mul3A_878 = arith.muli %squeeze3A_865, %mul3A_877 : i32
      %add3A_879 = arith.constant 0 : i32
      %add3A_880 = arith.addi %mul3A_878, %add3A_879 : i32
      %get3A_881 = arith.index_cast %add3A_880 : i32 to index
      %get3A_882 = tpu.vector_load %arg8[%get3A_881] {strides = array<i32>} : memref<4352xf32, #tpu.memory_space<vmem>>, vector<16xf32>,
      %get3A_883 = vector.shape_cast %get3A_882 : vector<16xf32> to vector<16xf32>
      %add3A_884 = arith.addf %get3A_883, %get3A_876 : vector<16xf32>
      %swap3A_885 = arith.index_cast %add3A_880 : i32 to index
      %swap3A_886 = tpu.vector_load %arg8[%swap3A_885] {strides = array<i32>} : memref<4352xf32, #tpu.memory_space<vmem>>, vector<16xf32>,
      %swap3A_887 = vector.shape_cast %swap3A_886 : vector<16xf32> to vector<16xf32>
      %swap3A_888 = vector.shape_cast %add3A_884 : vector<16xf32> to vector<16xf32>
      tpu.vector_store %arg8[%swap3A_885], %swap3A_888 {strides = array<i32>} : memref<4352xf32, #tpu.memory_space<vmem>>, vector<16xf32>,
      %get3A_889 = arith.index_cast %add3A_880 : i32 to index
      %get3A_890 = tpu.vector_load %arg9[%get3A_889] {strides = array<i32>} : memref<4352xf32, #tpu.memory_space<vmem>>, vector<16xf32>,
      %get3A_891 = vector.shape_cast %get3A_890 : vector<16xf32> to vector<16xf32>
      %max3A_892 = arith.maximumf %get3A_891, %get3A_876 : vector<16xf32>
      %swap3A_893 = arith.index_cast %add3A_880 : i32 to index
      %swap3A_894 = tpu.vector_load %arg9[%swap3A_893] {strides = array<i32>} : memref<4352xf32, #tpu.memory_space<vmem>>, vector<16xf32>,
      %swap3A_895 = vector.shape_cast %swap3A_894 : vector<16xf32> to vector<16xf32>
      %swap3A_896 = vector.shape_cast %max3A_892 : vector<16xf32> to vector<16xf32>
      tpu.vector_store %arg9[%swap3A_893], %swap3A_896 {strides = array<i32>} : memref<4352xf32, #tpu.memory_space<vmem>>, vector<16xf32>,
      %mul3A_897 = arith.constant 32 : i32
      %mul3A_898 = arith.muli %add3A_869, %mul3A_897 : i32
      %add3A_899 = arith.constant 16 : i32
      %add3A_900 = arith.addi %mul3A_898, %add3A_899 : i32
      %get3A_901 = arith.index_cast %add3A_900 : i32 to index
      %get3A_902 = tpu.vector_load %arg6[%get3A_901] {strides = array<i32>} : memref<10240xf32, #tpu.memory_space<vmem>>, vector<16xf32>,
      %get3A_903 = vector.shape_cast %get3A_902 : vector<16xf32> to vector<16xf32>
      %mul3A_904 = arith.constant 32 : i32
      %mul3A_905 = arith.muli %squeeze3A_865, %mul3A_904 : i32
      %add3A_906 = arith.constant 16 : i32
      %add3A_907 = arith.addi %mul3A_905, %add3A_906 : i32
      %get3A_908 = arith.index_cast %add3A_907 : i32 to index
      %get3A_909 = tpu.vector_load %arg8[%get3A_908] {strides = array<i32>} : memref<4352xf32, #tpu.memory_space<vmem>>, vector<16xf32>,
      %get3A_910 = vector.shape_cast %get3A_909 : vector<16xf32> to vector<16xf32>
      %add3A_911 = arith.addf %get3A_910, %get3A_903 : vector<16xf32>
      %swap3A_912 = arith.index_cast %add3A_907 : i32 to index
      %swap3A_913 = tpu.vector_load %arg8[%swap3A_912] {strides = array<i32>} : memref<4352xf32, #tpu.memory_space<vmem>>, vector<16xf32>,
      %swap3A_914 = vector.shape_cast %swap3A_913 : vector<16xf32> to vector<16xf32>
      %swap3A_915 = vector.shape_cast %add3A_911 : vector<16xf32> to vector<16xf32>
      tpu.vector_store %arg8[%swap3A_912], %swap3A_915 {strides = array<i32>} : memref<4352xf32, #tpu.memory_space<vmem>>, vector<16xf32>,
      %get3A_916 = arith.index_cast %add3A_907 : i32 to index
      %get3A_917 = tpu.vector_load %arg9[%get3A_916] {strides = array<i32>} : memref<4352xf32, #tpu.memory_space<vmem>>, vector<16xf32>,
      %get3A_918 = vector.shape_cast %get3A_917 : vector<16xf32> to vector<16xf32>
      %max3A_919 = arith.maximumf %get3A_918, %get3A_903 : vector<16xf32>
      %swap3A_920 = arith.index_cast %add3A_907 : i32 to index
      %swap3A_921 = tpu.vector_load %arg9[%swap3A_920] {strides = array<i32>} : memref<4352xf32, #tpu.memory_space<vmem>>, vector<16xf32>,
      %swap3A_922 = vector.shape_cast %swap3A_921 : vector<16xf32> to vector<16xf32>
      %swap3A_923 = vector.shape_cast %max3A_919 : vector<16xf32> to vector<16xf32>
      tpu.vector_store %arg9[%swap3A_920], %swap3A_923 {strides = array<i32>} : memref<4352xf32, #tpu.memory_space<vmem>>, vector<16xf32>,
      %slice3A_924 = vector.extract_strided_slice %get3A_27 {offsets = [15], sizes = [1], strides = [1]} : vector<16xi32> to vector<1xi32>
      %squeeze3A_925 = vector.extract %slice3A_924[0] : i32 from vector<1xi32>
      %mul3A_926 = arith.constant 16 : i32
      %mul3A_927 = arith.muli %scan3A_23, %mul3A_926 : i32
      %add3A_928 = arith.constant 15 : i32
      %add3A_929 = arith.addi %mul3A_927, %add3A_928 : i32
      %mul3A_930 = arith.constant 32 : i32
      %mul3A_931 = arith.muli %add3A_929, %mul3A_930 : i32
      %add3A_932 = arith.constant 0 : i32
      %add3A_933 = arith.addi %mul3A_931, %add3A_932 : i32
      %get3A_934 = arith.index_cast %add3A_933 : i32 to index
      %get3A_935 = tpu.vector_load %arg6[%get3A_934] {strides = array<i32>} : memref<10240xf32, #tpu.memory_space<vmem>>, vector<16xf32>,
      %get3A_936 = vector.shape_cast %get3A_935 : vector<16xf32> to vector<16xf32>
      %mul3A_937 = arith.constant 32 : i32
      %mul3A_938 = arith.muli %squeeze3A_925, %mul3A_937 : i32
      %add3A_939 = arith.constant 0 : i32
      %add3A_940 = arith.addi %mul3A_938, %add3A_939 : i32
      %get3A_941 = arith.index_cast %add3A_940 : i32 to index
      %get3A_942 = tpu.vector_load %arg8[%get3A_941] {strides = array<i32>} : memref<4352xf32, #tpu.memory_space<vmem>>, vector<16xf32>,
      %get3A_943 = vector.shape_cast %get3A_942 : vector<16xf32> to vector<16xf32>
      %add3A_944 = arith.addf %get3A_943, %get3A_936 : vector<16xf32>
      %swap3A_945 = arith.index_cast %add3A_940 : i32 to index
      %swap3A_946 = tpu.vector_load %arg8[%swap3A_945] {strides = array<i32>} : memref<4352xf32, #tpu.memory_space<vmem>>, vector<16xf32>,
      %swap3A_947 = vector.shape_cast %swap3A_946 : vector<16xf32> to vector<16xf32>
      %swap3A_948 = vector.shape_cast %add3A_944 : vector<16xf32> to vector<16xf32>
      tpu.vector_store %arg8[%swap3A_945], %swap3A_948 {strides = array<i32>} : memref<4352xf32, #tpu.memory_space<vmem>>, vector<16xf32>,
      %get3A_949 = arith.index_cast %add3A_940 : i32 to index
      %get3A_950 = tpu.vector_load %arg9[%get3A_949] {strides = array<i32>} : memref<4352xf32, #tpu.memory_space<vmem>>, vector<16xf32>,
      %get3A_951 = vector.shape_cast %get3A_950 : vector<16xf32> to vector<16xf32>
      %max3A_952 = arith.maximumf %get3A_951, %get3A_936 : vector<16xf32>
      %swap3A_953 = arith.index_cast %add3A_940 : i32 to index
      %swap3A_954 = tpu.vector_load %arg9[%swap3A_953] {strides = array<i32>} : memref<4352xf32, #tpu.memory_space<vmem>>, vector<16xf32>,
      %swap3A_955 = vector.shape_cast %swap3A_954 : vector<16xf32> to vector<16xf32>
      %swap3A_956 = vector.shape_cast %max3A_952 : vector<16xf32> to vector<16xf32>
      tpu.vector_store %arg9[%swap3A_953], %swap3A_956 {strides = array<i32>} : memref<4352xf32, #tpu.memory_space<vmem>>, vector<16xf32>,
      %mul3A_957 = arith.constant 32 : i32
      %mul3A_958 = arith.muli %add3A_929, %mul3A_957 : i32
      %add3A_959 = arith.constant 16 : i32
      %add3A_960 = arith.addi %mul3A_958, %add3A_959 : i32
      %get3A_961 = arith.index_cast %add3A_960 : i32 to index
      %get3A_962 = tpu.vector_load %arg6[%get3A_961] {strides = array<i32>} : memref<10240xf32, #tpu.memory_space<vmem>>, vector<16xf32>,
      %get3A_963 = vector.shape_cast %get3A_962 : vector<16xf32> to vector<16xf32>
      %mul3A_964 = arith.constant 32 : i32
      %mul3A_965 = arith.muli %squeeze3A_925, %mul3A_964 : i32
      %add3A_966 = arith.constant 16 : i32
      %add3A_967 = arith.addi %mul3A_965, %add3A_966 : i32
      %get3A_968 = arith.index_cast %add3A_967 : i32 to index
      %get3A_969 = tpu.vector_load %arg8[%get3A_968] {strides = array<i32>} : memref<4352xf32, #tpu.memory_space<vmem>>, vector<16xf32>,
      %get3A_970 = vector.shape_cast %get3A_969 : vector<16xf32> to vector<16xf32>
      %add3A_971 = arith.addf %get3A_970, %get3A_963 : vector<16xf32>
      %swap3A_972 = arith.index_cast %add3A_967 : i32 to index
      %swap3A_973 = tpu.vector_load %arg8[%swap3A_972] {strides = array<i32>} : memref<4352xf32, #tpu.memory_space<vmem>>, vector<16xf32>,
      %swap3A_974 = vector.shape_cast %swap3A_973 : vector<16xf32> to vector<16xf32>
      %swap3A_975 = vector.shape_cast %add3A_971 : vector<16xf32> to vector<16xf32>
      tpu.vector_store %arg8[%swap3A_972], %swap3A_975 {strides = array<i32>} : memref<4352xf32, #tpu.memory_space<vmem>>, vector<16xf32>,
      %get3A_976 = arith.index_cast %add3A_967 : i32 to index
      %get3A_977 = tpu.vector_load %arg9[%get3A_976] {strides = array<i32>} : memref<4352xf32, #tpu.memory_space<vmem>>, vector<16xf32>,
      %get3A_978 = vector.shape_cast %get3A_977 : vector<16xf32> to vector<16xf32>
      %max3A_979 = arith.maximumf %get3A_978, %get3A_963 : vector<16xf32>
      %swap3A_980 = arith.index_cast %add3A_967 : i32 to index
      %swap3A_981 = tpu.vector_load %arg9[%swap3A_980] {strides = array<i32>} : memref<4352xf32, #tpu.memory_space<vmem>>, vector<16xf32>,
      %swap3A_982 = vector.shape_cast %swap3A_981 : vector<16xf32> to vector<16xf32>
      %swap3A_983 = vector.shape_cast %max3A_979 : vector<16xf32> to vector<16xf32>
      tpu.vector_store %arg9[%swap3A_980], %swap3A_983 {strides = array<i32>} : memref<4352xf32, #tpu.memory_space<vmem>>, vector<16xf32>,
    }
    %scan3A_18 = arith.constant 20 : i32
    %mul3A_19 = arith.constant 4096 : i32
    %mul3A_20 = arith.muli %add3A, %mul3A_19 : i32
    "tpu.region"() ({
      %run_scoped3A = tpu.sem_alloc : memref<!tpu.dma_semaphore, #tpu.memory_space<semaphore_mem>>
      %dma_start3A = arith.constant 0 : i32
      %dma_start3A_23 = tpu.memref_slice %arg8[%dma_start3A] : memref<4352xf32, #tpu.memory_space<vmem>> -> memref<4096xf32, #tpu.memory_space<vmem>>
      %dma_start3A_24 = tpu.memref_slice %arg4[%mul3A_20] : memref<131072xf32, #tpu.memory_space<hbm>> -> memref<4096xf32, #tpu.memory_space<hbm>>
      %dma_start3A_25 = tpu.memref_slice %arg4[%mul3A_20] : memref<131072xf32, #tpu.memory_space<hbm>> -> memref<4096xf32, #tpu.memory_space<hbm>>
      %dma_start3A_26 = arith.constant 0 : i32
      %dma_start3A_27 = tpu.memref_slice %arg8[%dma_start3A_26] : memref<4352xf32, #tpu.memory_space<vmem>> -> memref<4096xf32, #tpu.memory_space<vmem>>
      tpu.enqueue_dma source(%dma_start3A_27 : memref<4096xf32, #tpu.memory_space<vmem>>) target(%dma_start3A_25 : memref<4096xf32, #tpu.memory_space<hbm>>) target_semaphore(%run_scoped3A : memref<!tpu.dma_semaphore, #tpu.memory_space<semaphore_mem>>)
      %dma_wait3A = arith.constant 0 : i32
      %dma_wait3A_28 = tpu.memref_slice %arg8[%dma_wait3A] : memref<4352xf32, #tpu.memory_space<vmem>> -> memref<4096xf32, #tpu.memory_space<vmem>>
      %dma_wait3A_29 = tpu.memref_slice %arg4[%mul3A_20] : memref<131072xf32, #tpu.memory_space<hbm>> -> memref<4096xf32, #tpu.memory_space<hbm>>
      %dma_wait3A_30 = tpu.memref_slice %arg4[%mul3A_20] : memref<131072xf32, #tpu.memory_space<hbm>> -> memref<4096xf32, #tpu.memory_space<hbm>>
      %dma_wait3A_31 = arith.constant 0 : i32
      %dma_wait3A_32 = tpu.memref_slice %arg8[%dma_wait3A_31] : memref<4352xf32, #tpu.memory_space<vmem>> -> memref<4096xf32, #tpu.memory_space<vmem>>
      tpu.wait_dma2 semaphore(%run_scoped3A : memref<!tpu.dma_semaphore, #tpu.memory_space<semaphore_mem>>) src(%dma_wait3A_32 : memref<4096xf32, #tpu.memory_space<vmem>>) dst(%dma_wait3A_30 : memref<4096xf32, #tpu.memory_space<hbm>>)
      tpu.yield
    }) : () -> ()
    %mul3A_21 = arith.constant 4096 : i32
    %mul3A_22 = arith.muli %add3A, %mul3A_21 : i32
    "tpu.region"() ({
      %run_scoped3A = tpu.sem_alloc : memref<!tpu.dma_semaphore, #tpu.memory_space<semaphore_mem>>
      %dma_start3A = arith.constant 0 : i32
      %dma_start3A_23 = tpu.memref_slice %arg9[%dma_start3A] : memref<4352xf32, #tpu.memory_space<vmem>> -> memref<4096xf32, #tpu.memory_space<vmem>>
      %dma_start3A_24 = tpu.memref_slice %arg5[%mul3A_22] : memref<131072xf32, #tpu.memory_space<hbm>> -> memref<4096xf32, #tpu.memory_space<hbm>>
      %dma_start3A_25 = tpu.memref_slice %arg5[%mul3A_22] : memref<131072xf32, #tpu.memory_space<hbm>> -> memref<4096xf32, #tpu.memory_space<hbm>>
      %dma_start3A_26 = arith.constant 0 : i32
      %dma_start3A_27 = tpu.memref_slice %arg9[%dma_start3A_26] : memref<4352xf32, #tpu.memory_space<vmem>> -> memref<4096xf32, #tpu.memory_space<vmem>>
      tpu.enqueue_dma source(%dma_start3A_27 : memref<4096xf32, #tpu.memory_space<vmem>>) target(%dma_start3A_25 : memref<4096xf32, #tpu.memory_space<hbm>>) target_semaphore(%run_scoped3A : memref<!tpu.dma_semaphore, #tpu.memory_space<semaphore_mem>>)
      %dma_wait3A = arith.constant 0 : i32
      %dma_wait3A_28 = tpu.memref_slice %arg9[%dma_wait3A] : memref<4352xf32, #tpu.memory_space<vmem>> -> memref<4096xf32, #tpu.memory_space<vmem>>
      %dma_wait3A_29 = tpu.memref_slice %arg5[%mul3A_22] : memref<131072xf32, #tpu.memory_space<hbm>> -> memref<4096xf32, #tpu.memory_space<hbm>>
      %dma_wait3A_30 = tpu.memref_slice %arg5[%mul3A_22] : memref<131072xf32, #tpu.memory_space<hbm>> -> memref<4096xf32, #tpu.memory_space<hbm>>
      %dma_wait3A_31 = arith.constant 0 : i32
      %dma_wait3A_32 = tpu.memref_slice %arg9[%dma_wait3A_31] : memref<4352xf32, #tpu.memory_space<vmem>> -> memref<4096xf32, #tpu.memory_space<vmem>>
      tpu.wait_dma2 semaphore(%run_scoped3A : memref<!tpu.dma_semaphore, #tpu.memory_space<semaphore_mem>>) src(%dma_wait3A_32 : memref<4096xf32, #tpu.memory_space<vmem>>) dst(%dma_wait3A_30 : memref<4096xf32, #tpu.memory_space<hbm>>)
      tpu.yield
    }) : () -> ()
    return
  }
}

module attributes {stable_mosaic.version = 14 : i64} {
  func.func @_prep_body(%arg0: i32, %arg1: memref<632x128xf32, #tpu.memory_space<vmem>>, %arg2: memref<632x128xf32, #tpu.memory_space<vmem>>, %arg3: memref<632x128xf32, #tpu.memory_space<vmem>>, %arg4: memref<128x32xf32, #tpu.memory_space<vmem>>, %arg5: memref<632x1xf32, #tpu.memory_space<vmem>>, %arg6: memref<632x128xf32, #tpu.memory_space<vmem>>) attributes {dimension_semantics = [#tpu.dimension_semantics<arbitrary>], iteration_bounds = array<i64: 16>, scalar_prefetch = 0 : i64, scratch_operands = 0 : i64, tpu.core_type = #tpu.core_type<tc>, window_params = [{transform_indices = @transform_0, window_bounds = array<i64: 632, 128>}, {transform_indices = @transform_1, window_bounds = array<i64: 632, 128>}, {transform_indices = @transform_2, window_bounds = array<i64: 632, 128>}, {pipeline_mode = #tpu.pipeline_mode<synchronous>, transform_indices = @transform_3, window_bounds = array<i64: 128, 32>}, {transform_indices = @transform_4, window_bounds = array<i64: 632, 1>}, {transform_indices = @transform_5, window_bounds = array<i64: 632, 128>}]} {
    %get3A = arith.constant 0 : index
    %get3A_0 = arith.constant 0 : index
    %get3A_1 = vector.load %arg1[%get3A, %get3A_0] : memref<632x128xf32, #tpu.memory_space<vmem>>, vector<632x1xf32>
    %get3A_2 = arith.constant 0 : index
    %get3A_3 = arith.constant 0 : index
    %get3A_4 = vector.load %arg2[%get3A_2, %get3A_3] : memref<632x128xf32, #tpu.memory_space<vmem>>, vector<632x1xf32>
    %add3A = arith.addf %get3A_1, %get3A_4 : vector<632x1xf32>
    %add3A_5 = arith.constant 1.000000e+00 : f32
    %add3A_6 = vector.broadcast %add3A_5 : f32 to vector<632x1xf32>
    %add3A_7 = arith.addf %add3A, %add3A_6 : vector<632x1xf32>
    %rsqrt3A = math.rsqrt %add3A_7 : vector<632x1xf32>
    %swap3A = arith.constant 0 : index
    %swap3A_8 = arith.constant 0 : index
    %swap3A_9 = vector.load %arg5[%swap3A, %swap3A_8] : memref<632x1xf32, #tpu.memory_space<vmem>>, vector<632x1xf32>
    tpu.vector_store %arg5[%swap3A, %swap3A_8], %rsqrt3A {strides = array<i32>} : memref<632x1xf32, #tpu.memory_space<vmem>>, vector<632x1xf32>,
    %get3A_10 = arith.constant 0 : index
    %get3A_11 = arith.constant 0 : index
    %get3A_12 = vector.load %arg3[%get3A_10, %get3A_11] : memref<632x128xf32, #tpu.memory_space<vmem>>, vector<632x128xf32>
    %get3A_13 = arith.constant 0 : index
    %get3A_14 = arith.constant 0 : index
    %get3A_15 = vector.load %arg4[%get3A_13, %get3A_14] : memref<128x32xf32, #tpu.memory_space<vmem>>, vector<128x32xf32>
    %dot_general3A = arith.constant dense<0.000000e+00> : vector<632x32xf32>
    %dot_general3A_16 = tpu.matmul %get3A_12, %get3A_15, %dot_general3A {dimension_numbers = #tpu.dot_dimension_numbers<[1], [0], [0], [1], [0, 0, 1, 1], [], []>, transpose_lhs_hint = false} : vector<632x128xf32>, vector<128x32xf32>, vector<632x32xf32> -> vector<632x32xf32>
    %mul3A = vector.broadcast %rsqrt3A : vector<632x1xf32> to vector<632x32xf32>
    %mul3A_17 = arith.mulf %mul3A, %dot_general3A_16 : vector<632x32xf32>
    %broadcast_in_dim3A = arith.constant 0.000000e+00 : f32
    %broadcast_in_dim3A_18 = vector.broadcast %broadcast_in_dim3A : f32 to vector<632x96xf32>
    %concatenate3A = tpu.concatenate %mul3A_17, %broadcast_in_dim3A_18 in 1 : vector<632x32xf32>, vector<632x96xf32> -> vector<632x128xf32>
    %swap3A_19 = arith.constant 0 : index
    %swap3A_20 = arith.constant 0 : index
    %swap3A_21 = vector.load %arg6[%swap3A_19, %swap3A_20] : memref<632x128xf32, #tpu.memory_space<vmem>>, vector<632x128xf32>
    tpu.vector_store %arg6[%swap3A_19, %swap3A_20], %concatenate3A {strides = array<i32>} : memref<632x128xf32, #tpu.memory_space<vmem>>, vector<632x128xf32>,
    return
  }
  func.func @transform_0(%arg0: i32) -> (i32, i32) {
    %c0_i32 = arith.constant 0 : i32
    %c0_i32_0 = arith.constant 0 : i32
    return %arg0, %c0_i32 : i32, i32
  }
  func.func @transform_1(%arg0: i32) -> (i32, i32) {
    %c0_i32 = arith.constant 0 : i32
    %c0_i32_0 = arith.constant 0 : i32
    return %arg0, %c0_i32 : i32, i32
  }
  func.func @transform_2(%arg0: i32) -> (i32, i32) {
    %c0_i32 = arith.constant 0 : i32
    %c0_i32_0 = arith.constant 0 : i32
    return %arg0, %c0_i32 : i32, i32
  }
  func.func @transform_3(%arg0: i32) -> (i32, i32) {
    %c0_i32 = arith.constant 0 : i32
    %c0_i32_0 = arith.constant 0 : i32
    %c0_i32_1 = arith.constant 0 : i32
    return %c0_i32, %c0_i32_0 : i32, i32
  }
  func.func @transform_4(%arg0: i32) -> (i32, i32) {
    %c0_i32 = arith.constant 0 : i32
    %c0_i32_0 = arith.constant 0 : i32
    return %arg0, %c0_i32 : i32, i32
  }
  func.func @transform_5(%arg0: i32) -> (i32, i32) {
    %c0_i32 = arith.constant 0 : i32
    %c0_i32_0 = arith.constant 0 : i32
    return %arg0, %c0_i32 : i32, i32
  }
}

module attributes {stable_mosaic.version = 14 : i64} {
  func.func @_mid_body(%arg0: i32, %arg1: memref<632x128xf32, #tpu.memory_space<vmem>>, %arg2: memref<632x128xf32, #tpu.memory_space<vmem>>, %arg3: memref<632x128xf32, #tpu.memory_space<vmem>>, %arg4: memref<632x1xf32, #tpu.memory_space<vmem>>, %arg5: memref<1x32xf32, #tpu.memory_space<vmem>>, %arg6: memref<32x32xf32, #tpu.memory_space<vmem>>, %arg7: memref<632x128xf32, #tpu.memory_space<vmem>>) attributes {dimension_semantics = [#tpu.dimension_semantics<arbitrary>], iteration_bounds = array<i64: 16>, scalar_prefetch = 0 : i64, scratch_operands = 0 : i64, tpu.core_type = #tpu.core_type<tc>, window_params = [{transform_indices = @transform_0, window_bounds = array<i64: 632, 128>}, {transform_indices = @transform_1, window_bounds = array<i64: 632, 128>}, {transform_indices = @transform_2, window_bounds = array<i64: 632, 128>}, {transform_indices = @transform_3, window_bounds = array<i64: 632, 1>}, {pipeline_mode = #tpu.pipeline_mode<synchronous>, transform_indices = @transform_4, window_bounds = array<i64: 1, 32>}, {pipeline_mode = #tpu.pipeline_mode<synchronous>, transform_indices = @transform_5, window_bounds = array<i64: 32, 32>}, {transform_indices = @transform_6, window_bounds = array<i64: 632, 128>}]} {
    %get3A = arith.constant 0 : index
    %get3A_0 = arith.constant 0 : index
    %get3A_1 = vector.load %arg4[%get3A, %get3A_0] : memref<632x1xf32, #tpu.memory_space<vmem>>, vector<632x1xf32>
    %get3A_2 = arith.constant 0 : index
    %get3A_3 = arith.constant 0 : index
    %get3A_4 = vector.load %arg1[%get3A_2, %get3A_3] : memref<632x128xf32, #tpu.memory_space<vmem>>, vector<632x32xf32>
    %get3A_5 = arith.constant 0 : index
    %get3A_6 = arith.constant 0 : index
    %get3A_7 = vector.load %arg2[%get3A_5, %get3A_6] : memref<632x128xf32, #tpu.memory_space<vmem>>, vector<632x32xf32>
    %add3A = arith.addf %get3A_4, %get3A_7 : vector<632x32xf32>
    %get3A_8 = arith.constant 0 : index
    %get3A_9 = arith.constant 0 : index
    %get3A_10 = vector.load %arg3[%get3A_8, %get3A_9] : memref<632x128xf32, #tpu.memory_space<vmem>>, vector<632x32xf32>
    %add3A_11 = arith.addf %add3A, %get3A_10 : vector<632x32xf32>
    %mul3A = vector.broadcast %get3A_1 : vector<632x1xf32> to vector<632x32xf32>
    %mul3A_12 = arith.mulf %mul3A, %add3A_11 : vector<632x32xf32>
    %get3A_13 = arith.constant 0 : index
    %get3A_14 = arith.constant 0 : index
    %get3A_15 = vector.load %arg5[%get3A_13, %get3A_14] : memref<1x32xf32, #tpu.memory_space<vmem>>, vector<1x32xf32>
    %add3A_16 = vector.broadcast %get3A_15 : vector<1x32xf32> to vector<632x32xf32>
    %add3A_17 = arith.addf %mul3A_12, %add3A_16 : vector<632x32xf32>
    %max3A = arith.constant 0.000000e+00 : f32
    %max3A_18 = vector.broadcast %max3A : f32 to vector<632x32xf32>
    %max3A_19 = arith.maximumf %add3A_17, %max3A_18 : vector<632x32xf32>
    %get3A_20 = arith.constant 0 : index
    %get3A_21 = arith.constant 0 : index
    %get3A_22 = vector.load %arg4[%get3A_20, %get3A_21] : memref<632x1xf32, #tpu.memory_space<vmem>>, vector<632x1xf32>
    %get3A_23 = arith.constant 0 : index
    %get3A_24 = arith.constant 0 : index
    %get3A_25 = vector.load %arg6[%get3A_23, %get3A_24] : memref<32x32xf32, #tpu.memory_space<vmem>>, vector<32x32xf32>
    %dot_general3A = arith.constant dense<0.000000e+00> : vector<632x32xf32>
    %dot_general3A_26 = tpu.matmul %max3A_19, %get3A_25, %dot_general3A {dimension_numbers = #tpu.dot_dimension_numbers<[1], [0], [0], [1], [0, 0, 1, 1], [], []>, transpose_lhs_hint = false} : vector<632x32xf32>, vector<32x32xf32>, vector<632x32xf32> -> vector<632x32xf32>
    %mul3A_27 = vector.broadcast %get3A_22 : vector<632x1xf32> to vector<632x32xf32>
    %mul3A_28 = arith.mulf %mul3A_27, %dot_general3A_26 : vector<632x32xf32>
    %broadcast_in_dim3A = arith.constant 0.000000e+00 : f32
    %broadcast_in_dim3A_29 = vector.broadcast %broadcast_in_dim3A : f32 to vector<632x96xf32>
    %concatenate3A = tpu.concatenate %mul3A_28, %broadcast_in_dim3A_29 in 1 : vector<632x32xf32>, vector<632x96xf32> -> vector<632x128xf32>
    %swap3A = arith.constant 0 : index
    %swap3A_30 = arith.constant 0 : index
    %swap3A_31 = vector.load %arg7[%swap3A, %swap3A_30] : memref<632x128xf32, #tpu.memory_space<vmem>>, vector<632x128xf32>
    tpu.vector_store %arg7[%swap3A, %swap3A_30], %concatenate3A {strides = array<i32>} : memref<632x128xf32, #tpu.memory_space<vmem>>, vector<632x128xf32>,
    return
  }
  func.func @transform_0(%arg0: i32) -> (i32, i32) {
    %c0_i32 = arith.constant 0 : i32
    %c0_i32_0 = arith.constant 0 : i32
    return %arg0, %c0_i32 : i32, i32
  }
  func.func @transform_1(%arg0: i32) -> (i32, i32) {
    %c0_i32 = arith.constant 0 : i32
    %c0_i32_0 = arith.constant 0 : i32
    return %arg0, %c0_i32 : i32, i32
  }
  func.func @transform_2(%arg0: i32) -> (i32, i32) {
    %c0_i32 = arith.constant 0 : i32
    %c0_i32_0 = arith.constant 0 : i32
    return %arg0, %c0_i32 : i32, i32
  }
  func.func @transform_3(%arg0: i32) -> (i32, i32) {
    %c0_i32 = arith.constant 0 : i32
    %c0_i32_0 = arith.constant 0 : i32
    return %arg0, %c0_i32 : i32, i32
  }
  func.func @transform_4(%arg0: i32) -> (i32, i32) {
    %c0_i32 = arith.constant 0 : i32
    %c0_i32_0 = arith.constant 0 : i32
    %c0_i32_1 = arith.constant 0 : i32
    return %c0_i32, %c0_i32_0 : i32, i32
  }
  func.func @transform_5(%arg0: i32) -> (i32, i32) {
    %c0_i32 = arith.constant 0 : i32
    %c0_i32_0 = arith.constant 0 : i32
    %c0_i32_1 = arith.constant 0 : i32
    return %c0_i32, %c0_i32_0 : i32, i32
  }
  func.func @transform_6(%arg0: i32) -> (i32, i32) {
    %c0_i32 = arith.constant 0 : i32
    %c0_i32_0 = arith.constant 0 : i32
    return %arg0, %c0_i32 : i32, i32
  }
}

module attributes {stable_mosaic.version = 14 : i64} {
  func.func @_post_body(%arg0: i32, %arg1: memref<632x128xf32, #tpu.memory_space<vmem>>, %arg2: memref<632x128xf32, #tpu.memory_space<vmem>>, %arg3: memref<632x128xf32, #tpu.memory_space<vmem>>, %arg4: memref<632x1xf32, #tpu.memory_space<vmem>>, %arg5: memref<1x32xf32, #tpu.memory_space<vmem>>, %arg6: memref<632x32xf32, #tpu.memory_space<vmem>>) attributes {dimension_semantics = [#tpu.dimension_semantics<arbitrary>], iteration_bounds = array<i64: 16>, scalar_prefetch = 0 : i64, scratch_operands = 0 : i64, tpu.core_type = #tpu.core_type<tc>, window_params = [{transform_indices = @transform_0, window_bounds = array<i64: 632, 128>}, {transform_indices = @transform_1, window_bounds = array<i64: 632, 128>}, {transform_indices = @transform_2, window_bounds = array<i64: 632, 128>}, {transform_indices = @transform_3, window_bounds = array<i64: 632, 1>}, {pipeline_mode = #tpu.pipeline_mode<synchronous>, transform_indices = @transform_4, window_bounds = array<i64: 1, 32>}, {transform_indices = @transform_5, window_bounds = array<i64: 632, 32>}]} {
    %get3A = arith.constant 0 : index
    %get3A_0 = arith.constant 0 : index
    %get3A_1 = vector.load %arg4[%get3A, %get3A_0] : memref<632x1xf32, #tpu.memory_space<vmem>>, vector<632x1xf32>
    %get3A_2 = arith.constant 0 : index
    %get3A_3 = arith.constant 0 : index
    %get3A_4 = vector.load %arg1[%get3A_2, %get3A_3] : memref<632x128xf32, #tpu.memory_space<vmem>>, vector<632x32xf32>
    %get3A_5 = arith.constant 0 : index
    %get3A_6 = arith.constant 0 : index
    %get3A_7 = vector.load %arg2[%get3A_5, %get3A_6] : memref<632x128xf32, #tpu.memory_space<vmem>>, vector<632x32xf32>
    %add3A = arith.addf %get3A_4, %get3A_7 : vector<632x32xf32>
    %get3A_8 = arith.constant 0 : index
    %get3A_9 = arith.constant 0 : index
    %get3A_10 = vector.load %arg3[%get3A_8, %get3A_9] : memref<632x128xf32, #tpu.memory_space<vmem>>, vector<632x32xf32>
    %add3A_11 = arith.addf %add3A, %get3A_10 : vector<632x32xf32>
    %mul3A = vector.broadcast %get3A_1 : vector<632x1xf32> to vector<632x32xf32>
    %mul3A_12 = arith.mulf %mul3A, %add3A_11 : vector<632x32xf32>
    %get3A_13 = arith.constant 0 : index
    %get3A_14 = arith.constant 0 : index
    %get3A_15 = vector.load %arg5[%get3A_13, %get3A_14] : memref<1x32xf32, #tpu.memory_space<vmem>>, vector<1x32xf32>
    %add3A_16 = vector.broadcast %get3A_15 : vector<1x32xf32> to vector<632x32xf32>
    %add3A_17 = arith.addf %mul3A_12, %add3A_16 : vector<632x32xf32>
    %max3A = arith.constant 0.000000e+00 : f32
    %max3A_18 = vector.broadcast %max3A : f32 to vector<632x32xf32>
    %max3A_19 = arith.maximumf %add3A_17, %max3A_18 : vector<632x32xf32>
    %swap3A = arith.constant 0 : index
    %swap3A_20 = arith.constant 0 : index
    %swap3A_21 = vector.load %arg6[%swap3A, %swap3A_20] : memref<632x32xf32, #tpu.memory_space<vmem>>, vector<632x32xf32>
    tpu.vector_store %arg6[%swap3A, %swap3A_20], %max3A_19 {strides = array<i32>} : memref<632x32xf32, #tpu.memory_space<vmem>>, vector<632x32xf32>,
    return
  }
  func.func @transform_0(%arg0: i32) -> (i32, i32) {
    %c0_i32 = arith.constant 0 : i32
    %c0_i32_0 = arith.constant 0 : i32
    return %arg0, %c0_i32 : i32, i32
  }
  func.func @transform_1(%arg0: i32) -> (i32, i32) {
    %c0_i32 = arith.constant 0 : i32
    %c0_i32_0 = arith.constant 0 : i32
    return %arg0, %c0_i32 : i32, i32
  }
  func.func @transform_2(%arg0: i32) -> (i32, i32) {
    %c0_i32 = arith.constant 0 : i32
    %c0_i32_0 = arith.constant 0 : i32
    return %arg0, %c0_i32 : i32, i32
  }
  func.func @transform_3(%arg0: i32) -> (i32, i32) {
    %c0_i32 = arith.constant 0 : i32
    %c0_i32_0 = arith.constant 0 : i32
    return %arg0, %c0_i32 : i32, i32
  }
  func.func @transform_4(%arg0: i32) -> (i32, i32) {
    %c0_i32 = arith.constant 0 : i32
    %c0_i32_0 = arith.constant 0 : i32
    %c0_i32_1 = arith.constant 0 : i32
    return %c0_i32, %c0_i32_0 : i32, i32
  }
  func.func @transform_5(%arg0: i32) -> (i32, i32) {
    %c0_i32 = arith.constant 0 : i32
    %c0_i32_0 = arith.constant 0 : i32
    return %arg0, %c0_i32 : i32, i32
  }
}

module attributes {stable_mosaic.version = 14 : i64} {
  func.func @_final_body(%arg0: memref<32x128x32xf32, #tpu.memory_space<vmem>>, %arg1: memref<32x128x32xf32, #tpu.memory_space<vmem>>, %arg2: memref<10000x1xi32, #tpu.memory_space<vmem>>, %arg3: memref<64x1xf32, #tpu.memory_space<vmem>>, %arg4: memref<1x1xf32, #tpu.memory_space<vmem>>, %arg5: memref<128x1xf32, #tpu.memory_space<vmem>>) attributes {dimension_semantics = [], scalar_prefetch = 0 : i64, scratch_operands = 0 : i64, tpu.core_type = #tpu.core_type<tc>} {
    %get3A = arith.constant 0 : index
    %get3A_0 = arith.constant 0 : index
    %get3A_1 = arith.constant 0 : index
    %get3A_2 = vector.load %arg0[%get3A, %get3A_0, %get3A_1] : memref<32x128x32xf32, #tpu.memory_space<vmem>>, vector<32x128x32xf32>
    %reduce_sum3A = arith.constant dense<0.000000e+00> : vector<128x32xf32>
    %reduce_sum3A_3 = vector.multi_reduction <add>, %get3A_2, %reduce_sum3A [0] : vector<32x128x32xf32> to vector<128x32xf32>
    %get3A_4 = arith.constant 0 : index
    %get3A_5 = arith.constant 0 : index
    %get3A_6 = arith.constant 0 : index
    %get3A_7 = vector.load %arg1[%get3A_4, %get3A_5, %get3A_6] : memref<32x128x32xf32, #tpu.memory_space<vmem>>, vector<32x128x32xf32>
    %reduce_max3A = arith.constant dense<0xFF800000> : vector<128x32xf32>
    %reduce_max3A_8 = vector.multi_reduction <maximumf>, %get3A_7, %reduce_max3A [0] : vector<32x128x32xf32> to vector<128x32xf32>
    %iota3A = tpu.iota {dimensions = array<i32: 1>} : vector<10000x128xi32>
    %get3A_9 = arith.constant 0 : index
    %get3A_10 = arith.constant 0 : index
    %get3A_11 = vector.load %arg2[%get3A_9, %get3A_10] : memref<10000x1xi32, #tpu.memory_space<vmem>>, vector<10000x1xi32>
    %eq3A = vector.broadcast %get3A_11 : vector<10000x1xi32> to vector<10000x128xi32>
    %eq3A_12 = arith.cmpi eq, %eq3A, %iota3A : vector<10000x128xi32>
    %convert_element_type3A = arith.extui %eq3A_12 : vector<10000x128xi1> to vector<10000x128xi32>
    %convert_element_type3A_13 = arith.sitofp %convert_element_type3A : vector<10000x128xi32> to vector<10000x128xf32>
    %reduce_sum3A_14 = arith.constant dense<0.000000e+00> : vector<128xf32>
    %reduce_sum3A_15 = vector.multi_reduction <add>, %convert_element_type3A_13, %reduce_sum3A_14 [0] : vector<10000x128xf32> to vector<128xf32>
    %max3A = arith.constant 1.000000e+00 : f32
    %max3A_16 = vector.broadcast %max3A : f32 to vector<128xf32>
    %max3A_17 = arith.maximumf %reduce_sum3A_15, %max3A_16 : vector<128xf32>
    %broadcast_in_dim3A = vector.shape_cast %max3A_17 : vector<128xf32> to vector<128x1xf32>
    %div3A = vector.broadcast %broadcast_in_dim3A : vector<128x1xf32> to vector<128x32xf32>
    %div3A_18 = arith.divf %reduce_sum3A_3, %div3A : vector<128x32xf32>
    %concatenate3A = tpu.concatenate %reduce_max3A_8, %div3A_18 in 1 : vector<128x32xf32>, vector<128x32xf32> -> vector<128x64xf32>
    %get3A_19 = arith.constant 0 : index
    %get3A_20 = arith.constant 0 : index
    %get3A_21 = vector.load %arg3[%get3A_19, %get3A_20] : memref<64x1xf32, #tpu.memory_space<vmem>>, vector<64x1xf32>
    %dot_general3A = arith.constant dense<0.000000e+00> : vector<128x1xf32>
    %dot_general3A_22 = tpu.matmul %concatenate3A, %get3A_21, %dot_general3A {dimension_numbers = #tpu.dot_dimension_numbers<[1], [0], [0], [1], [0, 0, 1, 1], [], []>, transpose_lhs_hint = false} : vector<128x64xf32>, vector<64x1xf32>, vector<128x1xf32> -> vector<128x1xf32>
    %get3A_23 = arith.constant 0 : index
    %get3A_24 = arith.constant 0 : index
    %get3A_25 = vector.load %arg4[%get3A_23, %get3A_24] : memref<1x1xf32, #tpu.memory_space<vmem>>, vector<1x1xf32>
    %add3A = vector.broadcast %get3A_25 : vector<1x1xf32> to vector<128x1xf32>
    %add3A_26 = arith.addf %dot_general3A_22, %add3A : vector<128x1xf32>
    %swap3A = arith.constant 0 : index
    %swap3A_27 = arith.constant 0 : index
    %swap3A_28 = vector.load %arg5[%swap3A, %swap3A_27] : memref<128x1xf32, #tpu.memory_space<vmem>>, vector<128x1xf32>
    tpu.vector_store %arg5[%swap3A, %swap3A_27], %add3A_26 {strides = array<i32>} : memref<128x1xf32, #tpu.memory_space<vmem>>, vector<128x1xf32>,
    return
  }
}

</mosaic_0001>

<sc_bundles>
// kernel: kernel.14.cloned.1.call-start
scs
__scs_entry_jumppad:
0x0: {  	(pc) =	sbr.rel $0x88, $3  }
0x1: {  	(tag) =	ssettag $0x0;
	lr =	simm.s32 $0x1  }
0x2: {  	[smem:$0x3F94] =	sst lr;
	_ =	strace $0xD0000000  }
0x3: {  	_ = 	snop  }
0x4: {  	_ = 	snop  }
0x5: {  	_ = 	snop  }
0x6: {  	_ = 	snop  }
0x7: {  	_ = 	snop  }
__scs_overlays_trampoline_lowered:
0x8: {  	[smem:$0x3FA3] =	sst s0  }
0x9: {  	[smem:$0x3FA4] =	sst s1  }
0xa: {  	[smem:$0x3FA5] =	sst s2  }
0xb: {  	[smem:$0x3FA6] =	sst s3  }
0xc: {  	[smem:$0x3FA7] =	sst s4  }
0xd: {  	[smem:$0x3FA8] =	sst s5  }
0xe: {  	[smem:$0x3FA9] =	sst s6  }
0xf: {  	[smem:$0x3FAA] =	sst s7  }
0x10: {  	[smem:$0x3FAB] =	sst s8  }
0x11: {  	[smem:$0x3FAC] =	sst s9;
	s0 =	simm.s32 @!p0 $0x0  }
0x12: {  	s1 =	sld [smem:$0x3F92];
	s0 =	simm.s32 @p0 $0x1  }
0x13: {  	[smem:$0x3FAD] =	sst s0;
	s0 =	simm.s32 @!p1 $0x0  }
0x14: {  	s2 =	sld [smem:$0x3F91];
	s0 =	simm.s32 @p1 $0x1  }
0x15: {  	[smem:$0x3FAE] =	sst s0;
	s0 =	simm.s32 @!p2 $0x0  }
0x16: {  	s3 =	sld [smem:$0x3FDB];
	s0 =	simm.s32 @p2 $0x1  }
0x17: {  	s4 =	simm.s32 $0x1BF5;
	[smem:$0x3FB0] =	sst s0  }
0x18: {  	s0 =	sld [smem:$0x3F93];
	_ =	swait.ge [sflag:s4], $0x0  }
0x19: {  	s7 =	sld [smem:$0x3F94]  }
0x1a: {  	s8 =	sadd.s32 $0xFFFFE003, lr  }
0x1b: {  	s9 =	sadd.s32 $0xFFFFFEF7, lr;
	s5 =	simm.s32 $0xFFFFFFFF;
	p2 =	slt.u32 s8, $0xFFFFF086  }
0x1c: {  	p1 =	slt.u32 s9, $0xF7A;
	s5 =	simm.s32 @!p2 $0x0  }
0x1d: {  	s5 =	simm.s32 @p1 $0x1;
	p0 =	seq.s32 s7, s2  }
0x1e: {  	s7 =	smul.u32 @!p0 $0xF7A, s2;
	p2 =	seq.s32 @!p0 s5, $0x0  }
0x1f: {  	s9 =	smul.u32 $0xF7A, s1;
	s8 =	simm.s32 @!p0 $0x1BF5;
	p2 =	por !p2, p0  }
0x20: {  	[sflag:s8] =	ssyncset.s32 @!p0 $0xFFFFF086;
	s6 =	sadd.s32 @!p0 s3, s7;
	s7 =	simm.s32 @!p0 $0x108  }
0x21: {  	s3 =	sadd.s32 s3, s9;
	s6 =	sadd.s32 @!p0 $0x88, s6;
	s7 =	simm.s32 @p2 $0x1082  }
0x22: {  	[simem:s7], [sflag:s8] =	dma.local @!p0 [hbm:s6], $0xF7A  }
0x23: {  	s9 =	sor.u32 $0xD0000000, s2;
	s6 =	simm.s32 $0x108;
	_ =	swait.ge @!p0 [sflag:s8], $0x0  }
0x24: {  	s3 =	sadd.s32 $0x88, s3;
	s6 =	simm.s32 @!p1 $0x1082;
	[sflag:s4] =	ssyncset.s32 $0xFFFFF086  }
0x25: {  	[simem:s6], [sflag:s4] =	dma.local [hbm:s3], $0xF7A  }
0x26: {  	[smem:$0x3F94] =	sst s1;
	(tag) =	ssettag s2;
	_ =	strace s9  }
0x27: {  	s1 =	sld [smem:$0x3FA4]  }
0x28: {  	s2 =	sld [smem:$0x3FA5]  }
0x29: {  	s4 =	sld [smem:$0x3FA7]  }
0x2a: {  	p0 =	seq.s32 s5, $0x0;
	s5 =	sld [smem:$0x3FA8]  }
0x2b: {  	s6 =	sld [smem:$0x3FA9]  }
0x2c: {  	s7 =	sld [smem:$0x3FAA]  }
0x2d: {  	s3 =	simm.s32 $0x108;
	s8 =	sld [smem:$0x3FAB]  }
0x2e: {  	s3 =	simm.s32 @!p0 $0x1082;
	s9 =	sld [smem:$0x3FAC]  }
0x2f: {  	lr =	sadd.s32 s0, s3;
	s0 =	sld [smem:$0x3FA3]  }
0x30: {  	s3 =	sld [smem:$0x3FA6]  }
0x31: {  	[smem:$0x3FAF] =	sst s10  }
0x32: {  	s10 =	sld [smem:$0x3FAD];
	_ =	sdelay $0x3  }
0x33: {  	p0 =	seq.s32 s10, $0x1;
	s10 =	sld [smem:$0x3FAF];
	_ =	sdelay $0x3  }
0x34: {  	[smem:$0x3FAF] =	sst s10  }
0x35: {  	s10 =	sld [smem:$0x3FAE];
	_ =	sdelay $0x3  }
0x36: {  	p1 =	seq.s32 s10, $0x1;
	s10 =	sld [smem:$0x3FAF];
	_ =	sdelay $0x3  }
0x37: {  	[smem:$0x3FAF] =	sst s10  }
0x38: {  	s10 =	sld [smem:$0x3FB0]  }
0x39: {  	_ = 	snop;
	(pc) =	sbr.ind lr, $3  }
0x3a: {  	_ = 	snop  }
0x3b: {  	_ = 	snop  }
0x3c: {  	p2 =	seq.s32 s10, $0x1;
	s10 =	sld [smem:$0x3FAF]  }
0x3d: {  	_ =	shalt  }
0x3e: {  	_ =	shalt  }
0x3f: {  	_ =	shalt  }
0x40: {  	_ =	shalt  }
0x41: {  	_ =	shalt  }
0x42: {  	_ =	shalt  }
0x43: {  	_ =	shalt  }
0x44: {  	_ =	shalt  }
0x45: {  	_ =	shalt  }
0x46: {  	_ =	shalt  }
0x47: {  	_ =	shalt  }
0x48: {  	_ =	shalt  }
0x49: {  	_ =	shalt  }
0x4a: {  	_ =	shalt  }
0x4b: {  	_ =	shalt  }
0x4c: {  	_ =	shalt  }
0x4d: {  	_ =	shalt  }
0x4e: {  	_ =	shalt  }
0x4f: {  	_ =	shalt  }
0x50: {  	_ =	shalt  }
0x51: {  	_ =	shalt  }
0x52: {  	_ =	shalt  }
0x53: {  	_ =	shalt  }
0x54: {  	_ =	shalt  }
0x55: {  	_ =	shalt  }
0x56: {  	_ =	shalt  }
0x57: {  	_ =	shalt  }
0x58: {  	_ =	shalt  }
0x59: {  	_ =	shalt  }
0x5a: {  	_ =	shalt  }
0x5b: {  	_ =	shalt  }
0x5c: {  	_ =	shalt  }
0x5d: {  	_ =	shalt  }
0x5e: {  	_ =	shalt  }
0x5f: {  	_ =	shalt  }
0x60: {  	_ =	shalt  }
0x61: {  	_ =	shalt  }
0x62: {  	_ =	shalt  }
0x63: {  	_ =	shalt  }
0x64: {  	_ =	shalt  }
0x65: {  	_ =	shalt  }
0x66: {  	_ =	shalt  }
0x67: {  	_ =	shalt  }
0x68: {  	_ =	shalt  }
0x69: {  	_ =	shalt  }
0x6a: {  	_ =	shalt  }
0x6b: {  	_ =	shalt  }
0x6c: {  	_ =	shalt  }
0x6d: {  	_ =	shalt  }
0x6e: {  	_ =	shalt  }
0x6f: {  	_ =	shalt  }
0x70: {  	_ =	shalt  }
0x71: {  	_ =	shalt  }
0x72: {  	_ =	shalt  }
0x73: {  	_ =	shalt  }
0x74: {  	_ =	shalt  }
0x75: {  	_ =	shalt  }
0x76: {  	_ =	shalt  }
0x77: {  	_ =	shalt  }
0x78: {  	_ =	shalt  }
0x79: {  	_ =	shalt  }
0x7a: {  	_ =	shalt  }
0x7b: {  	_ =	shalt  }
0x7c: {  	_ =	shalt  }
0x7d: {  	_ =	shalt  }
0x7e: {  	_ =	shalt  }
0x7f: {  	_ =	shalt  }
0x80: {  	_ =	shalt  }
0x81: {  	_ =	shalt  }
0x82: {  	_ =	shalt  }
0x83: {  	_ =	shalt  }
0x84: {  	_ =	shalt  }
0x85: {  	_ =	shalt  }
0x86: {  	_ =	shalt  }
0x87: {  	_ =	shalt  }
.Lfunc_end0:
.L_simem_size_0:
called_computation_lowered:
.L_overlay_start_0:
0x88: {  	s2 =	sld [smem:$0x3FD9]  }
0x89: {  	s3 =	sld [smem:$0x3FFE];
	_ =	sdelay $0x1  }
0x8a: {  	s1 =	srdreg.scid  }
0x8b: {  	s0 =	sand.u32 $0x1, s1  }
0x8c: {  	s16 =	sshll.u32 s0, $0xA;
	s2 =	sadd.s32 s3, s2  }
0x8d: {  	s2 =	sadd.s32 s2, s16  }
0x8e: {  	[smem:$0x3FBB] =	sst s2  }
0x8f: {  	_ = 	snop  }
0x90: {  	(tm) =	ssettm $0x1  }
0x91: {  	s17 =	sld [smem:$0x3FFB];
	_ =	sdelay $0x3  }
0x92: {  	_ =	strace s17  }
0x93: {  	s2 =	sld [smem:$0x3FFC];
	_ =	sdelay $0x3  }
0x94: {  	_ =	strace s2  }
0x95: {  	s2 =	sld [smem:$0x3FFD];
	_ =	sdelay $0x3  }
0x96: {  	_ =	strace s2  }
0x97: {  	_ =	strace $0x8FFFFFFF  }
0x98: {  	s18 =	sld [smem:$0x3FDB];
	_ =	sdelay $0x1  }
0x99: {  	s19 =	simm.s32 $_scs_section_size  }
0x9a: {  	s4 =	simm.s32 $_size__tile_overlayer_lowered;
	s5 =	simm.s32 $_tile_overlayer_lowered  }
0x9b: {  	s22 =	simm.s32 $0x1BFF;
	s21 =	sshll.u32 s5, $0x1;
	s2 =	sadd.s32 s19, s18  }
0x9c: {  	s6 =	simm.s32 $0x0;
	s20 =	sshll.u32 s4, $0x1;
	s4 =	sadd.s32 s21, s2  }
0x9d: {  	[timem:s6], [sflag:s22] =	dma.local [hbm:s4], s20  }
0x9e: {  	_ =	swait.ge [sflag:s22], s20  }
0x9f: {  	s3 =	ssub.s32 $0x0, s20;
	[sflag:s22] =	ssyncset.done $0x0  }
0xa0: {  	[sflag:s22] =	ssyncadd.s32 s3;
	_ =	sdelay $0x1  }
0xa1: {  	s23 =	simm.s32 $0x1B8B  }
0xa2: {  	_ =	swait.ge [sflag:s23], $0x1  }
0xa3: {  	[sflag:s23] =	ssyncset.done $0x0  }
0xa4: {  	s25 =	simm.s32 $0x1B8E;
	s24 =	sld [smem:$0x3FFE];
	[sflag:s23] =	ssyncadd.s32 $0xFFFFFFFF  }
0xa5: {  	s26 =	simm.s32 $execute0_lowered;
	[smem:$0x3FD2] =	sst s25  }
0xa6: {  	s4 =	sshll.u32 s26, $0x1;
	_ =	strace $0x80000046;
	[dreg:$0x1] =	wrdreg $0xFFFFFFFF  }
0xa7: {  	s28 =	simm.s32 $_size_execute0_lowered;
	s2 =	sadd.s32 s2, s4;
	[dreg:$0x0] =	wrdreg $0x0  }
0xa8: {  	s4 =	sshll.u32 s28, $0x1;
	[dreg:$0x2] =	wrdreg s2  }
0xa9: {  	[dreg:$0x3] =	wrdreg s4  }
0xaa: {  	[dreg:$0x4] =	wrdreg $0xC0  }
0xab: {  	_ =	task [dreg:s6], $0x5FFFF  }
0xac: {  	[dreg:$0x1] =	wrdreg $0xFFFFFFFF  }
0xad: {  	[dreg:$0x0] =	wrdreg $0x60  }
0xae: {  	[dreg:$0x2] =	wrdreg s24  }
0xaf: {  	[dreg:$0x3] =	wrdreg $0x68000  }
0xb0: {  	[dreg:$0x4] =	wrdreg $0x9  }
0xb1: {  	_ =	task.clear_ibuf [dreg:s6], $0x5FFFF;
	_ =	strace $0x90000046  }
0xb2: {  	s29 =	simm.s32 $0x9;
	_ =	strace $0x80000048  }
0xb3: {  	_ =	swait.ge [sflag:s29], $0x1  }
0xb4: {  	[sflag:s29] =	ssyncadd.s32 $0xFFFFFFFF  }
0xb5: {  	_ =	strace $0x90000048  }
0xb6: {  	_ =	sfence  }
0xb7: {  	s30 =	sld [smem:$0x0];
	_ =	sdelay $0x2  }
0xb8: {  	s31 =	sshll.u32 s1, $0xD;
	s1 =	sshrl.u32 s1, $0x2  }
0xb9: {  	s3 =	sand.u32 $0x4000, s31;
	s1 =	sadd.s32 s1, s30  }
0xba: {  	s0 =	sor.u32 s3, s0;
	s1 =	sshll.u32 s1, $0x11  }
0xbb: {  	s0 =	sor.u32 s1, s0  }
0xbc: {  	s0 =	sadd.s32 $0x8F2B, s0  }
0xbd: {  	[sflag:s0] =	ssyncadd.remote.s32 $0x1  }
0xbe: {  	_ =	sfence.sel $0xFFFF  }
0xbf: {  	[dreg:$0x0] =	wrdreg $0xFFFFFFFF;
	(pc) =	sbr.abs _section_cstart, $3  }
0xc0: {  	[dreg:$0x1] =	wrdreg $0xFFFFFFFF  }
0xc1: {  	_ =	task.clear_ibuf [dreg:s6], $0x2FFFF;
	_ =	strace $0x9FFFFFFF  }
0xc2: {  	(tm) =	ssettm $0x7FFFFFFF  }
0xc3: {  	_ =	shalt  }
tec
execute0_lowered:
.L_overlay_start_1:
0x0: {  	(tag) =	ssettag $0x1  }
0x1: {  	s5 =	rddreg [dreg:$0x0]  }
0x2: {  	s0 =	srdreg.scid;
	s2 =	rddreg [dreg:$0x1];
	s3 =	simm.s32 $0x0  }
0x3: {  	s12 =	simm.s32 $0x2800;
	s4 =	sand.u32 $0x1, s0;
	s0 =	stileid.u32  }
0x4: {  	s13 =	simm.s32 $0x0;
	[smem:$0x7FF] =	sst s3;
	s7 =	smul.u32 $0x13C00, s0  }
0x5: {  	s1 =	sshll.u32 s4, $0x4;
	s8 =	smul.u32 $0x13C000, s4;
	s4 =	ssub.s32 $0x2, s4  }
0x6: {  	s29 =	smul.u32 $0x4F000, s0;
	s31 =	sshll.u32 s0, $0x6;
	s1 =	sor.u32 s0, s1  }
0x7: {  	s10 =	sshrl.u32 s4, $0x1;
	s6 =	smul.u32 $0x500, s1;
	s1 =	rddreg [dreg:$0x2]  }
0x8: {  	_ =	strace $0x80000047;
	s9 =	sshrl.u32 s7, $0x3;
	s7 =	sadd.s32 s7, s8  }
0x9: {  	s10 =	ssub.s32 s4, s10;
	s30 =	sshrl.u32 s29, $0x2;
	s9 =	sadd.s32 s9, s5  }
0xa: {  	s7 =	sshrl.u32 s7, $0x3;
	s11 =	sadd.s32 s30, s2;
	s8 =	smax.u32 s10, $0x1  }
0xb: {  	s10 =	simm.s32 $0x1;
	s6 =	sadd.s32 s6, s5;
	s7 =	sadd.s32 s7, s5  }
0xc: {  	s4 =	sadd.s32 $0x1A800, s9;
	s5 =	sor.u32 $0x1C01, s31;
	s9 =	sshrl.u32 s11, $0x3  }
0xd: {  	v0 =	vimm.f32 $1.000000000e+00;
	s11 =	simm.s32 $0x80;
	s6 =	sadd.s32 $0x10800, s6;
	s7 =	sadd.s32 $0x42000, s7  }
.LBB2_1:
0xe: {  	[spmem:s9], [sflag:s5] =	dma.local [hbm:s4], $0x2780  }
0xf: {  	_ =	swait.ge [sflag:s10], $0x2780  }
0x10: {  	[sflag:s10] =	ssyncset.done $0x0  }
0x11: {  	[sflag:s10] =	ssyncadd.s32 $0xFFFFD880  }
0x12: {  	[tilespmem:s3], [sflag:$0x1] =	stream.linear.gather [hbm4b:s6+s3], $0x2800, $0x38;
	[tilespmem:$0x1A400] =	vst v63  }
0x13: {  	_ =	swait.ge [sflag:s10], $0x2800  }
0x14: {  	[sflag:s10] =	ssyncset.done $0x0  }
0x15: {  	s14 =	simm.s32 $0x0;
	s15 =	simm.s32 $0x200;
	[sflag:s10] =	ssyncadd.s32 $0xFFFFD800  }
.LBB2_2:
0x16: {  	p0 =	sne.s32 s15, $0xFE00;
	[tilespmem:s14+$0x2870] =	vst v0  }
0x17: {  	[tilespmem:s14+$0x2800] =	vst v0  }
0x18: {  	[tilespmem:s14+$0x2810] =	vst v0  }
.Ltmp0:
0x19: {  	[tilespmem:s14+$0x2820] =	vst v0;
	(pc) =	sbr.rel @p0 .LBB2_2-.Ltmp0, $4  }
0x1a: {  	[tilespmem:s14+$0x2830] =	vst v0  }
0x1b: {  	[tilespmem:s14+$0x2840] =	vst v0  }
0x1c: {  	[tilespmem:s14+$0x2850] =	vst v0  }
0x1d: {  	[tilespmem:s14+$0x2860] =	vst v0;
	s14 =	sshra.s32 s15, $0x2;
	s15 =	sadd.s32 $0x200, s15  }
0x1e: {  	[tilespmem:s14+$0x2870] =	vst v0  }
0x1f: {  	[tilespmem:s14+$0x2800] =	vst v0  }
0x20: {  	[tilespmem:s14+$0x2810] =	vst v0  }
0x21: {  	[tilespmem:s14+$0x2820] =	vst v0  }
0x22: {  	[tilespmem:s14+$0x2830] =	vst v0  }
0x23: {  	[tilespmem:s14+$0x2840] =	vst v0  }
0x24: {  	[tilespmem:s14+$0x2850] =	vst v0  }
0x25: {  	[tilespmem:s14+$0x2860] =	vst v0  }
0x26: {  	s31 =	simm.s32 $0x0;
	[bflag:$0x0] =	sbarrier.arrive $0xFFFF  }
0x27: {  	[spmem:s2] =	stream.indirect.scatter.add.f32 [tilespmem:s12], [sflag:$0x1], $0x80, s31, s11, $0xb8;
	[tilespmem:$0x1A400] =	vst v63  }
0x28: {  	_ =	swait.ge [sflag:s10], $0x4000  }
0x29: {  	s14 =	simm.s32 $0x200;
	[sflag:s10] =	ssyncset.done $0x0  }
.LBB2_4:
0x2a: {  	s15 =	sshra.s32 s14, $0x2;
	[sflag:s10] =	ssyncadd.s32 $0xFFFFC000;
	p0 =	sne.s32 s14, $0x9E00  }
0x2b: {  	[spmem:s2] =	stream.indirect.scatter.add.f32 [tilespmem:s12], [sflag:$0x1], $0x80, s15, s11, $0xb8;
	[tilespmem:$0x1A400] =	vst v63  }
.Ltmp1:
0x2c: {  	_ = 	snop;
	(pc) =	sbr.rel @p0 .LBB2_4-.Ltmp1, $4  }
0x2d: {  	_ = 	snop  }
0x2e: {  	s14 =	sadd.s32 $0x200, s14  }
0x2f: {  	_ =	swait.ge [sflag:s10], $0x4000  }
0x30: {  	[sflag:s10] =	ssyncset.done $0x0  }
0x31: {  	s13 =	sadd.s32 $0x1, s13  }
0x32: {  	[sflag:s10] =	ssyncadd.s32 $0xFFFFC000;
	p0 =	sne.s32 s13, s8  }
.Ltmp2:
0x33: {  	[bflag:$0x0] =	sbarrier.arrive $0xFFFF;
	(pc) =	sbr.rel @p0 .LBB2_1-.Ltmp2, $4  }
0x34: {  	[hbm:s7], [sflag:s5] =	dma.local [spmem:s9], $0x2780  }
0x35: {  	_ =	swait.ge [sflag:s10], $0x2780  }
0x36: {  	[sflag:s10] =	ssyncset.done $0x0  }
0x37: {  	[sflag:s10] =	ssyncadd.s32 $0xFFFFD880  }
0x38: {  	_ =	sfence.sel $0x180000  }
0x39: {  	[bflag:$0x0] =	sbarrier.arrive $0xFFFF  }
0x3a: {  	p0 =	sne.s32 s0, $0x0;
	_ =	strace $0x90000047  }
0x3b: {  	s0 =	sadd.s32 @!p0 $0x100000, s1;
	[bflag:$0x2] =	sbarrier.arrive $0xFFFF  }
0x3c: {  	[sflag:s0] =	ssyncadd.tile.s32 @!p0 $0x1;
	_ =	shalt  }
.Lfunc_end2:
_tile_overlayer_lowered:
.L_overlay_start_2:
0x3d: {  	(tag) =	ssettag $0x2  }
0x3e: {  	s0 =	rddreg [dreg:$0x0];
	s2 =	stileid.u32  }
0x3f: {  	s1 =	rddreg [dreg:$0x1];
	p0 =	sne.s32 s2, $0x0  }
0x40: {  	s3 =	rddreg [dreg:$0x2];
	[bflag:$0x3] =	sbarrier.arrive $0xFFFF;
	s2 =	simm.s32 @!p0 $0x1C01  }
0x41: {  	[timem:s3], [sflag:s2] =	dma.local @!p0 [hbm:s0], s1  }
0x42: {  	s0 =	simm.s32 @!p0 $0x1  }
0x43: {  	_ =	swait.ge @!p0 [sflag:s0], s1  }
0x44: {  	s1 =	ssub.s32 @!p0 $0x0, s1;
	[sflag:s0] =	ssyncset.done @!p0 $0x0  }
0x45: {  	[sflag:s0] =	ssyncadd.s32 @!p0 s1  }
0x46: {  	[bflag:$0x3] =	sbarrier.arrive $0xFFFF  }
0x47: {  	_ =	shalt  }

// kernel: kernel.17.cloned.1.call-start
scs
__scs_entry_jumppad:
0x0: {  	(pc) =	sbr.rel $0x88, $3  }
0x1: {  	(tag) =	ssettag $0x0;
	lr =	simm.s32 $0x1  }
0x2: {  	[smem:$0x3F94] =	sst lr;
	_ =	strace $0xD0000000  }
0x3: {  	_ = 	snop  }
0x4: {  	_ = 	snop  }
0x5: {  	_ = 	snop  }
0x6: {  	_ = 	snop  }
0x7: {  	_ = 	snop  }
__scs_overlays_trampoline_lowered:
0x8: {  	[smem:$0x3FA3] =	sst s0  }
0x9: {  	[smem:$0x3FA4] =	sst s1  }
0xa: {  	[smem:$0x3FA5] =	sst s2  }
0xb: {  	[smem:$0x3FA6] =	sst s3  }
0xc: {  	[smem:$0x3FA7] =	sst s4  }
0xd: {  	[smem:$0x3FA8] =	sst s5  }
0xe: {  	[smem:$0x3FA9] =	sst s6  }
0xf: {  	[smem:$0x3FAA] =	sst s7  }
0x10: {  	[smem:$0x3FAB] =	sst s8  }
0x11: {  	[smem:$0x3FAC] =	sst s9;
	s0 =	simm.s32 @!p0 $0x0  }
0x12: {  	s1 =	sld [smem:$0x3F92];
	s0 =	simm.s32 @p0 $0x1  }
0x13: {  	[smem:$0x3FAD] =	sst s0;
	s0 =	simm.s32 @!p1 $0x0  }
0x14: {  	s2 =	sld [smem:$0x3F91];
	s0 =	simm.s32 @p1 $0x1  }
0x15: {  	[smem:$0x3FAE] =	sst s0;
	s0 =	simm.s32 @!p2 $0x0  }
0x16: {  	s3 =	sld [smem:$0x3FDB];
	s0 =	simm.s32 @p2 $0x1  }
0x17: {  	s4 =	simm.s32 $0x1BF5;
	[smem:$0x3FB0] =	sst s0  }
0x18: {  	s0 =	sld [smem:$0x3F93];
	_ =	swait.ge [sflag:s4], $0x0  }
0x19: {  	s7 =	sld [smem:$0x3F94]  }
0x1a: {  	s8 =	sadd.s32 $0xFFFFE003, lr  }
0x1b: {  	s9 =	sadd.s32 $0xFFFFFEF7, lr;
	s5 =	simm.s32 $0xFFFFFFFF;
	p2 =	slt.u32 s8, $0xFFFFF086  }
0x1c: {  	p1 =	slt.u32 s9, $0xF7A;
	s5 =	simm.s32 @!p2 $0x0  }
0x1d: {  	s5 =	simm.s32 @p1 $0x1;
	p0 =	seq.s32 s7, s2  }
0x1e: {  	s7 =	smul.u32 @!p0 $0xF7A, s2;
	p2 =	seq.s32 @!p0 s5, $0x0  }
0x1f: {  	s9 =	smul.u32 $0xF7A, s1;
	s8 =	simm.s32 @!p0 $0x1BF5;
	p2 =	por !p2, p0  }
0x20: {  	[sflag:s8] =	ssyncset.s32 @!p0 $0xFFFFF086;
	s6 =	sadd.s32 @!p0 s3, s7;
	s7 =	simm.s32 @!p0 $0x108  }
0x21: {  	s3 =	sadd.s32 s3, s9;
	s6 =	sadd.s32 @!p0 $0x88, s6;
	s7 =	simm.s32 @p2 $0x1082  }
0x22: {  	[simem:s7], [sflag:s8] =	dma.local @!p0 [hbm:s6], $0xF7A  }
0x23: {  	s9 =	sor.u32 $0xD0000000, s2;
	s6 =	simm.s32 $0x108;
	_ =	swait.ge @!p0 [sflag:s8], $0x0  }
0x24: {  	s3 =	sadd.s32 $0x88, s3;
	s6 =	simm.s32 @!p1 $0x1082;
	[sflag:s4] =	ssyncset.s32 $0xFFFFF086  }
0x25: {  	[simem:s6], [sflag:s4] =	dma.local [hbm:s3], $0xF7A  }
0x26: {  	[smem:$0x3F94] =	sst s1;
	(tag) =	ssettag s2;
	_ =	strace s9  }
0x27: {  	s1 =	sld [smem:$0x3FA4]  }
0x28: {  	s2 =	sld [smem:$0x3FA5]  }
0x29: {  	s4 =	sld [smem:$0x3FA7]  }
0x2a: {  	p0 =	seq.s32 s5, $0x0;
	s5 =	sld [smem:$0x3FA8]  }
0x2b: {  	s6 =	sld [smem:$0x3FA9]  }
0x2c: {  	s7 =	sld [smem:$0x3FAA]  }
0x2d: {  	s3 =	simm.s32 $0x108;
	s8 =	sld [smem:$0x3FAB]  }
0x2e: {  	s3 =	simm.s32 @!p0 $0x1082;
	s9 =	sld [smem:$0x3FAC]  }
0x2f: {  	lr =	sadd.s32 s0, s3;
	s0 =	sld [smem:$0x3FA3]  }
0x30: {  	s3 =	sld [smem:$0x3FA6]  }
0x31: {  	[smem:$0x3FAF] =	sst s10  }
0x32: {  	s10 =	sld [smem:$0x3FAD];
	_ =	sdelay $0x3  }
0x33: {  	p0 =	seq.s32 s10, $0x1;
	s10 =	sld [smem:$0x3FAF];
	_ =	sdelay $0x3  }
0x34: {  	[smem:$0x3FAF] =	sst s10  }
0x35: {  	s10 =	sld [smem:$0x3FAE];
	_ =	sdelay $0x3  }
0x36: {  	p1 =	seq.s32 s10, $0x1;
	s10 =	sld [smem:$0x3FAF];
	_ =	sdelay $0x3  }
0x37: {  	[smem:$0x3FAF] =	sst s10  }
0x38: {  	s10 =	sld [smem:$0x3FB0]  }
0x39: {  	_ = 	snop;
	(pc) =	sbr.ind lr, $3  }
0x3a: {  	_ = 	snop  }
0x3b: {  	_ = 	snop  }
0x3c: {  	p2 =	seq.s32 s10, $0x1;
	s10 =	sld [smem:$0x3FAF]  }
0x3d: {  	_ =	shalt  }
0x3e: {  	_ =	shalt  }
0x3f: {  	_ =	shalt  }
0x40: {  	_ =	shalt  }
0x41: {  	_ =	shalt  }
0x42: {  	_ =	shalt  }
0x43: {  	_ =	shalt  }
0x44: {  	_ =	shalt  }
0x45: {  	_ =	shalt  }
0x46: {  	_ =	shalt  }
0x47: {  	_ =	shalt  }
0x48: {  	_ =	shalt  }
0x49: {  	_ =	shalt  }
0x4a: {  	_ =	shalt  }
0x4b: {  	_ =	shalt  }
0x4c: {  	_ =	shalt  }
0x4d: {  	_ =	shalt  }
0x4e: {  	_ =	shalt  }
0x4f: {  	_ =	shalt  }
0x50: {  	_ =	shalt  }
0x51: {  	_ =	shalt  }
0x52: {  	_ =	shalt  }
0x53: {  	_ =	shalt  }
0x54: {  	_ =	shalt  }
0x55: {  	_ =	shalt  }
0x56: {  	_ =	shalt  }
0x57: {  	_ =	shalt  }
0x58: {  	_ =	shalt  }
0x59: {  	_ =	shalt  }
0x5a: {  	_ =	shalt  }
0x5b: {  	_ =	shalt  }
0x5c: {  	_ =	shalt  }
0x5d: {  	_ =	shalt  }
0x5e: {  	_ =	shalt  }
0x5f: {  	_ =	shalt  }
0x60: {  	_ =	shalt  }
0x61: {  	_ =	shalt  }
0x62: {  	_ =	shalt  }
0x63: {  	_ =	shalt  }
0x64: {  	_ =	shalt  }
0x65: {  	_ =	shalt  }
0x66: {  	_ =	shalt  }
0x67: {  	_ =	shalt  }
0x68: {  	_ =	shalt  }
0x69: {  	_ =	shalt  }
0x6a: {  	_ =	shalt  }
0x6b: {  	_ =	shalt  }
0x6c: {  	_ =	shalt  }
0x6d: {  	_ =	shalt  }
0x6e: {  	_ =	shalt  }
0x6f: {  	_ =	shalt  }
0x70: {  	_ =	shalt  }
0x71: {  	_ =	shalt  }
0x72: {  	_ =	shalt  }
0x73: {  	_ =	shalt  }
0x74: {  	_ =	shalt  }
0x75: {  	_ =	shalt  }
0x76: {  	_ =	shalt  }
0x77: {  	_ =	shalt  }
0x78: {  	_ =	shalt  }
0x79: {  	_ =	shalt  }
0x7a: {  	_ =	shalt  }
0x7b: {  	_ =	shalt  }
0x7c: {  	_ =	shalt  }
0x7d: {  	_ =	shalt  }
0x7e: {  	_ =	shalt  }
0x7f: {  	_ =	shalt  }
0x80: {  	_ =	shalt  }
0x81: {  	_ =	shalt  }
0x82: {  	_ =	shalt  }
0x83: {  	_ =	shalt  }
0x84: {  	_ =	shalt  }
0x85: {  	_ =	shalt  }
0x86: {  	_ =	shalt  }
0x87: {  	_ =	shalt  }
.Lfunc_end0:
.L_simem_size_0:
called_computation.1_lowered:
.L_overlay_start_0:
0x88: {  	s2 =	sld [smem:$0x3FD9]  }
0x89: {  	s3 =	sld [smem:$0x3FFE];
	_ =	sdelay $0x1  }
0x8a: {  	s1 =	srdreg.scid  }
0x8b: {  	s0 =	sand.u32 $0x1, s1  }
0x8c: {  	s16 =	sshll.u32 s0, $0xA;
	s2 =	sadd.s32 s3, s2  }
0x8d: {  	s2 =	sadd.s32 s2, s16  }
0x8e: {  	[smem:$0x3FBB] =	sst s2  }
0x8f: {  	_ = 	snop  }
0x90: {  	(tm) =	ssettm $0x1  }
0x91: {  	s17 =	sld [smem:$0x3FFB];
	_ =	sdelay $0x3  }
0x92: {  	_ =	strace s17  }
0x93: {  	s2 =	sld [smem:$0x3FFC];
	_ =	sdelay $0x3  }
0x94: {  	_ =	strace s2  }
0x95: {  	s2 =	sld [smem:$0x3FFD];
	_ =	sdelay $0x3  }
0x96: {  	_ =	strace s2  }
0x97: {  	_ =	strace $0x8FFFFFFF  }
0x98: {  	s18 =	sld [smem:$0x3FDB];
	_ =	sdelay $0x1  }
0x99: {  	s19 =	simm.s32 $_scs_section_size  }
0x9a: {  	s4 =	simm.s32 $_size__tile_overlayer_lowered;
	s5 =	simm.s32 $_tile_overlayer_lowered  }
0x9b: {  	s22 =	simm.s32 $0x1BFF;
	s21 =	sshll.u32 s5, $0x1;
	s2 =	sadd.s32 s19, s18  }
0x9c: {  	s6 =	simm.s32 $0x0;
	s20 =	sshll.u32 s4, $0x1;
	s4 =	sadd.s32 s21, s2  }
0x9d: {  	[timem:s6], [sflag:s22] =	dma.local [hbm:s4], s20  }
0x9e: {  	_ =	swait.ge [sflag:s22], s20  }
0x9f: {  	s3 =	ssub.s32 $0x0, s20;
	[sflag:s22] =	ssyncset.done $0x0  }
0xa0: {  	[sflag:s22] =	ssyncadd.s32 s3;
	_ =	sdelay $0x1  }
0xa1: {  	s23 =	simm.s32 $0x1B8B  }
0xa2: {  	_ =	swait.ge [sflag:s23], $0x1  }
0xa3: {  	[sflag:s23] =	ssyncset.done $0x0  }
0xa4: {  	s25 =	simm.s32 $0x1B8E;
	s24 =	sld [smem:$0x3FFE];
	[sflag:s23] =	ssyncadd.s32 $0xFFFFFFFF  }
0xa5: {  	s26 =	simm.s32 $execute0_lowered;
	[smem:$0x3FD2] =	sst s25  }
0xa6: {  	s4 =	sshll.u32 s26, $0x1;
	_ =	strace $0x80000049;
	[dreg:$0x1] =	wrdreg $0xFFFFFFFF  }
0xa7: {  	s28 =	simm.s32 $_size_execute0_lowered;
	s2 =	sadd.s32 s2, s4;
	[dreg:$0x0] =	wrdreg $0x0  }
0xa8: {  	s4 =	sshll.u32 s28, $0x1;
	[dreg:$0x2] =	wrdreg s2  }
0xa9: {  	[dreg:$0x3] =	wrdreg s4  }
0xaa: {  	[dreg:$0x4] =	wrdreg $0xC0  }
0xab: {  	_ =	task [dreg:s6], $0x5FFFF  }
0xac: {  	[dreg:$0x1] =	wrdreg $0xFFFFFFFF  }
0xad: {  	[dreg:$0x0] =	wrdreg $0x60  }
0xae: {  	[dreg:$0x2] =	wrdreg s24  }
0xaf: {  	[dreg:$0x3] =	wrdreg $0x90000  }
0xb0: {  	[dreg:$0x4] =	wrdreg $0x9  }
0xb1: {  	_ =	task.clear_ibuf [dreg:s6], $0x5FFFF;
	_ =	strace $0x90000049  }
0xb2: {  	s29 =	simm.s32 $0x9;
	_ =	strace $0x8000004B  }
0xb3: {  	_ =	swait.ge [sflag:s29], $0x1  }
0xb4: {  	[sflag:s29] =	ssyncadd.s32 $0xFFFFFFFF  }
0xb5: {  	_ =	strace $0x9000004B  }
0xb6: {  	_ =	sfence  }
0xb7: {  	s30 =	sld [smem:$0x0];
	_ =	sdelay $0x2  }
0xb8: {  	s31 =	sshll.u32 s1, $0xD;
	s1 =	sshrl.u32 s1, $0x2  }
0xb9: {  	s3 =	sand.u32 $0x4000, s31;
	s1 =	sadd.s32 s1, s30  }
0xba: {  	s0 =	sor.u32 s3, s0;
	s1 =	sshll.u32 s1, $0x11  }
0xbb: {  	s0 =	sor.u32 s1, s0  }
0xbc: {  	s0 =	sadd.s32 $0x8F2B, s0  }
0xbd: {  	[sflag:s0] =	ssyncadd.remote.s32 $0x1  }
0xbe: {  	_ =	sfence.sel $0xFFFF  }
0xbf: {  	[dreg:$0x0] =	wrdreg $0xFFFFFFFF;
	(pc) =	sbr.abs _section_cstart, $3  }
0xc0: {  	[dreg:$0x1] =	wrdreg $0xFFFFFFFF  }
0xc1: {  	_ =	task.clear_ibuf [dreg:s6], $0x2FFFF;
	_ =	strace $0x9FFFFFFF  }
0xc2: {  	(tm) =	ssettm $0x7FFFFFFF  }
0xc3: {  	_ =	shalt  }
tec
execute0_lowered:
.L_overlay_start_1:
0x0: {  	(tag) =	ssettag $0x1  }
0x1: {  	s0 =	srdreg.scid;
	s6 =	rddreg [dreg:$0x0]  }
0x2: {  	s2 =	rddreg [dreg:$0x1];
	s3 =	simm.s32 $0x0;
	s14 =	simm.s32 $0x80  }
0x3: {  	s15 =	simm.s32 $0x5000;
	s5 =	sand.u32 $0x1, s0;
	s0 =	stileid.u32  }
0x4: {  	s16 =	simm.s32 $0x1;
	s17 =	simm.s32 $0x0;
	s8 =	smul.u32 $0x13C00, s0  }
0x5: {  	[smem:$0x7FF] =	sst s3;
	s1 =	sshll.u32 s5, $0x4;
	s9 =	smul.u32 $0x13C000, s5  }
0x6: {  	s5 =	ssub.s32 $0x2, s5;
	s29 =	smul.u32 $0x4F000, s0;
	s31 =	sshll.u32 s0, $0x6  }
0x7: {  	s4 =	sor.u32 s0, s1;
	s1 =	rddreg [dreg:$0x2];
	_ =	strace $0x8000004A  }
0x8: {  	s11 =	sshrl.u32 s5, $0x1;
	s7 =	smul.u32 $0x500, s4;
	s4 =	sadd.s32 $0x42000, s6  }
0x9: {  	s28 =	sshrl.u32 s8, $0x3;
	s8 =	sadd.s32 s8, s9;
	s30 =	sshrl.u32 s29, $0x2  }
0xa: {  	s11 =	ssub.s32 s5, s11;
	s8 =	sshrl.u32 s8, $0x3;
	s13 =	sadd.s32 s30, s2  }
0xb: {  	s10 =	sadd.s32 s7, s6;
	s7 =	sadd.s32 s28, s6;
	s12 =	sadd.s32 s8, s6  }
0xc: {  	s6 =	sor.u32 $0x1C02, s31;
	s5 =	sadd.s32 $0x1A800, s7;
	s7 =	sadd.s32 $0x6800, s10  }
0xd: {  	s8 =	sadd.s32 $0x10800, s10;
	s9 =	sadd.s32 $0x91000, s12;
	s10 =	smax.u32 s11, $0x1  }
0xe: {  	s11 =	sshrl.u32 s13, $0x3;
	s12 =	simm.s32 $0x2;
	s13 =	simm.s32 $0x2800  }
.LBB2_1:
0xf: {  	[spmem:s11], [sflag:s6] =	dma.local [hbm:s5], $0x2780  }
0x10: {  	_ =	swait.ge [sflag:s12], $0x2780  }
0x11: {  	[sflag:s12] =	ssyncset.done $0x0  }
0x12: {  	[sflag:s12] =	ssyncadd.s32 $0xFFFFD880  }
0x13: {  	[tilespmem:s3], [sflag:$0x2] =	stream.linear.gather [hbm4b:s7+s3], $0x2800, $0x38;
	[tilespmem:$0x1CC00] =	vst v63  }
0x14: {  	_ =	swait.ge [sflag:s12], $0x2800  }
0x15: {  	[sflag:s12] =	ssyncset.done $0x0  }
0x16: {  	[sflag:s12] =	ssyncadd.s32 $0xFFFFD800  }
0x17: {  	[tilespmem:s13], [sflag:$0x2] =	stream.linear.gather [hbm4b:s8+s3], $0x2800, $0x38;
	[tilespmem:$0x1CC00] =	vst v63  }
0x18: {  	_ =	swait.ge [sflag:s12], $0x2800  }
0x19: {  	[sflag:s12] =	ssyncset.done $0x0  }
0x1a: {  	[sflag:s12] =	ssyncadd.s32 $0xFFFFD800  }
0x1b: {  	s18 =	simm.s32 $0x0;
	[bflag:$0x0] =	sbarrier.arrive $0xFFFF  }
0x1c: {  	[tilespmem:s15], [sflag:$0x1] =	stream.indirect.gather [hbm4b:s4+s14], $0x80, s18, s14, $0xb8;
	[tilespmem:$0x1CC00] =	vst v63  }
0x1d: {  	_ =	swait.ge [sflag:s16], $0x4000  }
0x1e: {  	[sflag:s16] =	ssyncset.done $0x0  }
0x1f: {  	s31 =	simm.s32 $0x2800;
	[sflag:s16] =	ssyncadd.s32 $0xFFFFC000  }
0x20: {  	[spmem:s2] =	stream.indirect.scatter.add.f32 [tilespmem:s15], [sflag:$0x2], $0x80, s31, s14, $0xb8;
	[tilespmem:$0x1CC00] =	vst v63  }
0x21: {  	_ =	swait.ge [sflag:s12], $0x4000  }
0x22: {  	s19 =	simm.s32 $0x400;
	s18 =	simm.s32 $0x200;
	[sflag:s12] =	ssyncset.done $0x0  }
.LBB2_2:
0x23: {  	s20 =	sshra.s32 s18, $0x2  }
0x24: {  	[sflag:s12] =	ssyncadd.s32 $0xFFFFC000;
	s18 =	smov.u32 s19;
	s21 =	sadd.s32 $0x200, s19  }
0x25: {  	[tilespmem:s15], [sflag:$0x1] =	stream.indirect.gather [hbm4b:s4+s14], $0x80, s20, s14, $0xb8;
	[tilespmem:$0x1CC00] =	vst v63  }
0x26: {  	p0 =	sne.s32 s19, $0x9E00;
	_ =	swait.ge [sflag:s16], $0x4000  }
.Ltmp0:
0x27: {  	[sflag:s16] =	ssyncset.done $0x0;
	(pc) =	sbr.rel @p0 .LBB2_2-.Ltmp0, $4  }
0x28: {  	s19 =	sadd.s32 $0x2800, s20;
	[sflag:s16] =	ssyncadd.s32 $0xFFFFC000  }
0x29: {  	[spmem:s2] =	stream.indirect.scatter.add.f32 [tilespmem:s15], [sflag:$0x2], $0x80, s19, s14, $0xb8;
	[tilespmem:$0x1CC00] =	vst v63  }
0x2a: {  	_ =	swait.ge [sflag:s12], $0x4000  }
0x2b: {  	s19 =	smov.u32 s21;
	[sflag:s12] =	ssyncset.done $0x0  }
0x2c: {  	s18 =	sshra.s32 s18, $0x2;
	[sflag:s12] =	ssyncadd.s32 $0xFFFFC000  }
0x2d: {  	[tilespmem:s15], [sflag:$0x1] =	stream.indirect.gather [hbm4b:s4+s14], $0x80, s18, s14, $0xb8;
	[tilespmem:$0x1CC00] =	vst v63  }
0x2e: {  	_ =	swait.ge [sflag:s16], $0x4000  }
0x2f: {  	[sflag:s16] =	ssyncset.done $0x0  }
0x30: {  	s18 =	sadd.s32 $0x2800, s18;
	[sflag:s16] =	ssyncadd.s32 $0xFFFFC000  }
0x31: {  	[spmem:s2] =	stream.indirect.scatter.add.f32 [tilespmem:s15], [sflag:$0x2], $0x80, s18, s14, $0xb8;
	[tilespmem:$0x1CC00] =	vst v63  }
0x32: {  	_ =	swait.ge [sflag:s12], $0x4000  }
0x33: {  	s17 =	sadd.s32 $0x1, s17;
	[sflag:s12] =	ssyncset.done $0x0  }
0x34: {  	p0 =	sne.s32 s17, s10;
	[sflag:s12] =	ssyncadd.s32 $0xFFFFC000  }
.Ltmp1:
0x35: {  	[bflag:$0x0] =	sbarrier.arrive $0xFFFF;
	(pc) =	sbr.rel @p0 .LBB2_1-.Ltmp1, $4  }
0x36: {  	[hbm:s9], [sflag:s6] =	dma.local [spmem:s11], $0x2780  }
0x37: {  	_ =	swait.ge [sflag:s12], $0x2780  }
0x38: {  	[sflag:s12] =	ssyncset.done $0x0  }
0x39: {  	[sflag:s12] =	ssyncadd.s32 $0xFFFFD880  }
0x3a: {  	_ =	sfence.sel $0x180000  }
0x3b: {  	[bflag:$0x0] =	sbarrier.arrive $0xFFFF  }
0x3c: {  	p0 =	sne.s32 s0, $0x0;
	_ =	strace $0x9000004A  }
0x3d: {  	s0 =	sadd.s32 @!p0 $0x100000, s1;
	[bflag:$0x2] =	sbarrier.arrive $0xFFFF  }
0x3e: {  	[sflag:s0] =	ssyncadd.tile.s32 @!p0 $0x1;
	_ =	shalt  }
.Lfunc_end2:
_tile_overlayer_lowered:
.L_overlay_start_2:
0x3f: {  	(tag) =	ssettag $0x2  }
0x40: {  	s0 =	rddreg [dreg:$0x0];
	s2 =	stileid.u32  }
0x41: {  	s1 =	rddreg [dreg:$0x1];
	p0 =	sne.s32 s2, $0x0  }
0x42: {  	s3 =	rddreg [dreg:$0x2];
	[bflag:$0x3] =	sbarrier.arrive $0xFFFF;
	s2 =	simm.s32 @!p0 $0x1C02  }
0x43: {  	[timem:s3], [sflag:s2] =	dma.local @!p0 [hbm:s0], s1  }
0x44: {  	s0 =	simm.s32 @!p0 $0x2  }
0x45: {  	_ =	swait.ge @!p0 [sflag:s0], s1  }
0x46: {  	s1 =	ssub.s32 @!p0 $0x0, s1;
	[sflag:s0] =	ssyncset.done @!p0 $0x0  }
0x47: {  	[sflag:s0] =	ssyncadd.s32 @!p0 s1  }
0x48: {  	[bflag:$0x3] =	sbarrier.arrive $0xFFFF  }
0x49: {  	_ =	shalt  }

// kernel: kernel.20.cloned.1.call-start
scs
__scs_entry_jumppad:
0x0: {  	(pc) =	sbr.rel $0x88, $3  }
0x1: {  	(tag) =	ssettag $0x0;
	lr =	simm.s32 $0x1  }
0x2: {  	[smem:$0x3F94] =	sst lr;
	_ =	strace $0xD0000000  }
0x3: {  	_ = 	snop  }
0x4: {  	_ = 	snop  }
0x5: {  	_ = 	snop  }
0x6: {  	_ = 	snop  }
0x7: {  	_ = 	snop  }
__scs_overlays_trampoline_lowered:
0x8: {  	[smem:$0x3FA3] =	sst s0  }
0x9: {  	[smem:$0x3FA4] =	sst s1  }
0xa: {  	[smem:$0x3FA5] =	sst s2  }
0xb: {  	[smem:$0x3FA6] =	sst s3  }
0xc: {  	[smem:$0x3FA7] =	sst s4  }
0xd: {  	[smem:$0x3FA8] =	sst s5  }
0xe: {  	[smem:$0x3FA9] =	sst s6  }
0xf: {  	[smem:$0x3FAA] =	sst s7  }
0x10: {  	[smem:$0x3FAB] =	sst s8  }
0x11: {  	[smem:$0x3FAC] =	sst s9;
	s0 =	simm.s32 @!p0 $0x0  }
0x12: {  	s1 =	sld [smem:$0x3F92];
	s0 =	simm.s32 @p0 $0x1  }
0x13: {  	[smem:$0x3FAD] =	sst s0;
	s0 =	simm.s32 @!p1 $0x0  }
0x14: {  	s2 =	sld [smem:$0x3F91];
	s0 =	simm.s32 @p1 $0x1  }
0x15: {  	[smem:$0x3FAE] =	sst s0;
	s0 =	simm.s32 @!p2 $0x0  }
0x16: {  	s3 =	sld [smem:$0x3FDB];
	s0 =	simm.s32 @p2 $0x1  }
0x17: {  	s4 =	simm.s32 $0x1BF5;
	[smem:$0x3FB0] =	sst s0  }
0x18: {  	s0 =	sld [smem:$0x3F93];
	_ =	swait.ge [sflag:s4], $0x0  }
0x19: {  	s7 =	sld [smem:$0x3F94]  }
0x1a: {  	s8 =	sadd.s32 $0xFFFFE003, lr  }
0x1b: {  	s9 =	sadd.s32 $0xFFFFFEF7, lr;
	s5 =	simm.s32 $0xFFFFFFFF;
	p2 =	slt.u32 s8, $0xFFFFF086  }
0x1c: {  	p1 =	slt.u32 s9, $0xF7A;
	s5 =	simm.s32 @!p2 $0x0  }
0x1d: {  	s5 =	simm.s32 @p1 $0x1;
	p0 =	seq.s32 s7, s2  }
0x1e: {  	s7 =	smul.u32 @!p0 $0xF7A, s2;
	p2 =	seq.s32 @!p0 s5, $0x0  }
0x1f: {  	s9 =	smul.u32 $0xF7A, s1;
	s8 =	simm.s32 @!p0 $0x1BF5;
	p2 =	por !p2, p0  }
0x20: {  	[sflag:s8] =	ssyncset.s32 @!p0 $0xFFFFF086;
	s6 =	sadd.s32 @!p0 s3, s7;
	s7 =	simm.s32 @!p0 $0x108  }
0x21: {  	s3 =	sadd.s32 s3, s9;
	s6 =	sadd.s32 @!p0 $0x88, s6;
	s7 =	simm.s32 @p2 $0x1082  }
0x22: {  	[simem:s7], [sflag:s8] =	dma.local @!p0 [hbm:s6], $0xF7A  }
0x23: {  	s9 =	sor.u32 $0xD0000000, s2;
	s6 =	simm.s32 $0x108;
	_ =	swait.ge @!p0 [sflag:s8], $0x0  }
0x24: {  	s3 =	sadd.s32 $0x88, s3;
	s6 =	simm.s32 @!p1 $0x1082;
	[sflag:s4] =	ssyncset.s32 $0xFFFFF086  }
0x25: {  	[simem:s6], [sflag:s4] =	dma.local [hbm:s3], $0xF7A  }
0x26: {  	[smem:$0x3F94] =	sst s1;
	(tag) =	ssettag s2;
	_ =	strace s9  }
0x27: {  	s1 =	sld [smem:$0x3FA4]  }
0x28: {  	s2 =	sld [smem:$0x3FA5]  }
0x29: {  	s4 =	sld [smem:$0x3FA7]  }
0x2a: {  	p0 =	seq.s32 s5, $0x0;
	s5 =	sld [smem:$0x3FA8]  }
0x2b: {  	s6 =	sld [smem:$0x3FA9]  }
0x2c: {  	s7 =	sld [smem:$0x3FAA]  }
0x2d: {  	s3 =	simm.s32 $0x108;
	s8 =	sld [smem:$0x3FAB]  }
0x2e: {  	s3 =	simm.s32 @!p0 $0x1082;
	s9 =	sld [smem:$0x3FAC]  }
0x2f: {  	lr =	sadd.s32 s0, s3;
	s0 =	sld [smem:$0x3FA3]  }
0x30: {  	s3 =	sld [smem:$0x3FA6]  }
0x31: {  	[smem:$0x3FAF] =	sst s10  }
0x32: {  	s10 =	sld [smem:$0x3FAD];
	_ =	sdelay $0x3  }
0x33: {  	p0 =	seq.s32 s10, $0x1;
	s10 =	sld [smem:$0x3FAF];
	_ =	sdelay $0x3  }
0x34: {  	[smem:$0x3FAF] =	sst s10  }
0x35: {  	s10 =	sld [smem:$0x3FAE];
	_ =	sdelay $0x3  }
0x36: {  	p1 =	seq.s32 s10, $0x1;
	s10 =	sld [smem:$0x3FAF];
	_ =	sdelay $0x3  }
0x37: {  	[smem:$0x3FAF] =	sst s10  }
0x38: {  	s10 =	sld [smem:$0x3FB0]  }
0x39: {  	_ = 	snop;
	(pc) =	sbr.ind lr, $3  }
0x3a: {  	_ = 	snop  }
0x3b: {  	_ = 	snop  }
0x3c: {  	p2 =	seq.s32 s10, $0x1;
	s10 =	sld [smem:$0x3FAF]  }
0x3d: {  	_ =	shalt  }
0x3e: {  	_ =	shalt  }
0x3f: {  	_ =	shalt  }
0x40: {  	_ =	shalt  }
0x41: {  	_ =	shalt  }
0x42: {  	_ =	shalt  }
0x43: {  	_ =	shalt  }
0x44: {  	_ =	shalt  }
0x45: {  	_ =	shalt  }
0x46: {  	_ =	shalt  }
0x47: {  	_ =	shalt  }
0x48: {  	_ =	shalt  }
0x49: {  	_ =	shalt  }
0x4a: {  	_ =	shalt  }
0x4b: {  	_ =	shalt  }
0x4c: {  	_ =	shalt  }
0x4d: {  	_ =	shalt  }
0x4e: {  	_ =	shalt  }
0x4f: {  	_ =	shalt  }
0x50: {  	_ =	shalt  }
0x51: {  	_ =	shalt  }
0x52: {  	_ =	shalt  }
0x53: {  	_ =	shalt  }
0x54: {  	_ =	shalt  }
0x55: {  	_ =	shalt  }
0x56: {  	_ =	shalt  }
0x57: {  	_ =	shalt  }
0x58: {  	_ =	shalt  }
0x59: {  	_ =	shalt  }
0x5a: {  	_ =	shalt  }
0x5b: {  	_ =	shalt  }
0x5c: {  	_ =	shalt  }
0x5d: {  	_ =	shalt  }
0x5e: {  	_ =	shalt  }
0x5f: {  	_ =	shalt  }
0x60: {  	_ =	shalt  }
0x61: {  	_ =	shalt  }
0x62: {  	_ =	shalt  }
0x63: {  	_ =	shalt  }
0x64: {  	_ =	shalt  }
0x65: {  	_ =	shalt  }
0x66: {  	_ =	shalt  }
0x67: {  	_ =	shalt  }
0x68: {  	_ =	shalt  }
0x69: {  	_ =	shalt  }
0x6a: {  	_ =	shalt  }
0x6b: {  	_ =	shalt  }
0x6c: {  	_ =	shalt  }
0x6d: {  	_ =	shalt  }
0x6e: {  	_ =	shalt  }
0x6f: {  	_ =	shalt  }
0x70: {  	_ =	shalt  }
0x71: {  	_ =	shalt  }
0x72: {  	_ =	shalt  }
0x73: {  	_ =	shalt  }
0x74: {  	_ =	shalt  }
0x75: {  	_ =	shalt  }
0x76: {  	_ =	shalt  }
0x77: {  	_ =	shalt  }
0x78: {  	_ =	shalt  }
0x79: {  	_ =	shalt  }
0x7a: {  	_ =	shalt  }
0x7b: {  	_ =	shalt  }
0x7c: {  	_ =	shalt  }
0x7d: {  	_ =	shalt  }
0x7e: {  	_ =	shalt  }
0x7f: {  	_ =	shalt  }
0x80: {  	_ =	shalt  }
0x81: {  	_ =	shalt  }
0x82: {  	_ =	shalt  }
0x83: {  	_ =	shalt  }
0x84: {  	_ =	shalt  }
0x85: {  	_ =	shalt  }
0x86: {  	_ =	shalt  }
0x87: {  	_ =	shalt  }
.Lfunc_end0:
.L_simem_size_0:
called_computation.2_lowered:
.L_overlay_start_0:
0x88: {  	s2 =	sld [smem:$0x3FD9]  }
0x89: {  	s3 =	sld [smem:$0x3FFE];
	_ =	sdelay $0x1  }
0x8a: {  	s1 =	srdreg.scid  }
0x8b: {  	s0 =	sand.u32 $0x1, s1  }
0x8c: {  	s16 =	sshll.u32 s0, $0xA;
	s2 =	sadd.s32 s3, s2  }
0x8d: {  	s2 =	sadd.s32 s2, s16  }
0x8e: {  	[smem:$0x3FBB] =	sst s2  }
0x8f: {  	_ = 	snop  }
0x90: {  	(tm) =	ssettm $0x1  }
0x91: {  	s17 =	sld [smem:$0x3FFB];
	_ =	sdelay $0x3  }
0x92: {  	_ =	strace s17  }
0x93: {  	s2 =	sld [smem:$0x3FFC];
	_ =	sdelay $0x3  }
0x94: {  	_ =	strace s2  }
0x95: {  	s2 =	sld [smem:$0x3FFD];
	_ =	sdelay $0x3  }
0x96: {  	_ =	strace s2  }
0x97: {  	_ =	strace $0x8FFFFFFF  }
0x98: {  	s18 =	sld [smem:$0x3FDB];
	_ =	sdelay $0x1  }
0x99: {  	s19 =	simm.s32 $_scs_section_size  }
0x9a: {  	s4 =	simm.s32 $_size__tile_overlayer_lowered;
	s5 =	simm.s32 $_tile_overlayer_lowered  }
0x9b: {  	s22 =	simm.s32 $0x1BFF;
	s21 =	sshll.u32 s5, $0x1;
	s2 =	sadd.s32 s19, s18  }
0x9c: {  	s6 =	simm.s32 $0x0;
	s20 =	sshll.u32 s4, $0x1;
	s4 =	sadd.s32 s21, s2  }
0x9d: {  	[timem:s6], [sflag:s22] =	dma.local [hbm:s4], s20  }
0x9e: {  	_ =	swait.ge [sflag:s22], s20  }
0x9f: {  	s3 =	ssub.s32 $0x0, s20;
	[sflag:s22] =	ssyncset.done $0x0  }
0xa0: {  	[sflag:s22] =	ssyncadd.s32 s3;
	_ =	sdelay $0x1  }
0xa1: {  	s23 =	simm.s32 $0x1B8B  }
0xa2: {  	_ =	swait.ge [sflag:s23], $0x1  }
0xa3: {  	[sflag:s23] =	ssyncset.done $0x0  }
0xa4: {  	s25 =	simm.s32 $0x1B8E;
	s24 =	sld [smem:$0x3FFE];
	[sflag:s23] =	ssyncadd.s32 $0xFFFFFFFF  }
0xa5: {  	s26 =	simm.s32 $execute0_lowered;
	[smem:$0x3FD2] =	sst s25  }
0xa6: {  	s4 =	sshll.u32 s26, $0x1;
	_ =	strace $0x8000004C;
	[dreg:$0x1] =	wrdreg $0xFFFFFFFF  }
0xa7: {  	s28 =	simm.s32 $_size_execute0_lowered;
	s2 =	sadd.s32 s2, s4;
	[dreg:$0x0] =	wrdreg $0x0  }
0xa8: {  	s4 =	sshll.u32 s28, $0x1;
	[dreg:$0x2] =	wrdreg s2  }
0xa9: {  	[dreg:$0x3] =	wrdreg s4  }
0xaa: {  	[dreg:$0x4] =	wrdreg $0xC0  }
0xab: {  	_ =	task [dreg:s6], $0x5FFFF  }
0xac: {  	[dreg:$0x1] =	wrdreg $0xFFFFFFFF  }
0xad: {  	[dreg:$0x0] =	wrdreg $0x60  }
0xae: {  	[dreg:$0x2] =	wrdreg s24  }
0xaf: {  	[dreg:$0x3] =	wrdreg $0x90000  }
0xb0: {  	[dreg:$0x4] =	wrdreg $0x9  }
0xb1: {  	_ =	task.clear_ibuf [dreg:s6], $0x5FFFF;
	_ =	strace $0x9000004C  }
0xb2: {  	s29 =	simm.s32 $0x9;
	_ =	strace $0x8000004E  }
0xb3: {  	_ =	swait.ge [sflag:s29], $0x1  }
0xb4: {  	[sflag:s29] =	ssyncadd.s32 $0xFFFFFFFF  }
0xb5: {  	_ =	strace $0x9000004E  }
0xb6: {  	_ =	sfence  }
0xb7: {  	s30 =	sld [smem:$0x0];
	_ =	sdelay $0x2  }
0xb8: {  	s31 =	sshll.u32 s1, $0xD;
	s1 =	sshrl.u32 s1, $0x2  }
0xb9: {  	s3 =	sand.u32 $0x4000, s31;
	s1 =	sadd.s32 s1, s30  }
0xba: {  	s0 =	sor.u32 s3, s0;
	s1 =	sshll.u32 s1, $0x11  }
0xbb: {  	s0 =	sor.u32 s1, s0  }
0xbc: {  	s0 =	sadd.s32 $0x8F2B, s0  }
0xbd: {  	[sflag:s0] =	ssyncadd.remote.s32 $0x1  }
0xbe: {  	_ =	sfence.sel $0xFFFF  }
0xbf: {  	[dreg:$0x0] =	wrdreg $0xFFFFFFFF;
	(pc) =	sbr.abs _section_cstart, $3  }
0xc0: {  	[dreg:$0x1] =	wrdreg $0xFFFFFFFF  }
0xc1: {  	_ =	task.clear_ibuf [dreg:s6], $0x2FFFF;
	_ =	strace $0x9FFFFFFF  }
0xc2: {  	(tm) =	ssettm $0x7FFFFFFF  }
0xc3: {  	_ =	shalt  }
tec
execute0_lowered:
.L_overlay_start_1:
0x0: {  	(tag) =	ssettag $0x1  }
0x1: {  	s0 =	srdreg.scid;
	s6 =	rddreg [dreg:$0x0]  }
0x2: {  	s2 =	rddreg [dreg:$0x1];
	s3 =	simm.s32 $0x0;
	s14 =	simm.s32 $0x80  }
0x3: {  	s15 =	simm.s32 $0x5000;
	s5 =	sand.u32 $0x1, s0;
	s0 =	stileid.u32  }
0x4: {  	s16 =	simm.s32 $0x1;
	s17 =	simm.s32 $0x0;
	s8 =	smul.u32 $0x13C00, s0  }
0x5: {  	[smem:$0x7FF] =	sst s3;
	s1 =	sshll.u32 s5, $0x4;
	s9 =	smul.u32 $0x13C000, s5  }
0x6: {  	s5 =	ssub.s32 $0x2, s5;
	s29 =	smul.u32 $0x4F000, s0;
	s31 =	sshll.u32 s0, $0x6  }
0x7: {  	s4 =	sor.u32 s0, s1;
	s1 =	rddreg [dreg:$0x2];
	_ =	strace $0x8000004D  }
0x8: {  	s11 =	sshrl.u32 s5, $0x1;
	s7 =	smul.u32 $0x500, s4;
	s4 =	sadd.s32 $0x42000, s6  }
0x9: {  	s28 =	sshrl.u32 s8, $0x3;
	s8 =	sadd.s32 s8, s9;
	s30 =	sshrl.u32 s29, $0x2  }
0xa: {  	s11 =	ssub.s32 s5, s11;
	s8 =	sshrl.u32 s8, $0x3;
	s13 =	sadd.s32 s30, s2  }
0xb: {  	s10 =	sadd.s32 s7, s6;
	s7 =	sadd.s32 s28, s6;
	s12 =	sadd.s32 s8, s6  }
0xc: {  	s6 =	sor.u32 $0x1C02, s31;
	s5 =	sadd.s32 $0x1A800, s7;
	s7 =	sadd.s32 $0x6800, s10  }
0xd: {  	s8 =	sadd.s32 $0x10800, s10;
	s9 =	sadd.s32 $0x91000, s12;
	s10 =	smax.u32 s11, $0x1  }
0xe: {  	s11 =	sshrl.u32 s13, $0x3;
	s12 =	simm.s32 $0x2;
	s13 =	simm.s32 $0x2800  }
.LBB2_1:
0xf: {  	[spmem:s11], [sflag:s6] =	dma.local [hbm:s5], $0x2780  }
0x10: {  	_ =	swait.ge [sflag:s12], $0x2780  }
0x11: {  	[sflag:s12] =	ssyncset.done $0x0  }
0x12: {  	[sflag:s12] =	ssyncadd.s32 $0xFFFFD880  }
0x13: {  	[tilespmem:s3], [sflag:$0x2] =	stream.linear.gather [hbm4b:s7+s3], $0x2800, $0x38;
	[tilespmem:$0x1CC00] =	vst v63  }
0x14: {  	_ =	swait.ge [sflag:s12], $0x2800  }
0x15: {  	[sflag:s12] =	ssyncset.done $0x0  }
0x16: {  	[sflag:s12] =	ssyncadd.s32 $0xFFFFD800  }
0x17: {  	[tilespmem:s13], [sflag:$0x2] =	stream.linear.gather [hbm4b:s8+s3], $0x2800, $0x38;
	[tilespmem:$0x1CC00] =	vst v63  }
0x18: {  	_ =	swait.ge [sflag:s12], $0x2800  }
0x19: {  	[sflag:s12] =	ssyncset.done $0x0  }
0x1a: {  	[sflag:s12] =	ssyncadd.s32 $0xFFFFD800  }
0x1b: {  	s18 =	simm.s32 $0x0;
	[bflag:$0x0] =	sbarrier.arrive $0xFFFF  }
0x1c: {  	[tilespmem:s15], [sflag:$0x1] =	stream.indirect.gather [hbm4b:s4+s14], $0x80, s18, s14, $0xb8;
	[tilespmem:$0x1CC00] =	vst v63  }
0x1d: {  	_ =	swait.ge [sflag:s16], $0x4000  }
0x1e: {  	[sflag:s16] =	ssyncset.done $0x0  }
0x1f: {  	s31 =	simm.s32 $0x2800;
	[sflag:s16] =	ssyncadd.s32 $0xFFFFC000  }
0x20: {  	[spmem:s2] =	stream.indirect.scatter.add.f32 [tilespmem:s15], [sflag:$0x2], $0x80, s31, s14, $0xb8;
	[tilespmem:$0x1CC00] =	vst v63  }
0x21: {  	_ =	swait.ge [sflag:s12], $0x4000  }
0x22: {  	s19 =	simm.s32 $0x400;
	s18 =	simm.s32 $0x200;
	[sflag:s12] =	ssyncset.done $0x0  }
.LBB2_2:
0x23: {  	s20 =	sshra.s32 s18, $0x2  }
0x24: {  	[sflag:s12] =	ssyncadd.s32 $0xFFFFC000;
	s18 =	smov.u32 s19;
	s21 =	sadd.s32 $0x200, s19  }
0x25: {  	[tilespmem:s15], [sflag:$0x1] =	stream.indirect.gather [hbm4b:s4+s14], $0x80, s20, s14, $0xb8;
	[tilespmem:$0x1CC00] =	vst v63  }
0x26: {  	p0 =	sne.s32 s19, $0x9E00;
	_ =	swait.ge [sflag:s16], $0x4000  }
.Ltmp0:
0x27: {  	[sflag:s16] =	ssyncset.done $0x0;
	(pc) =	sbr.rel @p0 .LBB2_2-.Ltmp0, $4  }
0x28: {  	s19 =	sadd.s32 $0x2800, s20;
	[sflag:s16] =	ssyncadd.s32 $0xFFFFC000  }
0x29: {  	[spmem:s2] =	stream.indirect.scatter.add.f32 [tilespmem:s15], [sflag:$0x2], $0x80, s19, s14, $0xb8;
	[tilespmem:$0x1CC00] =	vst v63  }
0x2a: {  	_ =	swait.ge [sflag:s12], $0x4000  }
0x2b: {  	s19 =	smov.u32 s21;
	[sflag:s12] =	ssyncset.done $0x0  }
0x2c: {  	s18 =	sshra.s32 s18, $0x2;
	[sflag:s12] =	ssyncadd.s32 $0xFFFFC000  }
0x2d: {  	[tilespmem:s15], [sflag:$0x1] =	stream.indirect.gather [hbm4b:s4+s14], $0x80, s18, s14, $0xb8;
	[tilespmem:$0x1CC00] =	vst v63  }
0x2e: {  	_ =	swait.ge [sflag:s16], $0x4000  }
0x2f: {  	[sflag:s16] =	ssyncset.done $0x0  }
0x30: {  	s18 =	sadd.s32 $0x2800, s18;
	[sflag:s16] =	ssyncadd.s32 $0xFFFFC000  }
0x31: {  	[spmem:s2] =	stream.indirect.scatter.add.f32 [tilespmem:s15], [sflag:$0x2], $0x80, s18, s14, $0xb8;
	[tilespmem:$0x1CC00] =	vst v63  }
0x32: {  	_ =	swait.ge [sflag:s12], $0x4000  }
0x33: {  	s17 =	sadd.s32 $0x1, s17;
	[sflag:s12] =	ssyncset.done $0x0  }
0x34: {  	p0 =	sne.s32 s17, s10;
	[sflag:s12] =	ssyncadd.s32 $0xFFFFC000  }
.Ltmp1:
0x35: {  	[bflag:$0x0] =	sbarrier.arrive $0xFFFF;
	(pc) =	sbr.rel @p0 .LBB2_1-.Ltmp1, $4  }
0x36: {  	[hbm:s9], [sflag:s6] =	dma.local [spmem:s11], $0x2780  }
0x37: {  	_ =	swait.ge [sflag:s12], $0x2780  }
0x38: {  	[sflag:s12] =	ssyncset.done $0x0  }
0x39: {  	[sflag:s12] =	ssyncadd.s32 $0xFFFFD880  }
0x3a: {  	_ =	sfence.sel $0x180000  }
0x3b: {  	[bflag:$0x0] =	sbarrier.arrive $0xFFFF  }
0x3c: {  	p0 =	sne.s32 s0, $0x0;
	_ =	strace $0x9000004D  }
0x3d: {  	s0 =	sadd.s32 @!p0 $0x100000, s1;
	[bflag:$0x2] =	sbarrier.arrive $0xFFFF  }
0x3e: {  	[sflag:s0] =	ssyncadd.tile.s32 @!p0 $0x1;
	_ =	shalt  }
.Lfunc_end2:
_tile_overlayer_lowered:
.L_overlay_start_2:
0x3f: {  	(tag) =	ssettag $0x2  }
0x40: {  	s0 =	rddreg [dreg:$0x0];
	s2 =	stileid.u32  }
0x41: {  	s1 =	rddreg [dreg:$0x1];
	p0 =	sne.s32 s2, $0x0  }
0x42: {  	s3 =	rddreg [dreg:$0x2];
	[bflag:$0x3] =	sbarrier.arrive $0xFFFF;
	s2 =	simm.s32 @!p0 $0x1C02  }
0x43: {  	[timem:s3], [sflag:s2] =	dma.local @!p0 [hbm:s0], s1  }
0x44: {  	s0 =	simm.s32 @!p0 $0x2  }
0x45: {  	_ =	swait.ge @!p0 [sflag:s0], s1  }
0x46: {  	s1 =	ssub.s32 @!p0 $0x0, s1;
	[sflag:s0] =	ssyncset.done @!p0 $0x0  }
0x47: {  	[sflag:s0] =	ssyncadd.s32 @!p0 s1  }
0x48: {  	[bflag:$0x3] =	sbarrier.arrive $0xFFFF  }
0x49: {  	_ =	shalt  }

// kernel: kernel.23.cloned.1.call-start
scs
__scs_entry_jumppad:
0x0: {  	(pc) =	sbr.rel $0x88, $3  }
0x1: {  	(tag) =	ssettag $0x0;
	lr =	simm.s32 $0x1  }
0x2: {  	[smem:$0x3F94] =	sst lr;
	_ =	strace $0xD0000000  }
0x3: {  	_ = 	snop  }
0x4: {  	_ = 	snop  }
0x5: {  	_ = 	snop  }
0x6: {  	_ = 	snop  }
0x7: {  	_ = 	snop  }
__scs_overlays_trampoline_lowered:
0x8: {  	[smem:$0x3FA3] =	sst s0  }
0x9: {  	[smem:$0x3FA4] =	sst s1  }
0xa: {  	[smem:$0x3FA5] =	sst s2  }
0xb: {  	[smem:$0x3FA6] =	sst s3  }
0xc: {  	[smem:$0x3FA7] =	sst s4  }
0xd: {  	[smem:$0x3FA8] =	sst s5  }
0xe: {  	[smem:$0x3FA9] =	sst s6  }
0xf: {  	[smem:$0x3FAA] =	sst s7  }
0x10: {  	[smem:$0x3FAB] =	sst s8  }
0x11: {  	[smem:$0x3FAC] =	sst s9;
	s0 =	simm.s32 @!p0 $0x0  }
0x12: {  	s1 =	sld [smem:$0x3F92];
	s0 =	simm.s32 @p0 $0x1  }
0x13: {  	[smem:$0x3FAD] =	sst s0;
	s0 =	simm.s32 @!p1 $0x0  }
0x14: {  	s2 =	sld [smem:$0x3F91];
	s0 =	simm.s32 @p1 $0x1  }
0x15: {  	[smem:$0x3FAE] =	sst s0;
	s0 =	simm.s32 @!p2 $0x0  }
0x16: {  	s3 =	sld [smem:$0x3FDB];
	s0 =	simm.s32 @p2 $0x1  }
0x17: {  	s4 =	simm.s32 $0x1BF5;
	[smem:$0x3FB0] =	sst s0  }
0x18: {  	s0 =	sld [smem:$0x3F93];
	_ =	swait.ge [sflag:s4], $0x0  }
0x19: {  	s7 =	sld [smem:$0x3F94]  }
0x1a: {  	s8 =	sadd.s32 $0xFFFFE003, lr  }
0x1b: {  	s9 =	sadd.s32 $0xFFFFFEF7, lr;
	s5 =	simm.s32 $0xFFFFFFFF;
	p2 =	slt.u32 s8, $0xFFFFF086  }
0x1c: {  	p1 =	slt.u32 s9, $0xF7A;
	s5 =	simm.s32 @!p2 $0x0  }
0x1d: {  	s5 =	simm.s32 @p1 $0x1;
	p0 =	seq.s32 s7, s2  }
0x1e: {  	s7 =	smul.u32 @!p0 $0xF7A, s2;
	p2 =	seq.s32 @!p0 s5, $0x0  }
0x1f: {  	s9 =	smul.u32 $0xF7A, s1;
	s8 =	simm.s32 @!p0 $0x1BF5;
	p2 =	por !p2, p0  }
0x20: {  	[sflag:s8] =	ssyncset.s32 @!p0 $0xFFFFF086;
	s6 =	sadd.s32 @!p0 s3, s7;
	s7 =	simm.s32 @!p0 $0x108  }
0x21: {  	s3 =	sadd.s32 s3, s9;
	s6 =	sadd.s32 @!p0 $0x88, s6;
	s7 =	simm.s32 @p2 $0x1082  }
0x22: {  	[simem:s7], [sflag:s8] =	dma.local @!p0 [hbm:s6], $0xF7A  }
0x23: {  	s9 =	sor.u32 $0xD0000000, s2;
	s6 =	simm.s32 $0x108;
	_ =	swait.ge @!p0 [sflag:s8], $0x0  }
0x24: {  	s3 =	sadd.s32 $0x88, s3;
	s6 =	simm.s32 @!p1 $0x1082;
	[sflag:s4] =	ssyncset.s32 $0xFFFFF086  }
0x25: {  	[simem:s6], [sflag:s4] =	dma.local [hbm:s3], $0xF7A  }
0x26: {  	[smem:$0x3F94] =	sst s1;
	(tag) =	ssettag s2;
	_ =	strace s9  }
0x27: {  	s1 =	sld [smem:$0x3FA4]  }
0x28: {  	s2 =	sld [smem:$0x3FA5]  }
0x29: {  	s4 =	sld [smem:$0x3FA7]  }
0x2a: {  	p0 =	seq.s32 s5, $0x0;
	s5 =	sld [smem:$0x3FA8]  }
0x2b: {  	s6 =	sld [smem:$0x3FA9]  }
0x2c: {  	s7 =	sld [smem:$0x3FAA]  }
0x2d: {  	s3 =	simm.s32 $0x108;
	s8 =	sld [smem:$0x3FAB]  }
0x2e: {  	s3 =	simm.s32 @!p0 $0x1082;
	s9 =	sld [smem:$0x3FAC]  }
0x2f: {  	lr =	sadd.s32 s0, s3;
	s0 =	sld [smem:$0x3FA3]  }
0x30: {  	s3 =	sld [smem:$0x3FA6]  }
0x31: {  	[smem:$0x3FAF] =	sst s10  }
0x32: {  	s10 =	sld [smem:$0x3FAD];
	_ =	sdelay $0x3  }
0x33: {  	p0 =	seq.s32 s10, $0x1;
	s10 =	sld [smem:$0x3FAF];
	_ =	sdelay $0x3  }
0x34: {  	[smem:$0x3FAF] =	sst s10  }
0x35: {  	s10 =	sld [smem:$0x3FAE];
	_ =	sdelay $0x3  }
0x36: {  	p1 =	seq.s32 s10, $0x1;
	s10 =	sld [smem:$0x3FAF];
	_ =	sdelay $0x3  }
0x37: {  	[smem:$0x3FAF] =	sst s10  }
0x38: {  	s10 =	sld [smem:$0x3FB0]  }
0x39: {  	_ = 	snop;
	(pc) =	sbr.ind lr, $3  }
0x3a: {  	_ = 	snop  }
0x3b: {  	_ = 	snop  }
0x3c: {  	p2 =	seq.s32 s10, $0x1;
	s10 =	sld [smem:$0x3FAF]  }
0x3d: {  	_ =	shalt  }
0x3e: {  	_ =	shalt  }
0x3f: {  	_ =	shalt  }
0x40: {  	_ =	shalt  }
0x41: {  	_ =	shalt  }
0x42: {  	_ =	shalt  }
0x43: {  	_ =	shalt  }
0x44: {  	_ =	shalt  }
0x45: {  	_ =	shalt  }
0x46: {  	_ =	shalt  }
0x47: {  	_ =	shalt  }
0x48: {  	_ =	shalt  }
0x49: {  	_ =	shalt  }
0x4a: {  	_ =	shalt  }
0x4b: {  	_ =	shalt  }
0x4c: {  	_ =	shalt  }
0x4d: {  	_ =	shalt  }
0x4e: {  	_ =	shalt  }
0x4f: {  	_ =	shalt  }
0x50: {  	_ =	shalt  }
0x51: {  	_ =	shalt  }
0x52: {  	_ =	shalt  }
0x53: {  	_ =	shalt  }
0x54: {  	_ =	shalt  }
0x55: {  	_ =	shalt  }
0x56: {  	_ =	shalt  }
0x57: {  	_ =	shalt  }
0x58: {  	_ =	shalt  }
0x59: {  	_ =	shalt  }
0x5a: {  	_ =	shalt  }
0x5b: {  	_ =	shalt  }
0x5c: {  	_ =	shalt  }
0x5d: {  	_ =	shalt  }
0x5e: {  	_ =	shalt  }
0x5f: {  	_ =	shalt  }
0x60: {  	_ =	shalt  }
0x61: {  	_ =	shalt  }
0x62: {  	_ =	shalt  }
0x63: {  	_ =	shalt  }
0x64: {  	_ =	shalt  }
0x65: {  	_ =	shalt  }
0x66: {  	_ =	shalt  }
0x67: {  	_ =	shalt  }
0x68: {  	_ =	shalt  }
0x69: {  	_ =	shalt  }
0x6a: {  	_ =	shalt  }
0x6b: {  	_ =	shalt  }
0x6c: {  	_ =	shalt  }
0x6d: {  	_ =	shalt  }
0x6e: {  	_ =	shalt  }
0x6f: {  	_ =	shalt  }
0x70: {  	_ =	shalt  }
0x71: {  	_ =	shalt  }
0x72: {  	_ =	shalt  }
0x73: {  	_ =	shalt  }
0x74: {  	_ =	shalt  }
0x75: {  	_ =	shalt  }
0x76: {  	_ =	shalt  }
0x77: {  	_ =	shalt  }
0x78: {  	_ =	shalt  }
0x79: {  	_ =	shalt  }
0x7a: {  	_ =	shalt  }
0x7b: {  	_ =	shalt  }
0x7c: {  	_ =	shalt  }
0x7d: {  	_ =	shalt  }
0x7e: {  	_ =	shalt  }
0x7f: {  	_ =	shalt  }
0x80: {  	_ =	shalt  }
0x81: {  	_ =	shalt  }
0x82: {  	_ =	shalt  }
0x83: {  	_ =	shalt  }
0x84: {  	_ =	shalt  }
0x85: {  	_ =	shalt  }
0x86: {  	_ =	shalt  }
0x87: {  	_ =	shalt  }
.Lfunc_end0:
.L_simem_size_0:
called_computation.3_lowered:
.L_overlay_start_0:
0x88: {  	s2 =	sld [smem:$0x3FD9]  }
0x89: {  	s3 =	sld [smem:$0x3FFE];
	_ =	sdelay $0x1  }
0x8a: {  	s1 =	srdreg.scid  }
0x8b: {  	s0 =	sand.u32 $0x1, s1  }
0x8c: {  	s16 =	sshll.u32 s0, $0xA;
	s2 =	sadd.s32 s3, s2  }
0x8d: {  	s2 =	sadd.s32 s2, s16  }
0x8e: {  	[smem:$0x3FBB] =	sst s2  }
0x8f: {  	_ = 	snop  }
0x90: {  	(tm) =	ssettm $0x1  }
0x91: {  	s17 =	sld [smem:$0x3FFB];
	_ =	sdelay $0x3  }
0x92: {  	_ =	strace s17  }
0x93: {  	s2 =	sld [smem:$0x3FFC];
	_ =	sdelay $0x3  }
0x94: {  	_ =	strace s2  }
0x95: {  	s2 =	sld [smem:$0x3FFD];
	_ =	sdelay $0x3  }
0x96: {  	_ =	strace s2  }
0x97: {  	_ =	strace $0x8FFFFFFF  }
0x98: {  	s18 =	sld [smem:$0x3FDB];
	_ =	sdelay $0x1  }
0x99: {  	s19 =	simm.s32 $_scs_section_size  }
0x9a: {  	s4 =	simm.s32 $_size__tile_overlayer_lowered;
	s5 =	simm.s32 $_tile_overlayer_lowered  }
0x9b: {  	s22 =	simm.s32 $0x1BFF;
	s21 =	sshll.u32 s5, $0x1;
	s2 =	sadd.s32 s19, s18  }
0x9c: {  	s6 =	simm.s32 $0x0;
	s20 =	sshll.u32 s4, $0x1;
	s4 =	sadd.s32 s21, s2  }
0x9d: {  	[timem:s6], [sflag:s22] =	dma.local [hbm:s4], s20  }
0x9e: {  	_ =	swait.ge [sflag:s22], s20  }
0x9f: {  	s3 =	ssub.s32 $0x0, s20;
	[sflag:s22] =	ssyncset.done $0x0  }
0xa0: {  	[sflag:s22] =	ssyncadd.s32 s3;
	_ =	sdelay $0x1  }
0xa1: {  	s23 =	simm.s32 $0x1B8B  }
0xa2: {  	_ =	swait.ge [sflag:s23], $0x1  }
0xa3: {  	[sflag:s23] =	ssyncset.done $0x0  }
0xa4: {  	s25 =	simm.s32 $0x1B8E;
	s24 =	sld [smem:$0x3FFE];
	[sflag:s23] =	ssyncadd.s32 $0xFFFFFFFF  }
0xa5: {  	s26 =	simm.s32 $execute0_lowered;
	[smem:$0x3FD2] =	sst s25  }
0xa6: {  	s4 =	sshll.u32 s26, $0x1;
	_ =	strace $0x8000004F;
	[dreg:$0x1] =	wrdreg $0xFFFFFFFF  }
0xa7: {  	s28 =	simm.s32 $_size_execute0_lowered;
	s2 =	sadd.s32 s2, s4;
	[dreg:$0x0] =	wrdreg $0x0  }
0xa8: {  	s4 =	sshll.u32 s28, $0x1;
	[dreg:$0x2] =	wrdreg s2  }
0xa9: {  	[dreg:$0x3] =	wrdreg s4  }
0xaa: {  	[dreg:$0x4] =	wrdreg $0xC0  }
0xab: {  	_ =	task [dreg:s6], $0x5FFFF  }
0xac: {  	[dreg:$0x1] =	wrdreg $0xFFFFFFFF  }
0xad: {  	[dreg:$0x0] =	wrdreg $0x60  }
0xae: {  	[dreg:$0x2] =	wrdreg s24  }
0xaf: {  	[dreg:$0x3] =	wrdreg $0x90000  }
0xb0: {  	[dreg:$0x4] =	wrdreg $0x9  }
0xb1: {  	_ =	task.clear_ibuf [dreg:s6], $0x5FFFF;
	_ =	strace $0x9000004F  }
0xb2: {  	s29 =	simm.s32 $0x9;
	_ =	strace $0x80000051  }
0xb3: {  	_ =	swait.ge [sflag:s29], $0x1  }
0xb4: {  	[sflag:s29] =	ssyncadd.s32 $0xFFFFFFFF  }
0xb5: {  	_ =	strace $0x90000051  }
0xb6: {  	_ =	sfence  }
0xb7: {  	s30 =	sld [smem:$0x0];
	_ =	sdelay $0x2  }
0xb8: {  	s31 =	sshll.u32 s1, $0xD;
	s1 =	sshrl.u32 s1, $0x2  }
0xb9: {  	s3 =	sand.u32 $0x4000, s31;
	s1 =	sadd.s32 s1, s30  }
0xba: {  	s0 =	sor.u32 s3, s0;
	s1 =	sshll.u32 s1, $0x11  }
0xbb: {  	s0 =	sor.u32 s1, s0  }
0xbc: {  	s0 =	sadd.s32 $0x8F2B, s0  }
0xbd: {  	[sflag:s0] =	ssyncadd.remote.s32 $0x1  }
0xbe: {  	_ =	sfence.sel $0xFFFF  }
0xbf: {  	[dreg:$0x0] =	wrdreg $0xFFFFFFFF;
	(pc) =	sbr.abs _section_cstart, $3  }
0xc0: {  	[dreg:$0x1] =	wrdreg $0xFFFFFFFF  }
0xc1: {  	_ =	task.clear_ibuf [dreg:s6], $0x2FFFF;
	_ =	strace $0x9FFFFFFF  }
0xc2: {  	(tm) =	ssettm $0x7FFFFFFF  }
0xc3: {  	_ =	shalt  }
tec
execute0_lowered:
.L_overlay_start_1:
0x0: {  	(tag) =	ssettag $0x1  }
0x1: {  	s0 =	srdreg.scid;
	s6 =	rddreg [dreg:$0x0]  }
0x2: {  	s2 =	rddreg [dreg:$0x1];
	s3 =	simm.s32 $0x0;
	s14 =	simm.s32 $0x80  }
0x3: {  	s15 =	simm.s32 $0x5000;
	s5 =	sand.u32 $0x1, s0;
	s0 =	stileid.u32  }
0x4: {  	s16 =	simm.s32 $0x1;
	s17 =	simm.s32 $0x0;
	s8 =	smul.u32 $0x13C00, s0  }
0x5: {  	[smem:$0x7FF] =	sst s3;
	s1 =	sshll.u32 s5, $0x4;
	s9 =	smul.u32 $0x13C000, s5  }
0x6: {  	s5 =	ssub.s32 $0x2, s5;
	s29 =	smul.u32 $0x4F000, s0;
	s31 =	sshll.u32 s0, $0x6  }
0x7: {  	s4 =	sor.u32 s0, s1;
	s1 =	rddreg [dreg:$0x2];
	_ =	strace $0x80000050  }
0x8: {  	s11 =	sshrl.u32 s5, $0x1;
	s7 =	smul.u32 $0x500, s4;
	s4 =	sadd.s32 $0x42000, s6  }
0x9: {  	s28 =	sshrl.u32 s8, $0x3;
	s8 =	sadd.s32 s8, s9;
	s30 =	sshrl.u32 s29, $0x2  }
0xa: {  	s11 =	ssub.s32 s5, s11;
	s8 =	sshrl.u32 s8, $0x3;
	s13 =	sadd.s32 s30, s2  }
0xb: {  	s10 =	sadd.s32 s7, s6;
	s7 =	sadd.s32 s28, s6;
	s12 =	sadd.s32 s8, s6  }
0xc: {  	s6 =	sor.u32 $0x1C02, s31;
	s5 =	sadd.s32 $0x1A800, s7;
	s7 =	sadd.s32 $0x6800, s10  }
0xd: {  	s8 =	sadd.s32 $0x10800, s10;
	s9 =	sadd.s32 $0x91000, s12;
	s10 =	smax.u32 s11, $0x1  }
0xe: {  	s11 =	sshrl.u32 s13, $0x3;
	s12 =	simm.s32 $0x2;
	s13 =	simm.s32 $0x2800  }
.LBB2_1:
0xf: {  	[spmem:s11], [sflag:s6] =	dma.local [hbm:s5], $0x2780  }
0x10: {  	_ =	swait.ge [sflag:s12], $0x2780  }
0x11: {  	[sflag:s12] =	ssyncset.done $0x0  }
0x12: {  	[sflag:s12] =	ssyncadd.s32 $0xFFFFD880  }
0x13: {  	[tilespmem:s3], [sflag:$0x2] =	stream.linear.gather [hbm4b:s7+s3], $0x2800, $0x38;
	[tilespmem:$0x1CC00] =	vst v63  }
0x14: {  	_ =	swait.ge [sflag:s12], $0x2800  }
0x15: {  	[sflag:s12] =	ssyncset.done $0x0  }
0x16: {  	[sflag:s12] =	ssyncadd.s32 $0xFFFFD800  }
0x17: {  	[tilespmem:s13], [sflag:$0x2] =	stream.linear.gather [hbm4b:s8+s3], $0x2800, $0x38;
	[tilespmem:$0x1CC00] =	vst v63  }
0x18: {  	_ =	swait.ge [sflag:s12], $0x2800  }
0x19: {  	[sflag:s12] =	ssyncset.done $0x0  }
0x1a: {  	[sflag:s12] =	ssyncadd.s32 $0xFFFFD800  }
0x1b: {  	s18 =	simm.s32 $0x0;
	[bflag:$0x0] =	sbarrier.arrive $0xFFFF  }
0x1c: {  	[tilespmem:s15], [sflag:$0x1] =	stream.indirect.gather [hbm4b:s4+s14], $0x80, s18, s14, $0xb8;
	[tilespmem:$0x1CC00] =	vst v63  }
0x1d: {  	_ =	swait.ge [sflag:s16], $0x4000  }
0x1e: {  	[sflag:s16] =	ssyncset.done $0x0  }
0x1f: {  	s31 =	simm.s32 $0x2800;
	[sflag:s16] =	ssyncadd.s32 $0xFFFFC000  }
0x20: {  	[spmem:s2] =	stream.indirect.scatter.add.f32 [tilespmem:s15], [sflag:$0x2], $0x80, s31, s14, $0xb8;
	[tilespmem:$0x1CC00] =	vst v63  }
0x21: {  	_ =	swait.ge [sflag:s12], $0x4000  }
0x22: {  	s19 =	simm.s32 $0x400;
	s18 =	simm.s32 $0x200;
	[sflag:s12] =	ssyncset.done $0x0  }
.LBB2_2:
0x23: {  	s20 =	sshra.s32 s18, $0x2  }
0x24: {  	[sflag:s12] =	ssyncadd.s32 $0xFFFFC000;
	s18 =	smov.u32 s19;
	s21 =	sadd.s32 $0x200, s19  }
0x25: {  	[tilespmem:s15], [sflag:$0x1] =	stream.indirect.gather [hbm4b:s4+s14], $0x80, s20, s14, $0xb8;
	[tilespmem:$0x1CC00] =	vst v63  }
0x26: {  	p0 =	sne.s32 s19, $0x9E00;
	_ =	swait.ge [sflag:s16], $0x4000  }
.Ltmp0:
0x27: {  	[sflag:s16] =	ssyncset.done $0x0;
	(pc) =	sbr.rel @p0 .LBB2_2-.Ltmp0, $4  }
0x28: {  	s19 =	sadd.s32 $0x2800, s20;
	[sflag:s16] =	ssyncadd.s32 $0xFFFFC000  }
0x29: {  	[spmem:s2] =	stream.indirect.scatter.add.f32 [tilespmem:s15], [sflag:$0x2], $0x80, s19, s14, $0xb8;
	[tilespmem:$0x1CC00] =	vst v63  }
0x2a: {  	_ =	swait.ge [sflag:s12], $0x4000  }
0x2b: {  	s19 =	smov.u32 s21;
	[sflag:s12] =	ssyncset.done $0x0  }
0x2c: {  	s18 =	sshra.s32 s18, $0x2;
	[sflag:s12] =	ssyncadd.s32 $0xFFFFC000  }
0x2d: {  	[tilespmem:s15], [sflag:$0x1] =	stream.indirect.gather [hbm4b:s4+s14], $0x80, s18, s14, $0xb8;
	[tilespmem:$0x1CC00] =	vst v63  }
0x2e: {  	_ =	swait.ge [sflag:s16], $0x4000  }
0x2f: {  	[sflag:s16] =	ssyncset.done $0x0  }
0x30: {  	s18 =	sadd.s32 $0x2800, s18;
	[sflag:s16] =	ssyncadd.s32 $0xFFFFC000  }
0x31: {  	[spmem:s2] =	stream.indirect.scatter.add.f32 [tilespmem:s15], [sflag:$0x2], $0x80, s18, s14, $0xb8;
	[tilespmem:$0x1CC00] =	vst v63  }
0x32: {  	_ =	swait.ge [sflag:s12], $0x4000  }
0x33: {  	s17 =	sadd.s32 $0x1, s17;
	[sflag:s12] =	ssyncset.done $0x0  }
0x34: {  	p0 =	sne.s32 s17, s10;
	[sflag:s12] =	ssyncadd.s32 $0xFFFFC000  }
.Ltmp1:
0x35: {  	[bflag:$0x0] =	sbarrier.arrive $0xFFFF;
	(pc) =	sbr.rel @p0 .LBB2_1-.Ltmp1, $4  }
0x36: {  	[hbm:s9], [sflag:s6] =	dma.local [spmem:s11], $0x2780  }
0x37: {  	_ =	swait.ge [sflag:s12], $0x2780  }
0x38: {  	[sflag:s12] =	ssyncset.done $0x0  }
0x39: {  	[sflag:s12] =	ssyncadd.s32 $0xFFFFD880  }
0x3a: {  	_ =	sfence.sel $0x180000  }
0x3b: {  	[bflag:$0x0] =	sbarrier.arrive $0xFFFF  }
0x3c: {  	p0 =	sne.s32 s0, $0x0;
	_ =	strace $0x90000050  }
0x3d: {  	s0 =	sadd.s32 @!p0 $0x100000, s1;
	[bflag:$0x2] =	sbarrier.arrive $0xFFFF  }
0x3e: {  	[sflag:s0] =	ssyncadd.tile.s32 @!p0 $0x1;
	_ =	shalt  }
.Lfunc_end2:
_tile_overlayer_lowered:
.L_overlay_start_2:
0x3f: {  	(tag) =	ssettag $0x2  }
0x40: {  	s0 =	rddreg [dreg:$0x0];
	s2 =	stileid.u32  }
0x41: {  	s1 =	rddreg [dreg:$0x1];
	p0 =	sne.s32 s2, $0x0  }
0x42: {  	s3 =	rddreg [dreg:$0x2];
	[bflag:$0x3] =	sbarrier.arrive $0xFFFF;
	s2 =	simm.s32 @!p0 $0x1C02  }
0x43: {  	[timem:s3], [sflag:s2] =	dma.local @!p0 [hbm:s0], s1  }
0x44: {  	s0 =	simm.s32 @!p0 $0x2  }
0x45: {  	_ =	swait.ge @!p0 [sflag:s0], s1  }
0x46: {  	s1 =	ssub.s32 @!p0 $0x0, s1;
	[sflag:s0] =	ssyncset.done @!p0 $0x0  }
0x47: {  	[sflag:s0] =	ssyncadd.s32 @!p0 s1  }
0x48: {  	[bflag:$0x3] =	sbarrier.arrive $0xFFFF  }
0x49: {  	_ =	shalt  }

// kernel: kernel.26.cloned.1.call-start
scs
__scs_entry_jumppad:
0x0: {  	(pc) =	sbr.rel $0x88, $3  }
0x1: {  	(tag) =	ssettag $0x0;
	lr =	simm.s32 $0x1  }
0x2: {  	[smem:$0x3F94] =	sst lr;
	_ =	strace $0xD0000000  }
0x3: {  	_ = 	snop  }
0x4: {  	_ = 	snop  }
0x5: {  	_ = 	snop  }
0x6: {  	_ = 	snop  }
0x7: {  	_ = 	snop  }
__scs_overlays_trampoline_lowered:
0x8: {  	[smem:$0x3FA3] =	sst s0  }
0x9: {  	[smem:$0x3FA4] =	sst s1  }
0xa: {  	[smem:$0x3FA5] =	sst s2  }
0xb: {  	[smem:$0x3FA6] =	sst s3  }
0xc: {  	[smem:$0x3FA7] =	sst s4  }
0xd: {  	[smem:$0x3FA8] =	sst s5  }
0xe: {  	[smem:$0x3FA9] =	sst s6  }
0xf: {  	[smem:$0x3FAA] =	sst s7  }
0x10: {  	[smem:$0x3FAB] =	sst s8  }
0x11: {  	[smem:$0x3FAC] =	sst s9;
	s0 =	simm.s32 @!p0 $0x0  }
0x12: {  	s1 =	sld [smem:$0x3F92];
	s0 =	simm.s32 @p0 $0x1  }
0x13: {  	[smem:$0x3FAD] =	sst s0;
	s0 =	simm.s32 @!p1 $0x0  }
0x14: {  	s2 =	sld [smem:$0x3F91];
	s0 =	simm.s32 @p1 $0x1  }
0x15: {  	[smem:$0x3FAE] =	sst s0;
	s0 =	simm.s32 @!p2 $0x0  }
0x16: {  	s3 =	sld [smem:$0x3FDB];
	s0 =	simm.s32 @p2 $0x1  }
0x17: {  	s4 =	simm.s32 $0x1BF5;
	[smem:$0x3FB0] =	sst s0  }
0x18: {  	s0 =	sld [smem:$0x3F93];
	_ =	swait.ge [sflag:s4], $0x0  }
0x19: {  	s7 =	sld [smem:$0x3F94]  }
0x1a: {  	s8 =	sadd.s32 $0xFFFFE003, lr  }
0x1b: {  	s9 =	sadd.s32 $0xFFFFFEF7, lr;
	s5 =	simm.s32 $0xFFFFFFFF;
	p2 =	slt.u32 s8, $0xFFFFF086  }
0x1c: {  	p1 =	slt.u32 s9, $0xF7A;
	s5 =	simm.s32 @!p2 $0x0  }
0x1d: {  	s5 =	simm.s32 @p1 $0x1;
	p0 =	seq.s32 s7, s2  }
0x1e: {  	s7 =	smul.u32 @!p0 $0xF7A, s2;
	p2 =	seq.s32 @!p0 s5, $0x0  }
0x1f: {  	s9 =	smul.u32 $0xF7A, s1;
	s8 =	simm.s32 @!p0 $0x1BF5;
	p2 =	por !p2, p0  }
0x20: {  	[sflag:s8] =	ssyncset.s32 @!p0 $0xFFFFF086;
	s6 =	sadd.s32 @!p0 s3, s7;
	s7 =	simm.s32 @!p0 $0x108  }
0x21: {  	s3 =	sadd.s32 s3, s9;
	s6 =	sadd.s32 @!p0 $0x88, s6;
	s7 =	simm.s32 @p2 $0x1082  }
0x22: {  	[simem:s7], [sflag:s8] =	dma.local @!p0 [hbm:s6], $0xF7A  }
0x23: {  	s9 =	sor.u32 $0xD0000000, s2;
	s6 =	simm.s32 $0x108;
	_ =	swait.ge @!p0 [sflag:s8], $0x0  }
0x24: {  	s3 =	sadd.s32 $0x88, s3;
	s6 =	simm.s32 @!p1 $0x1082;
	[sflag:s4] =	ssyncset.s32 $0xFFFFF086  }
0x25: {  	[simem:s6], [sflag:s4] =	dma.local [hbm:s3], $0xF7A  }
0x26: {  	[smem:$0x3F94] =	sst s1;
	(tag) =	ssettag s2;
	_ =	strace s9  }
0x27: {  	s1 =	sld [smem:$0x3FA4]  }
0x28: {  	s2 =	sld [smem:$0x3FA5]  }
0x29: {  	s4 =	sld [smem:$0x3FA7]  }
0x2a: {  	p0 =	seq.s32 s5, $0x0;
	s5 =	sld [smem:$0x3FA8]  }
0x2b: {  	s6 =	sld [smem:$0x3FA9]  }
0x2c: {  	s7 =	sld [smem:$0x3FAA]  }
0x2d: {  	s3 =	simm.s32 $0x108;
	s8 =	sld [smem:$0x3FAB]  }
0x2e: {  	s3 =	simm.s32 @!p0 $0x1082;
	s9 =	sld [smem:$0x3FAC]  }
0x2f: {  	lr =	sadd.s32 s0, s3;
	s0 =	sld [smem:$0x3FA3]  }
0x30: {  	s3 =	sld [smem:$0x3FA6]  }
0x31: {  	[smem:$0x3FAF] =	sst s10  }
0x32: {  	s10 =	sld [smem:$0x3FAD];
	_ =	sdelay $0x3  }
0x33: {  	p0 =	seq.s32 s10, $0x1;
	s10 =	sld [smem:$0x3FAF];
	_ =	sdelay $0x3  }
0x34: {  	[smem:$0x3FAF] =	sst s10  }
0x35: {  	s10 =	sld [smem:$0x3FAE];
	_ =	sdelay $0x3  }
0x36: {  	p1 =	seq.s32 s10, $0x1;
	s10 =	sld [smem:$0x3FAF];
	_ =	sdelay $0x3  }
0x37: {  	[smem:$0x3FAF] =	sst s10  }
0x38: {  	s10 =	sld [smem:$0x3FB0]  }
0x39: {  	_ = 	snop;
	(pc) =	sbr.ind lr, $3  }
0x3a: {  	_ = 	snop  }
0x3b: {  	_ = 	snop  }
0x3c: {  	p2 =	seq.s32 s10, $0x1;
	s10 =	sld [smem:$0x3FAF]  }
0x3d: {  	_ =	shalt  }
0x3e: {  	_ =	shalt  }
0x3f: {  	_ =	shalt  }
0x40: {  	_ =	shalt  }
0x41: {  	_ =	shalt  }
0x42: {  	_ =	shalt  }
0x43: {  	_ =	shalt  }
0x44: {  	_ =	shalt  }
0x45: {  	_ =	shalt  }
0x46: {  	_ =	shalt  }
0x47: {  	_ =	shalt  }
0x48: {  	_ =	shalt  }
0x49: {  	_ =	shalt  }
0x4a: {  	_ =	shalt  }
0x4b: {  	_ =	shalt  }
0x4c: {  	_ =	shalt  }
0x4d: {  	_ =	shalt  }
0x4e: {  	_ =	shalt  }
0x4f: {  	_ =	shalt  }
0x50: {  	_ =	shalt  }
0x51: {  	_ =	shalt  }
0x52: {  	_ =	shalt  }
0x53: {  	_ =	shalt  }
0x54: {  	_ =	shalt  }
0x55: {  	_ =	shalt  }
0x56: {  	_ =	shalt  }
0x57: {  	_ =	shalt  }
0x58: {  	_ =	shalt  }
0x59: {  	_ =	shalt  }
0x5a: {  	_ =	shalt  }
0x5b: {  	_ =	shalt  }
0x5c: {  	_ =	shalt  }
0x5d: {  	_ =	shalt  }
0x5e: {  	_ =	shalt  }
0x5f: {  	_ =	shalt  }
0x60: {  	_ =	shalt  }
0x61: {  	_ =	shalt  }
0x62: {  	_ =	shalt  }
0x63: {  	_ =	shalt  }
0x64: {  	_ =	shalt  }
0x65: {  	_ =	shalt  }
0x66: {  	_ =	shalt  }
0x67: {  	_ =	shalt  }
0x68: {  	_ =	shalt  }
0x69: {  	_ =	shalt  }
0x6a: {  	_ =	shalt  }
0x6b: {  	_ =	shalt  }
0x6c: {  	_ =	shalt  }
0x6d: {  	_ =	shalt  }
0x6e: {  	_ =	shalt  }
0x6f: {  	_ =	shalt  }
0x70: {  	_ =	shalt  }
0x71: {  	_ =	shalt  }
0x72: {  	_ =	shalt  }
0x73: {  	_ =	shalt  }
0x74: {  	_ =	shalt  }
0x75: {  	_ =	shalt  }
0x76: {  	_ =	shalt  }
0x77: {  	_ =	shalt  }
0x78: {  	_ =	shalt  }
0x79: {  	_ =	shalt  }
0x7a: {  	_ =	shalt  }
0x7b: {  	_ =	shalt  }
0x7c: {  	_ =	shalt  }
0x7d: {  	_ =	shalt  }
0x7e: {  	_ =	shalt  }
0x7f: {  	_ =	shalt  }
0x80: {  	_ =	shalt  }
0x81: {  	_ =	shalt  }
0x82: {  	_ =	shalt  }
0x83: {  	_ =	shalt  }
0x84: {  	_ =	shalt  }
0x85: {  	_ =	shalt  }
0x86: {  	_ =	shalt  }
0x87: {  	_ =	shalt  }
.Lfunc_end0:
.L_simem_size_0:
called_computation.4_lowered:
.L_overlay_start_0:
0x88: {  	s2 =	sld [smem:$0x3FD9]  }
0x89: {  	s3 =	sld [smem:$0x3FFE];
	_ =	sdelay $0x1  }
0x8a: {  	s1 =	srdreg.scid  }
0x8b: {  	s0 =	sand.u32 $0x1, s1  }
0x8c: {  	s16 =	sshll.u32 s0, $0xA;
	s2 =	sadd.s32 s3, s2  }
0x8d: {  	s2 =	sadd.s32 s2, s16  }
0x8e: {  	[smem:$0x3FBB] =	sst s2  }
0x8f: {  	_ = 	snop  }
0x90: {  	(tm) =	ssettm $0x1  }
0x91: {  	s17 =	sld [smem:$0x3FFB];
	_ =	sdelay $0x3  }
0x92: {  	_ =	strace s17  }
0x93: {  	s2 =	sld [smem:$0x3FFC];
	_ =	sdelay $0x3  }
0x94: {  	_ =	strace s2  }
0x95: {  	s2 =	sld [smem:$0x3FFD];
	_ =	sdelay $0x3  }
0x96: {  	_ =	strace s2  }
0x97: {  	_ =	strace $0x8FFFFFFF  }
0x98: {  	s18 =	sld [smem:$0x3FDB];
	_ =	sdelay $0x1  }
0x99: {  	s19 =	simm.s32 $_scs_section_size  }
0x9a: {  	s4 =	simm.s32 $_size__tile_overlayer_lowered;
	s5 =	simm.s32 $_tile_overlayer_lowered  }
0x9b: {  	s22 =	simm.s32 $0x1BFF;
	s21 =	sshll.u32 s5, $0x1;
	s2 =	sadd.s32 s19, s18  }
0x9c: {  	s6 =	simm.s32 $0x0;
	s20 =	sshll.u32 s4, $0x1;
	s4 =	sadd.s32 s21, s2  }
0x9d: {  	[timem:s6], [sflag:s22] =	dma.local [hbm:s4], s20  }
0x9e: {  	_ =	swait.ge [sflag:s22], s20  }
0x9f: {  	s3 =	ssub.s32 $0x0, s20;
	[sflag:s22] =	ssyncset.done $0x0  }
0xa0: {  	[sflag:s22] =	ssyncadd.s32 s3;
	_ =	sdelay $0x1  }
0xa1: {  	s23 =	simm.s32 $0x1B8B  }
0xa2: {  	_ =	swait.ge [sflag:s23], $0x1  }
0xa3: {  	[sflag:s23] =	ssyncset.done $0x0  }
0xa4: {  	s25 =	simm.s32 $0x1B8E;
	s24 =	sld [smem:$0x3FFE];
	[sflag:s23] =	ssyncadd.s32 $0xFFFFFFFF  }
0xa5: {  	s26 =	simm.s32 $execute0_lowered;
	[smem:$0x3FD2] =	sst s25  }
0xa6: {  	s4 =	sshll.u32 s26, $0x1;
	_ =	strace $0x80000052;
	[dreg:$0x1] =	wrdreg $0xFFFFFFFF  }
0xa7: {  	s28 =	simm.s32 $_size_execute0_lowered;
	s2 =	sadd.s32 s2, s4;
	[dreg:$0x0] =	wrdreg $0x0  }
0xa8: {  	s4 =	sshll.u32 s28, $0x1;
	[dreg:$0x2] =	wrdreg s2  }
0xa9: {  	[dreg:$0x3] =	wrdreg s4  }
0xaa: {  	[dreg:$0x4] =	wrdreg $0xC0  }
0xab: {  	_ =	task [dreg:s6], $0x5FFFF  }
0xac: {  	[dreg:$0x1] =	wrdreg $0xFFFFFFFF  }
0xad: {  	[dreg:$0x0] =	wrdreg $0x60  }
0xae: {  	[dreg:$0x2] =	wrdreg s24  }
0xaf: {  	[dreg:$0x3] =	wrdreg $0x90000  }
0xb0: {  	[dreg:$0x4] =	wrdreg $0x9  }
0xb1: {  	_ =	task.clear_ibuf [dreg:s6], $0x5FFFF;
	_ =	strace $0x90000052  }
0xb2: {  	s29 =	simm.s32 $0x9;
	_ =	strace $0x80000054  }
0xb3: {  	_ =	swait.ge [sflag:s29], $0x1  }
0xb4: {  	[sflag:s29] =	ssyncadd.s32 $0xFFFFFFFF  }
0xb5: {  	_ =	strace $0x90000054  }
0xb6: {  	_ =	sfence  }
0xb7: {  	s30 =	sld [smem:$0x0];
	_ =	sdelay $0x2  }
0xb8: {  	s31 =	sshll.u32 s1, $0xD;
	s1 =	sshrl.u32 s1, $0x2  }
0xb9: {  	s3 =	sand.u32 $0x4000, s31;
	s1 =	sadd.s32 s1, s30  }
0xba: {  	s0 =	sor.u32 s3, s0;
	s1 =	sshll.u32 s1, $0x11  }
0xbb: {  	s0 =	sor.u32 s1, s0  }
0xbc: {  	s0 =	sadd.s32 $0x8F2B, s0  }
0xbd: {  	[sflag:s0] =	ssyncadd.remote.s32 $0x1  }
0xbe: {  	_ =	sfence.sel $0xFFFF  }
0xbf: {  	[dreg:$0x0] =	wrdreg $0xFFFFFFFF;
	(pc) =	sbr.abs _section_cstart, $3  }
0xc0: {  	[dreg:$0x1] =	wrdreg $0xFFFFFFFF  }
0xc1: {  	_ =	task.clear_ibuf [dreg:s6], $0x2FFFF;
	_ =	strace $0x9FFFFFFF  }
0xc2: {  	(tm) =	ssettm $0x7FFFFFFF  }
0xc3: {  	_ =	shalt  }
tec
execute0_lowered:
.L_overlay_start_1:
0x0: {  	(tag) =	ssettag $0x1  }
0x1: {  	s0 =	srdreg.scid;
	s6 =	rddreg [dreg:$0x0]  }
0x2: {  	s2 =	rddreg [dreg:$0x1];
	s3 =	simm.s32 $0x0;
	s14 =	simm.s32 $0x80  }
0x3: {  	s15 =	simm.s32 $0x5000;
	s5 =	sand.u32 $0x1, s0;
	s0 =	stileid.u32  }
0x4: {  	s16 =	simm.s32 $0x1;
	s17 =	simm.s32 $0x0;
	s8 =	smul.u32 $0x13C00, s0  }
0x5: {  	[smem:$0x7FF] =	sst s3;
	s1 =	sshll.u32 s5, $0x4;
	s9 =	smul.u32 $0x13C000, s5  }
0x6: {  	s5 =	ssub.s32 $0x2, s5;
	s29 =	smul.u32 $0x4F000, s0;
	s31 =	sshll.u32 s0, $0x6  }
0x7: {  	s4 =	sor.u32 s0, s1;
	s1 =	rddreg [dreg:$0x2];
	_ =	strace $0x80000053  }
0x8: {  	s11 =	sshrl.u32 s5, $0x1;
	s7 =	smul.u32 $0x500, s4;
	s4 =	sadd.s32 $0x42000, s6  }
0x9: {  	s28 =	sshrl.u32 s8, $0x3;
	s8 =	sadd.s32 s8, s9;
	s30 =	sshrl.u32 s29, $0x2  }
0xa: {  	s11 =	ssub.s32 s5, s11;
	s8 =	sshrl.u32 s8, $0x3;
	s13 =	sadd.s32 s30, s2  }
0xb: {  	s10 =	sadd.s32 s7, s6;
	s7 =	sadd.s32 s28, s6;
	s12 =	sadd.s32 s8, s6  }
0xc: {  	s6 =	sor.u32 $0x1C02, s31;
	s5 =	sadd.s32 $0x1A800, s7;
	s7 =	sadd.s32 $0x6800, s10  }
0xd: {  	s8 =	sadd.s32 $0x10800, s10;
	s9 =	sadd.s32 $0x91000, s12;
	s10 =	smax.u32 s11, $0x1  }
0xe: {  	s11 =	sshrl.u32 s13, $0x3;
	s12 =	simm.s32 $0x2;
	s13 =	simm.s32 $0x2800  }
.LBB2_1:
0xf: {  	[spmem:s11], [sflag:s6] =	dma.local [hbm:s5], $0x2780  }
0x10: {  	_ =	swait.ge [sflag:s12], $0x2780  }
0x11: {  	[sflag:s12] =	ssyncset.done $0x0  }
0x12: {  	[sflag:s12] =	ssyncadd.s32 $0xFFFFD880  }
0x13: {  	[tilespmem:s3], [sflag:$0x2] =	stream.linear.gather [hbm4b:s7+s3], $0x2800, $0x38;
	[tilespmem:$0x1CC00] =	vst v63  }
0x14: {  	_ =	swait.ge [sflag:s12], $0x2800  }
0x15: {  	[sflag:s12] =	ssyncset.done $0x0  }
0x16: {  	[sflag:s12] =	ssyncadd.s32 $0xFFFFD800  }
0x17: {  	[tilespmem:s13], [sflag:$0x2] =	stream.linear.gather [hbm4b:s8+s3], $0x2800, $0x38;
	[tilespmem:$0x1CC00] =	vst v63  }
0x18: {  	_ =	swait.ge [sflag:s12], $0x2800  }
0x19: {  	[sflag:s12] =	ssyncset.done $0x0  }
0x1a: {  	[sflag:s12] =	ssyncadd.s32 $0xFFFFD800  }
0x1b: {  	s18 =	simm.s32 $0x0;
	[bflag:$0x0] =	sbarrier.arrive $0xFFFF  }
0x1c: {  	[tilespmem:s15], [sflag:$0x1] =	stream.indirect.gather [hbm4b:s4+s14], $0x80, s18, s14, $0xb8;
	[tilespmem:$0x1CC00] =	vst v63  }
0x1d: {  	_ =	swait.ge [sflag:s16], $0x4000  }
0x1e: {  	[sflag:s16] =	ssyncset.done $0x0  }
0x1f: {  	s31 =	simm.s32 $0x2800;
	[sflag:s16] =	ssyncadd.s32 $0xFFFFC000  }
0x20: {  	[spmem:s2] =	stream.indirect.scatter.add.f32 [tilespmem:s15], [sflag:$0x2], $0x80, s31, s14, $0xb8;
	[tilespmem:$0x1CC00] =	vst v63  }
0x21: {  	_ =	swait.ge [sflag:s12], $0x4000  }
0x22: {  	s19 =	simm.s32 $0x400;
	s18 =	simm.s32 $0x200;
	[sflag:s12] =	ssyncset.done $0x0  }
.LBB2_2:
0x23: {  	s20 =	sshra.s32 s18, $0x2  }
0x24: {  	[sflag:s12] =	ssyncadd.s32 $0xFFFFC000;
	s18 =	smov.u32 s19;
	s21 =	sadd.s32 $0x200, s19  }
0x25: {  	[tilespmem:s15], [sflag:$0x1] =	stream.indirect.gather [hbm4b:s4+s14], $0x80, s20, s14, $0xb8;
	[tilespmem:$0x1CC00] =	vst v63  }
0x26: {  	p0 =	sne.s32 s19, $0x9E00;
	_ =	swait.ge [sflag:s16], $0x4000  }
.Ltmp0:
0x27: {  	[sflag:s16] =	ssyncset.done $0x0;
	(pc) =	sbr.rel @p0 .LBB2_2-.Ltmp0, $4  }
0x28: {  	s19 =	sadd.s32 $0x2800, s20;
	[sflag:s16] =	ssyncadd.s32 $0xFFFFC000  }
0x29: {  	[spmem:s2] =	stream.indirect.scatter.add.f32 [tilespmem:s15], [sflag:$0x2], $0x80, s19, s14, $0xb8;
	[tilespmem:$0x1CC00] =	vst v63  }
0x2a: {  	_ =	swait.ge [sflag:s12], $0x4000  }
0x2b: {  	s19 =	smov.u32 s21;
	[sflag:s12] =	ssyncset.done $0x0  }
0x2c: {  	s18 =	sshra.s32 s18, $0x2;
	[sflag:s12] =	ssyncadd.s32 $0xFFFFC000  }
0x2d: {  	[tilespmem:s15], [sflag:$0x1] =	stream.indirect.gather [hbm4b:s4+s14], $0x80, s18, s14, $0xb8;
	[tilespmem:$0x1CC00] =	vst v63  }
0x2e: {  	_ =	swait.ge [sflag:s16], $0x4000  }
0x2f: {  	[sflag:s16] =	ssyncset.done $0x0  }
0x30: {  	s18 =	sadd.s32 $0x2800, s18;
	[sflag:s16] =	ssyncadd.s32 $0xFFFFC000  }
0x31: {  	[spmem:s2] =	stream.indirect.scatter.add.f32 [tilespmem:s15], [sflag:$0x2], $0x80, s18, s14, $0xb8;
	[tilespmem:$0x1CC00] =	vst v63  }
0x32: {  	_ =	swait.ge [sflag:s12], $0x4000  }
0x33: {  	s17 =	sadd.s32 $0x1, s17;
	[sflag:s12] =	ssyncset.done $0x0  }
0x34: {  	p0 =	sne.s32 s17, s10;
	[sflag:s12] =	ssyncadd.s32 $0xFFFFC000  }
.Ltmp1:
0x35: {  	[bflag:$0x0] =	sbarrier.arrive $0xFFFF;
	(pc) =	sbr.rel @p0 .LBB2_1-.Ltmp1, $4  }
0x36: {  	[hbm:s9], [sflag:s6] =	dma.local [spmem:s11], $0x2780  }
0x37: {  	_ =	swait.ge [sflag:s12], $0x2780  }
0x38: {  	[sflag:s12] =	ssyncset.done $0x0  }
0x39: {  	[sflag:s12] =	ssyncadd.s32 $0xFFFFD880  }
0x3a: {  	_ =	sfence.sel $0x180000  }
0x3b: {  	[bflag:$0x0] =	sbarrier.arrive $0xFFFF  }
0x3c: {  	p0 =	sne.s32 s0, $0x0;
	_ =	strace $0x90000053  }
0x3d: {  	s0 =	sadd.s32 @!p0 $0x100000, s1;
	[bflag:$0x2] =	sbarrier.arrive $0xFFFF  }
0x3e: {  	[sflag:s0] =	ssyncadd.tile.s32 @!p0 $0x1;
	_ =	shalt  }
.Lfunc_end2:
_tile_overlayer_lowered:
.L_overlay_start_2:
0x3f: {  	(tag) =	ssettag $0x2  }
0x40: {  	s0 =	rddreg [dreg:$0x0];
	s2 =	stileid.u32  }
0x41: {  	s1 =	rddreg [dreg:$0x1];
	p0 =	sne.s32 s2, $0x0  }
0x42: {  	s3 =	rddreg [dreg:$0x2];
	[bflag:$0x3] =	sbarrier.arrive $0xFFFF;
	s2 =	simm.s32 @!p0 $0x1C02  }
0x43: {  	[timem:s3], [sflag:s2] =	dma.local @!p0 [hbm:s0], s1  }
0x44: {  	s0 =	simm.s32 @!p0 $0x2  }
0x45: {  	_ =	swait.ge @!p0 [sflag:s0], s1  }
0x46: {  	s1 =	ssub.s32 @!p0 $0x0, s1;
	[sflag:s0] =	ssyncset.done @!p0 $0x0  }
0x47: {  	[sflag:s0] =	ssyncadd.s32 @!p0 s1  }
0x48: {  	[bflag:$0x3] =	sbarrier.arrive $0xFFFF  }
0x49: {  	_ =	shalt  }

// kernel: kernel.29.cloned.1.call-start
scs
__scs_entry_jumppad:
0x0: {  	(pc) =	sbr.rel $0x88, $3  }
0x1: {  	(tag) =	ssettag $0x0;
	lr =	simm.s32 $0x1  }
0x2: {  	[smem:$0x3F94] =	sst lr;
	_ =	strace $0xD0000000  }
0x3: {  	_ = 	snop  }
0x4: {  	_ = 	snop  }
0x5: {  	_ = 	snop  }
0x6: {  	_ = 	snop  }
0x7: {  	_ = 	snop  }
__scs_overlays_trampoline_lowered:
0x8: {  	[smem:$0x3FA3] =	sst s0  }
0x9: {  	[smem:$0x3FA4] =	sst s1  }
0xa: {  	[smem:$0x3FA5] =	sst s2  }
0xb: {  	[smem:$0x3FA6] =	sst s3  }
0xc: {  	[smem:$0x3FA7] =	sst s4  }
0xd: {  	[smem:$0x3FA8] =	sst s5  }
0xe: {  	[smem:$0x3FA9] =	sst s6  }
0xf: {  	[smem:$0x3FAA] =	sst s7  }
0x10: {  	[smem:$0x3FAB] =	sst s8  }
0x11: {  	[smem:$0x3FAC] =	sst s9;
	s0 =	simm.s32 @!p0 $0x0  }
0x12: {  	s1 =	sld [smem:$0x3F92];
	s0 =	simm.s32 @p0 $0x1  }
0x13: {  	[smem:$0x3FAD] =	sst s0;
	s0 =	simm.s32 @!p1 $0x0  }
0x14: {  	s2 =	sld [smem:$0x3F91];
	s0 =	simm.s32 @p1 $0x1  }
0x15: {  	[smem:$0x3FAE] =	sst s0;
	s0 =	simm.s32 @!p2 $0x0  }
0x16: {  	s3 =	sld [smem:$0x3FDB];
	s0 =	simm.s32 @p2 $0x1  }
0x17: {  	s4 =	simm.s32 $0x1BF5;
	[smem:$0x3FB0] =	sst s0  }
0x18: {  	s0 =	sld [smem:$0x3F93];
	_ =	swait.ge [sflag:s4], $0x0  }
0x19: {  	s7 =	sld [smem:$0x3F94]  }
0x1a: {  	s8 =	sadd.s32 $0xFFFFE003, lr  }
0x1b: {  	s9 =	sadd.s32 $0xFFFFFEF7, lr;
	s5 =	simm.s32 $0xFFFFFFFF;
	p2 =	slt.u32 s8, $0xFFFFF086  }
0x1c: {  	p1 =	slt.u32 s9, $0xF7A;
	s5 =	simm.s32 @!p2 $0x0  }
0x1d: {  	s5 =	simm.s32 @p1 $0x1;
	p0 =	seq.s32 s7, s2  }
0x1e: {  	s7 =	smul.u32 @!p0 $0xF7A, s2;
	p2 =	seq.s32 @!p0 s5, $0x0  }
0x1f: {  	s9 =	smul.u32 $0xF7A, s1;
	s8 =	simm.s32 @!p0 $0x1BF5;
	p2 =	por !p2, p0  }
0x20: {  	[sflag:s8] =	ssyncset.s32 @!p0 $0xFFFFF086;
	s6 =	sadd.s32 @!p0 s3, s7;
	s7 =	simm.s32 @!p0 $0x108  }
0x21: {  	s3 =	sadd.s32 s3, s9;
	s6 =	sadd.s32 @!p0 $0x88, s6;
	s7 =	simm.s32 @p2 $0x1082  }
0x22: {  	[simem:s7], [sflag:s8] =	dma.local @!p0 [hbm:s6], $0xF7A  }
0x23: {  	s9 =	sor.u32 $0xD0000000, s2;
	s6 =	simm.s32 $0x108;
	_ =	swait.ge @!p0 [sflag:s8], $0x0  }
0x24: {  	s3 =	sadd.s32 $0x88, s3;
	s6 =	simm.s32 @!p1 $0x1082;
	[sflag:s4] =	ssyncset.s32 $0xFFFFF086  }
0x25: {  	[simem:s6], [sflag:s4] =	dma.local [hbm:s3], $0xF7A  }
0x26: {  	[smem:$0x3F94] =	sst s1;
	(tag) =	ssettag s2;
	_ =	strace s9  }
0x27: {  	s1 =	sld [smem:$0x3FA4]  }
0x28: {  	s2 =	sld [smem:$0x3FA5]  }
0x29: {  	s4 =	sld [smem:$0x3FA7]  }
0x2a: {  	p0 =	seq.s32 s5, $0x0;
	s5 =	sld [smem:$0x3FA8]  }
0x2b: {  	s6 =	sld [smem:$0x3FA9]  }
0x2c: {  	s7 =	sld [smem:$0x3FAA]  }
0x2d: {  	s3 =	simm.s32 $0x108;
	s8 =	sld [smem:$0x3FAB]  }
0x2e: {  	s3 =	simm.s32 @!p0 $0x1082;
	s9 =	sld [smem:$0x3FAC]  }
0x2f: {  	lr =	sadd.s32 s0, s3;
	s0 =	sld [smem:$0x3FA3]  }
0x30: {  	s3 =	sld [smem:$0x3FA6]  }
0x31: {  	[smem:$0x3FAF] =	sst s10  }
0x32: {  	s10 =	sld [smem:$0x3FAD];
	_ =	sdelay $0x3  }
0x33: {  	p0 =	seq.s32 s10, $0x1;
	s10 =	sld [smem:$0x3FAF];
	_ =	sdelay $0x3  }
0x34: {  	[smem:$0x3FAF] =	sst s10  }
0x35: {  	s10 =	sld [smem:$0x3FAE];
	_ =	sdelay $0x3  }
0x36: {  	p1 =	seq.s32 s10, $0x1;
	s10 =	sld [smem:$0x3FAF];
	_ =	sdelay $0x3  }
0x37: {  	[smem:$0x3FAF] =	sst s10  }
0x38: {  	s10 =	sld [smem:$0x3FB0]  }
0x39: {  	_ = 	snop;
	(pc) =	sbr.ind lr, $3  }
0x3a: {  	_ = 	snop  }
0x3b: {  	_ = 	snop  }
0x3c: {  	p2 =	seq.s32 s10, $0x1;
	s10 =	sld [smem:$0x3FAF]  }
0x3d: {  	_ =	shalt  }
0x3e: {  	_ =	shalt  }
0x3f: {  	_ =	shalt  }
0x40: {  	_ =	shalt  }
0x41: {  	_ =	shalt  }
0x42: {  	_ =	shalt  }
0x43: {  	_ =	shalt  }
0x44: {  	_ =	shalt  }
0x45: {  	_ =	shalt  }
0x46: {  	_ =	shalt  }
0x47: {  	_ =	shalt  }
0x48: {  	_ =	shalt  }
0x49: {  	_ =	shalt  }
0x4a: {  	_ =	shalt  }
0x4b: {  	_ =	shalt  }
0x4c: {  	_ =	shalt  }
0x4d: {  	_ =	shalt  }
0x4e: {  	_ =	shalt  }
0x4f: {  	_ =	shalt  }
0x50: {  	_ =	shalt  }
0x51: {  	_ =	shalt  }
0x52: {  	_ =	shalt  }
0x53: {  	_ =	shalt  }
0x54: {  	_ =	shalt  }
0x55: {  	_ =	shalt  }
0x56: {  	_ =	shalt  }
0x57: {  	_ =	shalt  }
0x58: {  	_ =	shalt  }
0x59: {  	_ =	shalt  }
0x5a: {  	_ =	shalt  }
0x5b: {  	_ =	shalt  }
0x5c: {  	_ =	shalt  }
0x5d: {  	_ =	shalt  }
0x5e: {  	_ =	shalt  }
0x5f: {  	_ =	shalt  }
0x60: {  	_ =	shalt  }
0x61: {  	_ =	shalt  }
0x62: {  	_ =	shalt  }
0x63: {  	_ =	shalt  }
0x64: {  	_ =	shalt  }
0x65: {  	_ =	shalt  }
0x66: {  	_ =	shalt  }
0x67: {  	_ =	shalt  }
0x68: {  	_ =	shalt  }
0x69: {  	_ =	shalt  }
0x6a: {  	_ =	shalt  }
0x6b: {  	_ =	shalt  }
0x6c: {  	_ =	shalt  }
0x6d: {  	_ =	shalt  }
0x6e: {  	_ =	shalt  }
0x6f: {  	_ =	shalt  }
0x70: {  	_ =	shalt  }
0x71: {  	_ =	shalt  }
0x72: {  	_ =	shalt  }
0x73: {  	_ =	shalt  }
0x74: {  	_ =	shalt  }
0x75: {  	_ =	shalt  }
0x76: {  	_ =	shalt  }
0x77: {  	_ =	shalt  }
0x78: {  	_ =	shalt  }
0x79: {  	_ =	shalt  }
0x7a: {  	_ =	shalt  }
0x7b: {  	_ =	shalt  }
0x7c: {  	_ =	shalt  }
0x7d: {  	_ =	shalt  }
0x7e: {  	_ =	shalt  }
0x7f: {  	_ =	shalt  }
0x80: {  	_ =	shalt  }
0x81: {  	_ =	shalt  }
0x82: {  	_ =	shalt  }
0x83: {  	_ =	shalt  }
0x84: {  	_ =	shalt  }
0x85: {  	_ =	shalt  }
0x86: {  	_ =	shalt  }
0x87: {  	_ =	shalt  }
.Lfunc_end0:
.L_simem_size_0:
called_computation.5_lowered:
.L_overlay_start_0:
0x88: {  	s2 =	sld [smem:$0x3FD9]  }
0x89: {  	s3 =	sld [smem:$0x3FFE];
	_ =	sdelay $0x1  }
0x8a: {  	s1 =	srdreg.scid  }
0x8b: {  	s0 =	sand.u32 $0x1, s1  }
0x8c: {  	s16 =	sshll.u32 s0, $0xA;
	s2 =	sadd.s32 s3, s2  }
0x8d: {  	s2 =	sadd.s32 s2, s16  }
0x8e: {  	[smem:$0x3FBB] =	sst s2  }
0x8f: {  	_ = 	snop  }
0x90: {  	(tm) =	ssettm $0x1  }
0x91: {  	s17 =	sld [smem:$0x3FFB];
	_ =	sdelay $0x3  }
0x92: {  	_ =	strace s17  }
0x93: {  	s2 =	sld [smem:$0x3FFC];
	_ =	sdelay $0x3  }
0x94: {  	_ =	strace s2  }
0x95: {  	s2 =	sld [smem:$0x3FFD];
	_ =	sdelay $0x3  }
0x96: {  	_ =	strace s2  }
0x97: {  	_ =	strace $0x8FFFFFFF  }
0x98: {  	s18 =	sld [smem:$0x3FDB];
	_ =	sdelay $0x1  }
0x99: {  	s19 =	simm.s32 $_scs_section_size  }
0x9a: {  	s4 =	simm.s32 $_size__tile_overlayer_lowered;
	s5 =	simm.s32 $_tile_overlayer_lowered  }
0x9b: {  	s22 =	simm.s32 $0x1BFF;
	s21 =	sshll.u32 s5, $0x1;
	s2 =	sadd.s32 s19, s18  }
0x9c: {  	s6 =	simm.s32 $0x0;
	s20 =	sshll.u32 s4, $0x1;
	s4 =	sadd.s32 s21, s2  }
0x9d: {  	[timem:s6], [sflag:s22] =	dma.local [hbm:s4], s20  }
0x9e: {  	_ =	swait.ge [sflag:s22], s20  }
0x9f: {  	s3 =	ssub.s32 $0x0, s20;
	[sflag:s22] =	ssyncset.done $0x0  }
0xa0: {  	[sflag:s22] =	ssyncadd.s32 s3;
	_ =	sdelay $0x1  }
0xa1: {  	s23 =	simm.s32 $0x1B8B  }
0xa2: {  	_ =	swait.ge [sflag:s23], $0x1  }
0xa3: {  	[sflag:s23] =	ssyncset.done $0x0  }
0xa4: {  	s25 =	simm.s32 $0x1B8E;
	s24 =	sld [smem:$0x3FFE];
	[sflag:s23] =	ssyncadd.s32 $0xFFFFFFFF  }
0xa5: {  	s26 =	simm.s32 $execute0_lowered;
	[smem:$0x3FD2] =	sst s25  }
0xa6: {  	s4 =	sshll.u32 s26, $0x1;
	_ =	strace $0x80000055;
	[dreg:$0x1] =	wrdreg $0xFFFFFFFF  }
0xa7: {  	s28 =	simm.s32 $_size_execute0_lowered;
	s2 =	sadd.s32 s2, s4;
	[dreg:$0x0] =	wrdreg $0x0  }
0xa8: {  	s4 =	sshll.u32 s28, $0x1;
	[dreg:$0x2] =	wrdreg s2  }
0xa9: {  	[dreg:$0x3] =	wrdreg s4  }
0xaa: {  	[dreg:$0x4] =	wrdreg $0xC0  }
0xab: {  	_ =	task [dreg:s6], $0x5FFFF  }
0xac: {  	[dreg:$0x1] =	wrdreg $0xFFFFFFFF  }
0xad: {  	[dreg:$0x0] =	wrdreg $0x60  }
0xae: {  	[dreg:$0x2] =	wrdreg s24  }
0xaf: {  	[dreg:$0x3] =	wrdreg $0x9  }
0xb0: {  	_ =	task.clear_ibuf [dreg:s6], $0x4FFFF;
	_ =	strace $0x90000055  }
0xb1: {  	s29 =	simm.s32 $0x9;
	_ =	strace $0x80000057  }
0xb2: {  	_ =	swait.ge [sflag:s29], $0x1  }
0xb3: {  	[sflag:s29] =	ssyncadd.s32 $0xFFFFFFFF  }
0xb4: {  	_ =	strace $0x90000057  }
0xb5: {  	_ =	sfence  }
0xb6: {  	s30 =	sld [smem:$0x0];
	_ =	sdelay $0x2  }
0xb7: {  	s31 =	sshll.u32 s1, $0xD;
	s1 =	sshrl.u32 s1, $0x2  }
0xb8: {  	s3 =	sand.u32 $0x4000, s31;
	s1 =	sadd.s32 s1, s30  }
0xb9: {  	s0 =	sor.u32 s3, s0;
	s1 =	sshll.u32 s1, $0x11  }
0xba: {  	s0 =	sor.u32 s1, s0  }
0xbb: {  	s0 =	sadd.s32 $0x8F2B, s0  }
0xbc: {  	[sflag:s0] =	ssyncadd.remote.s32 $0x1  }
0xbd: {  	_ =	sfence.sel $0xFFFF  }
0xbe: {  	[dreg:$0x0] =	wrdreg $0xFFFFFFFF;
	(pc) =	sbr.abs _section_cstart, $3  }
0xbf: {  	[dreg:$0x1] =	wrdreg $0xFFFFFFFF  }
0xc0: {  	_ =	task.clear_ibuf [dreg:s6], $0x2FFFF;
	_ =	strace $0x9FFFFFFF  }
0xc1: {  	(tm) =	ssettm $0x7FFFFFFF  }
tec
execute0_lowered:
.L_overlay_start_1:
0x0: {  	(tag) =	ssettag $0x1  }
0x1: {  	s0 =	srdreg.scid;
	s4 =	rddreg [dreg:$0x0]  }
0x2: {  	s2 =	simm.s32 $0x0;
	s10 =	simm.s32 $0x2980;
	s3 =	sand.u32 $0x1, s0  }
0x3: {  	s11 =	simm.s32 $0x3A80;
	s0 =	stileid.u32;
	s1 =	sshll.u32 s3, $0x4  }
0x4: {  	s12 =	simm.s32 $0x0;
	[smem:$0x7FF] =	sst s2;
	s5 =	sor.u32 s0, s1  }
0x5: {  	s3 =	ssub.s32 $0x2, s3;
	s1 =	rddreg [dreg:$0x1];
	s6 =	smul.u32 $0x500, s5  }
0x6: {  	s8 =	sshrl.u32 s3, $0x1;
	s7 =	smul.u32 $0x28, s5;
	s5 =	sshll.u32 s5, $0x9  }
0x7: {  	_ =	strace $0x80000056;
	s8 =	ssub.s32 s3, s8;
	s9 =	sadd.s32 s5, s4  }
0x8: {  	s6 =	sadd.s32 s6, s4;
	s7 =	sadd.s32 s7, s4;
	s5 =	sadd.s32 $0x10800, s9  }
0x9: {  	s3 =	sadd.s32 $0x6800, s6;
	s4 =	sadd.s32 $0xE0000, s7;
	s6 =	sadd.s32 $0x14800, s9  }
0xa: {  	v0 =	vimm.f32 $0.0e+00;
	v1 =	vimm.f32 $-Inf;
	s7 =	smax.u32 s8, $0x1;
	s8 =	simm.s32 $0x1;
	s9 =	simm.s32 $0x2800  }
.LBB2_1:
0xb: {  	[tilespmem:s2], [sflag:$0x1] =	stream.linear.gather [hbm4b:s3+s2], $0x2800, $0x38;
	[tilespmem:$0x4B80] =	vst v63  }
0xc: {  	_ =	swait.ge [sflag:s8], $0x2800  }
0xd: {  	[sflag:s8] =	ssyncset.done $0x0  }
0xe: {  	[sflag:s8] =	ssyncadd.s32 $0xFFFFD800  }
0xf: {  	[tilespmem:s9], [sflag:$0x1] =	stream.linear.gather [hbm4b:s4+s2], $0x140, $0x38;
	[tilespmem:$0x4B80] =	vst v63  }
0x10: {  	_ =	swait.ge [sflag:s8], $0x140  }
0x11: {  	[sflag:s8] =	ssyncset.done $0x0  }
0x12: {  	s13 =	simm.s32 $0x0;
	[sflag:s8] =	ssyncadd.s32 $0xFFFFFEC0  }
.LBB2_2:
0x13: {  	p0 =	sne.s32 s13, $0x43C0  }
.Ltmp0:
0x14: {  	_ = 	snop;
	(pc) =	sbr.rel @p0 .LBB2_2-.Ltmp0, $4  }
0x15: {  	_ = 	snop  }
0x16: {  	s14 =	sshra.s32 s13, $0x2  }
0x17: {  	[tilespmem:s14+$0x2980] =	vst v0  }
0x18: {  	s13 =	sadd.s32 $0x40, s13;
	[tilespmem:s14+$0x3A80] =	vst v1  }
0x19: {  	s13 =	simm.s32 $0x0  }
0x1a: {  	v2 =	vld [tilespmem:s13+$0x2800];
	_ =	sdelay $0x4  }
0x1b: {  	v2 =	vshll.u32 v2, $0x5  }
0x1c: {  	(v2sf) =	vpush v2, $0x0;
	_ =	sdelay $0xd  }
0x1d: {  	s13 =	simm.s32 $0x100  }
0x1e: {  	v3 =	vld [tilespmem:s13+$0xFFFFFF00];
	s14 =	spop (v2sf)  }
0x1f: {  	v4 =	vld [tilespmem:s14+$0x2980]  }
0x20: {  	v5 =	vld [tilespmem:s14+$0x3A80]  }
0x21: {  	(v2sf) =	vpush v2, $0x1;
	_ =	sdelay $0x3  }
0x22: {  	v4 =	vadd.f32 v4, v3;
	v3 =	vmax.f32 v5, v3  }
0x23: {  	[tilespmem:s14+$0x3A80] =	vst v3;
	v3 =	vld [tilespmem:s14+$0x2990]  }
0x24: {  	[tilespmem:s14+$0x2980] =	vst v4;
	v4 =	vld [tilespmem:s14+$0x3A90]  }
0x25: {  	v5 =	vld [tilespmem:s13+$0xFFFFFF10];
	_ =	sdelay $0x4  }
0x26: {  	v3 =	vadd.f32 v3, v5;
	v4 =	vmax.f32 v4, v5  }
0x27: {  	[tilespmem:s14+$0x3A90] =	vst v4  }
0x28: {  	[tilespmem:s14+$0x2990] =	vst v3  }
0x29: {  	s18 =	spop (v2sf);
	v3 =	vld [tilespmem:s13+$0xFFFFFF20]  }
0x2a: {  	v4 =	vld [tilespmem:s18+$0x2980]  }
0x2b: {  	v5 =	vld [tilespmem:s18+$0x3A80]  }
0x2c: {  	(v2sf) =	vpush v2, $0x2;
	_ =	sdelay $0x3  }
0x2d: {  	v4 =	vadd.f32 v4, v3;
	v3 =	vmax.f32 v5, v3  }
0x2e: {  	[tilespmem:s18+$0x3A80] =	vst v3;
	v3 =	vld [tilespmem:s18+$0x2990]  }
0x2f: {  	[tilespmem:s18+$0x2980] =	vst v4;
	v4 =	vld [tilespmem:s18+$0x3A90]  }
0x30: {  	v5 =	vld [tilespmem:s13+$0xFFFFFF30];
	_ =	sdelay $0x4  }
0x31: {  	v3 =	vadd.f32 v3, v5;
	v4 =	vmax.f32 v4, v5  }
0x32: {  	[tilespmem:s18+$0x3A90] =	vst v4  }
0x33: {  	[tilespmem:s18+$0x2990] =	vst v3  }
0x34: {  	s19 =	spop (v2sf);
	v3 =	vld [tilespmem:s13+$0xFFFFFF40]  }
0x35: {  	v4 =	vld [tilespmem:s19+$0x2980]  }
0x36: {  	v5 =	vld [tilespmem:s19+$0x3A80]  }
0x37: {  	(v2sf) =	vpush v2, $0x3;
	_ =	sdelay $0x3  }
0x38: {  	v4 =	vadd.f32 v4, v3;
	v3 =	vmax.f32 v5, v3  }
0x39: {  	[tilespmem:s19+$0x3A80] =	vst v3;
	v3 =	vld [tilespmem:s19+$0x2990]  }
0x3a: {  	[tilespmem:s19+$0x2980] =	vst v4;
	v4 =	vld [tilespmem:s19+$0x3A90]  }
0x3b: {  	v5 =	vld [tilespmem:s13+$0xFFFFFF50];
	_ =	sdelay $0x4  }
0x3c: {  	v3 =	vadd.f32 v3, v5;
	v4 =	vmax.f32 v4, v5  }
0x3d: {  	[tilespmem:s19+$0x3A90] =	vst v4  }
0x3e: {  	[tilespmem:s19+$0x2990] =	vst v3  }
0x3f: {  	s20 =	spop (v2sf);
	v3 =	vld [tilespmem:s13+$0xFFFFFF60]  }
0x40: {  	v4 =	vld [tilespmem:s20+$0x2980]  }
0x41: {  	(v2sf) =	vpush v2, $0x4;
	v5 =	vld [tilespmem:s20+$0x3A80];
	_ =	sdelay $0x4  }
0x42: {  	v4 =	vadd.f32 v4, v3;
	v3 =	vmax.f32 v5, v3  }
0x43: {  	[tilespmem:s20+$0x3A80] =	vst v3;
	v3 =	vld [tilespmem:s20+$0x2990]  }
0x44: {  	[tilespmem:s20+$0x2980] =	vst v4;
	v4 =	vld [tilespmem:s20+$0x3A90]  }
0x45: {  	v5 =	vld [tilespmem:s13+$0xFFFFFF70];
	_ =	sdelay $0x4  }
0x46: {  	v3 =	vadd.f32 v3, v5;
	v4 =	vmax.f32 v4, v5  }
0x47: {  	[tilespmem:s20+$0x3A90] =	vst v4  }
0x48: {  	s21 =	spop (v2sf);
	[tilespmem:s20+$0x2990] =	vst v3  }
0x49: {  	v3 =	vld [tilespmem:s21+$0x2980]  }
0x4a: {  	v4 =	vld [tilespmem:s13+$0xFFFFFF80]  }
0x4b: {  	v5 =	vld [tilespmem:s21+$0x3A80]  }
0x4c: {  	(v2sf) =	vpush v2, $0x5;
	_ =	sdelay $0x3  }
0x4d: {  	v3 =	vadd.f32 v3, v4;
	v4 =	vmax.f32 v5, v4  }
0x4e: {  	[tilespmem:s21+$0x3A80] =	vst v4;
	v4 =	vld [tilespmem:s21+$0x2990]  }
0x4f: {  	[tilespmem:s21+$0x2980] =	vst v3;
	v3 =	vld [tilespmem:s21+$0x3A90]  }
0x50: {  	v5 =	vld [tilespmem:s13+$0xFFFFFF90];
	_ =	sdelay $0x4  }
0x51: {  	v4 =	vadd.f32 v4, v5;
	v3 =	vmax.f32 v3, v5  }
0x52: {  	[tilespmem:s21+$0x3A90] =	vst v3  }
0x53: {  	[tilespmem:s21+$0x2990] =	vst v4  }
0x54: {  	s22 =	spop (v2sf);
	v3 =	vld [tilespmem:s13+$0xFFFFFFA0]  }
0x55: {  	v4 =	vld [tilespmem:s22+$0x2980]  }
0x56: {  	v5 =	vld [tilespmem:s22+$0x3A80]  }
0x57: {  	(v2sf) =	vpush v2, $0x6;
	_ =	sdelay $0x3  }
0x58: {  	v4 =	vadd.f32 v4, v3;
	v3 =	vmax.f32 v5, v3  }
0x59: {  	[tilespmem:s22+$0x3A80] =	vst v3;
	v3 =	vld [tilespmem:s22+$0x2990]  }
0x5a: {  	[tilespmem:s22+$0x2980] =	vst v4;
	v4 =	vld [tilespmem:s22+$0x3A90]  }
0x5b: {  	v5 =	vld [tilespmem:s13+$0xFFFFFFB0];
	_ =	sdelay $0x4  }
0x5c: {  	v3 =	vadd.f32 v3, v5;
	v4 =	vmax.f32 v4, v5  }
0x5d: {  	[tilespmem:s22+$0x3A90] =	vst v4  }
0x5e: {  	[tilespmem:s22+$0x2990] =	vst v3  }
0x5f: {  	s23 =	spop (v2sf);
	v3 =	vld [tilespmem:s13+$0xFFFFFFC0]  }
0x60: {  	v4 =	vld [tilespmem:s23+$0x2980]  }
0x61: {  	(v2sf) =	vpush v2, $0x7;
	v5 =	vld [tilespmem:s23+$0x3A80];
	_ =	sdelay $0x4  }
0x62: {  	v4 =	vadd.f32 v4, v3;
	v3 =	vmax.f32 v5, v3  }
0x63: {  	[tilespmem:s23+$0x3A80] =	vst v3;
	v3 =	vld [tilespmem:s23+$0x2990]  }
0x64: {  	[tilespmem:s23+$0x2980] =	vst v4;
	v4 =	vld [tilespmem:s23+$0x3A90]  }
0x65: {  	v5 =	vld [tilespmem:s13+$0xFFFFFFD0];
	_ =	sdelay $0x4  }
0x66: {  	v3 =	vadd.f32 v3, v5;
	v4 =	vmax.f32 v4, v5  }
0x67: {  	[tilespmem:s23+$0x3A90] =	vst v4  }
0x68: {  	s24 =	spop (v2sf);
	[tilespmem:s23+$0x2990] =	vst v3  }
0x69: {  	v3 =	vld [tilespmem:s24+$0x2980]  }
0x6a: {  	v4 =	vld [tilespmem:s13+$0xFFFFFFE0]  }
0x6b: {  	(v2sf) =	vpush v2, $0x8;
	v5 =	vld [tilespmem:s24+$0x3A80];
	_ =	sdelay $0x4  }
0x6c: {  	v3 =	vadd.f32 v3, v4;
	v4 =	vmax.f32 v5, v4  }
0x6d: {  	[tilespmem:s24+$0x3A80] =	vst v4;
	v4 =	vld [tilespmem:s24+$0x2990]  }
0x6e: {  	[tilespmem:s24+$0x2980] =	vst v3;
	v3 =	vld [tilespmem:s24+$0x3A90]  }
0x6f: {  	v5 =	vld [tilespmem:s13+$0xFFFFFFF0];
	_ =	sdelay $0x4  }
0x70: {  	v4 =	vadd.f32 v4, v5;
	v3 =	vmax.f32 v3, v5  }
0x71: {  	[tilespmem:s24+$0x3A90] =	vst v3  }
0x72: {  	s25 =	spop (v2sf);
	[tilespmem:s24+$0x2990] =	vst v4  }
0x73: {  	v3 =	vld [tilespmem:s25+$0x2980]  }
0x74: {  	v4 =	vld [tilespmem:s13+$0x0]  }
0x75: {  	v5 =	vld [tilespmem:s25+$0x3A80]  }
0x76: {  	(v2sf) =	vpush v2, $0x9;
	_ =	sdelay $0x3  }
0x77: {  	v3 =	vadd.f32 v3, v4;
	v4 =	vmax.f32 v5, v4  }
0x78: {  	v6 =	vld [tilespmem:s25+$0x2990];
	[tilespmem:s25+$0x3A80] =	vst v4  }
0x79: {  	[tilespmem:s25+$0x2980] =	vst v3;
	v3 =	vld [tilespmem:s25+$0x3A90]  }
0x7a: {  	v4 =	vld [tilespmem:s13+$0x10];
	_ =	sdelay $0x4  }
0x7b: {  	v5 =	vadd.f32 v6, v4;
	v3 =	vmax.f32 v3, v4  }
0x7c: {  	[tilespmem:s25+$0x3A90] =	vst v3  }
0x7d: {  	[tilespmem:s25+$0x2990] =	vst v5  }
0x7e: {  	s26 =	spop (v2sf);
	v3 =	vld [tilespmem:s13+$0x20]  }
0x7f: {  	v4 =	vld [tilespmem:s26+$0x2980]  }
0x80: {  	v5 =	vld [tilespmem:s26+$0x3A80]  }
0x81: {  	(v2sf) =	vpush v2, $0xA;
	_ =	sdelay $0x3  }
0x82: {  	v4 =	vadd.f32 v4, v3;
	v3 =	vmax.f32 v5, v3  }
0x83: {  	v6 =	vld [tilespmem:s26+$0x2990];
	[tilespmem:s26+$0x3A80] =	vst v3  }
0x84: {  	[tilespmem:s26+$0x2980] =	vst v4;
	v4 =	vld [tilespmem:s26+$0x3A90]  }
0x85: {  	v3 =	vld [tilespmem:s13+$0x30];
	_ =	sdelay $0x4  }
0x86: {  	v5 =	vadd.f32 v6, v3;
	v3 =	vmax.f32 v4, v3  }
0x87: {  	[tilespmem:s26+$0x3A90] =	vst v3  }
0x88: {  	[tilespmem:s26+$0x2990] =	vst v5  }
0x89: {  	s28 =	spop (v2sf);
	v3 =	vld [tilespmem:s13+$0x40]  }
0x8a: {  	v4 =	vld [tilespmem:s28+$0x2980]  }
0x8b: {  	v5 =	vld [tilespmem:s28+$0x3A80]  }
0x8c: {  	(v2sf) =	vpush v2, $0xB;
	_ =	sdelay $0x3  }
0x8d: {  	v4 =	vadd.f32 v4, v3;
	v3 =	vmax.f32 v5, v3  }
0x8e: {  	v6 =	vld [tilespmem:s28+$0x2990];
	[tilespmem:s28+$0x3A80] =	vst v3  }
0x8f: {  	[tilespmem:s28+$0x2980] =	vst v4;
	v4 =	vld [tilespmem:s28+$0x3A90]  }
0x90: {  	v3 =	vld [tilespmem:s13+$0x50];
	_ =	sdelay $0x4  }
0x91: {  	v5 =	vadd.f32 v6, v3;
	v3 =	vmax.f32 v4, v3  }
0x92: {  	[tilespmem:s28+$0x3A90] =	vst v3  }
0x93: {  	[tilespmem:s28+$0x2990] =	vst v5  }
0x94: {  	s29 =	spop (v2sf);
	v3 =	vld [tilespmem:s13+$0x60]  }
0x95: {  	v4 =	vld [tilespmem:s29+$0x2980]  }
0x96: {  	v5 =	vld [tilespmem:s29+$0x3A80]  }
0x97: {  	(v2sf) =	vpush v2, $0xC;
	_ =	sdelay $0x3  }
0x98: {  	v4 =	vadd.f32 v4, v3;
	v3 =	vmax.f32 v5, v3  }
0x99: {  	v6 =	vld [tilespmem:s29+$0x2990];
	[tilespmem:s29+$0x3A80] =	vst v3  }
0x9a: {  	[tilespmem:s29+$0x2980] =	vst v4;
	v4 =	vld [tilespmem:s29+$0x3A90]  }
0x9b: {  	v3 =	vld [tilespmem:s13+$0x70];
	_ =	sdelay $0x4  }
0x9c: {  	v5 =	vadd.f32 v6, v3;
	v3 =	vmax.f32 v4, v3  }
0x9d: {  	[tilespmem:s29+$0x3A90] =	vst v3  }
0x9e: {  	[tilespmem:s29+$0x2990] =	vst v5  }
0x9f: {  	s30 =	spop (v2sf);
	v3 =	vld [tilespmem:s13+$0x80]  }
0xa0: {  	v4 =	vld [tilespmem:s30+$0x2980]  }
0xa1: {  	(v2sf) =	vpush v2, $0xD;
	v5 =	vld [tilespmem:s30+$0x3A80];
	_ =	sdelay $0x4  }
0xa2: {  	v4 =	vadd.f32 v4, v3;
	v3 =	vmax.f32 v5, v3  }
0xa3: {  	v6 =	vld [tilespmem:s30+$0x2990];
	[tilespmem:s30+$0x3A80] =	vst v3  }
0xa4: {  	[tilespmem:s30+$0x2980] =	vst v4;
	v4 =	vld [tilespmem:s30+$0x3A90]  }
0xa5: {  	v3 =	vld [tilespmem:s13+$0x90];
	_ =	sdelay $0x4  }
0xa6: {  	v5 =	vadd.f32 v6, v3;
	v3 =	vmax.f32 v4, v3  }
0xa7: {  	[tilespmem:s30+$0x3A90] =	vst v3  }
0xa8: {  	s31 =	spop (v2sf);
	[tilespmem:s30+$0x2990] =	vst v5  }
0xa9: {  	v3 =	vld [tilespmem:s31+$0x2980]  }
0xaa: {  	v4 =	vld [tilespmem:s13+$0xA0]  }
0xab: {  	v5 =	vld [tilespmem:s31+$0x3A80]  }
0xac: {  	(v2sf) =	vpush v2, $0xE;
	_ =	sdelay $0x3  }
0xad: {  	v3 =	vadd.f32 v3, v4;
	v4 =	vmax.f32 v5, v4  }
0xae: {  	v6 =	vld [tilespmem:s31+$0x2990];
	[tilespmem:s31+$0x3A80] =	vst v4  }
0xaf: {  	[tilespmem:s31+$0x2980] =	vst v3;
	v3 =	vld [tilespmem:s31+$0x3A90]  }
0xb0: {  	v4 =	vld [tilespmem:s13+$0xB0];
	_ =	sdelay $0x4  }
0xb1: {  	v5 =	vadd.f32 v6, v4;
	v3 =	vmax.f32 v3, v4  }
0xb2: {  	[tilespmem:s31+$0x3A90] =	vst v3  }
0xb3: {  	[tilespmem:s31+$0x2990] =	vst v5  }
0xb4: {  	s16 =	spop (v2sf);
	v4 =	vld [tilespmem:s13+$0xC0]  }
0xb5: {  	v6 =	vld [tilespmem:s16+$0x2980]  }
0xb6: {  	v5 =	vld [tilespmem:s16+$0x3A80]  }
0xb7: {  	s15 =	simm.s32 $0x40;
	s14 =	simm.s32 $0x100;
	(v2sf) =	vpush v2, $0xF;
	v3 =	vld [tilespmem:s16+$0x2990]  }
.LBB2_4:
0xb8: {  	p0 =	sne.s32 s15, $0x4C0  }
0xb9: {  	v2 =	vld [tilespmem:s16+$0x3A90];
	s13 =	sadd.s32 $0x200, s13;
	s17 =	smov.u32 s15;
	s15 =	sadd.s32 $0x40, s15  }
0xba: {  	_ = 	snop  }
0xbb: {  	v6 =	vadd.f32 v6, v4  }
0xbc: {  	v4 =	vmax.f32 v5, v4  }
0xbd: {  	[tilespmem:s16+$0x2980] =	vst v6  }
0xbe: {  	[tilespmem:s16+$0x3A80] =	vst v4  }
0xbf: {  	v4 =	vld [tilespmem:s14+$0xD0];
	_ =	sdelay $0x4  }
0xc0: {  	v3 =	vadd.f32 v3, v4;
	v2 =	vmax.f32 v2, v4  }
0xc1: {  	[tilespmem:s16+$0x3A90] =	vst v2  }
0xc2: {  	[tilespmem:s16+$0x2990] =	vst v3  }
0xc3: {  	v2 =	vld [tilespmem:s14+$0xE0];
	s16 =	spop (v2sf)  }
0xc4: {  	v3 =	vld [tilespmem:s16+$0x3A80]  }
0xc5: {  	v4 =	vld [tilespmem:s16+$0x2980]  }
0xc6: {  	v5 =	vld [tilespmem:s16+$0x2990]  }
0xc7: {  	v6 =	vld [tilespmem:s16+$0x3A90];
	_ =	sdelay $0x1  }
0xc8: {  	v3 =	vmax.f32 v3, v2  }
0xc9: {  	v2 =	vadd.f32 v4, v2;
	[tilespmem:s16+$0x3A80] =	vst v3;
	_ =	sdelay $0x1  }
0xca: {  	[tilespmem:s16+$0x2980] =	vst v2  }
0xcb: {  	v2 =	vld [tilespmem:s14+$0xF0];
	s14 =	smov.u32 s13;
	_ =	sdelay $0x4  }
0xcc: {  	v3 =	vadd.f32 v5, v2;
	v2 =	vmax.f32 v6, v2  }
0xcd: {  	[tilespmem:s16+$0x3A90] =	vst v2  }
0xce: {  	s17 =	sshra.s32 s17, $0x2;
	[tilespmem:s16+$0x2990] =	vst v3  }
0xcf: {  	v2 =	vld [tilespmem:s17+$0x2800];
	_ =	sdelay $0x4  }
0xd0: {  	v2 =	vshll.u32 v2, $0x5  }
0xd1: {  	(v2sf) =	vpush v2, $0x0;
	_ =	sdelay $0xe  }
0xd2: {  	v3 =	vld [tilespmem:s13+$0xFFFFFF00];
	s16 =	spop (v2sf)  }
0xd3: {  	v4 =	vld [tilespmem:s16+$0x2980]  }
0xd4: {  	v5 =	vld [tilespmem:s16+$0x3A80]  }
0xd5: {  	(v2sf) =	vpush v2, $0x1;
	_ =	sdelay $0x2  }
0xd6: {  	v4 =	vadd.f32 v4, v3  }
0xd7: {  	v3 =	vmax.f32 v5, v3  }
0xd8: {  	[tilespmem:s16+$0x2980] =	vst v4;
	v4 =	vld [tilespmem:s16+$0x3A90]  }
0xd9: {  	[tilespmem:s16+$0x3A80] =	vst v3;
	v3 =	vld [tilespmem:s16+$0x2990]  }
0xda: {  	v5 =	vld [tilespmem:s13+$0xFFFFFF10];
	_ =	sdelay $0x4  }
0xdb: {  	v3 =	vadd.f32 v3, v5;
	v4 =	vmax.f32 v4, v5  }
0xdc: {  	[tilespmem:s16+$0x3A90] =	vst v4  }
0xdd: {  	[tilespmem:s16+$0x2990] =	vst v3  }
0xde: {  	v3 =	vld [tilespmem:s13+$0xFFFFFF20];
	s16 =	spop (v2sf)  }
0xdf: {  	v4 =	vld [tilespmem:s16+$0x2980]  }
0xe0: {  	v5 =	vld [tilespmem:s16+$0x3A80]  }
0xe1: {  	(v2sf) =	vpush v2, $0x2;
	_ =	sdelay $0x2  }
0xe2: {  	v4 =	vadd.f32 v4, v3  }
0xe3: {  	v3 =	vmax.f32 v5, v3  }
0xe4: {  	[tilespmem:s16+$0x2980] =	vst v4;
	v4 =	vld [tilespmem:s16+$0x3A90]  }
0xe5: {  	[tilespmem:s16+$0x3A80] =	vst v3;
	v3 =	vld [tilespmem:s16+$0x2990]  }
0xe6: {  	v5 =	vld [tilespmem:s13+$0xFFFFFF30];
	_ =	sdelay $0x4  }
0xe7: {  	v3 =	vadd.f32 v3, v5;
	v4 =	vmax.f32 v4, v5  }
0xe8: {  	[tilespmem:s16+$0x3A90] =	vst v4  }
0xe9: {  	[tilespmem:s16+$0x2990] =	vst v3  }
0xea: {  	v3 =	vld [tilespmem:s13+$0xFFFFFF40];
	s16 =	spop (v2sf)  }
0xeb: {  	v4 =	vld [tilespmem:s16+$0x2980]  }
0xec: {  	v5 =	vld [tilespmem:s16+$0x3A80]  }
0xed: {  	(v2sf) =	vpush v2, $0x3;
	_ =	sdelay $0x2  }
0xee: {  	v4 =	vadd.f32 v4, v3  }
0xef: {  	v3 =	vmax.f32 v5, v3  }
0xf0: {  	[tilespmem:s16+$0x2980] =	vst v4;
	v4 =	vld [tilespmem:s16+$0x3A90]  }
0xf1: {  	[tilespmem:s16+$0x3A80] =	vst v3;
	v3 =	vld [tilespmem:s16+$0x2990]  }
0xf2: {  	v5 =	vld [tilespmem:s13+$0xFFFFFF50];
	_ =	sdelay $0x4  }
0xf3: {  	v3 =	vadd.f32 v3, v5;
	v4 =	vmax.f32 v4, v5  }
0xf4: {  	[tilespmem:s16+$0x3A90] =	vst v4  }
0xf5: {  	[tilespmem:s16+$0x2990] =	vst v3  }
0xf6: {  	v3 =	vld [tilespmem:s13+$0xFFFFFF60];
	s16 =	spop (v2sf)  }
0xf7: {  	v4 =	vld [tilespmem:s16+$0x2980]  }
0xf8: {  	v5 =	vld [tilespmem:s16+$0x3A80];
	(v2sf) =	vpush v2, $0x4;
	_ =	sdelay $0x3  }
0xf9: {  	v4 =	vadd.f32 v4, v3  }
0xfa: {  	v3 =	vmax.f32 v5, v3  }
0xfb: {  	[tilespmem:s16+$0x2980] =	vst v4;
	v4 =	vld [tilespmem:s16+$0x3A90]  }
0xfc: {  	[tilespmem:s16+$0x3A80] =	vst v3;
	v3 =	vld [tilespmem:s16+$0x2990]  }
0xfd: {  	v5 =	vld [tilespmem:s13+$0xFFFFFF70];
	_ =	sdelay $0x4  }
0xfe: {  	v3 =	vadd.f32 v3, v5;
	v4 =	vmax.f32 v4, v5  }
0xff: {  	[tilespmem:s16+$0x3A90] =	vst v4  }
0x100: {  	[tilespmem:s16+$0x2990] =	vst v3;
	s16 =	spop (v2sf)  }
0x101: {  	v3 =	vld [tilespmem:s16+$0x2980]  }
0x102: {  	v4 =	vld [tilespmem:s13+$0xFFFFFF80]  }
0x103: {  	v5 =	vld [tilespmem:s16+$0x3A80]  }
0x104: {  	(v2sf) =	vpush v2, $0x5;
	_ =	sdelay $0x2  }
0x105: {  	v3 =	vadd.f32 v3, v4  }
0x106: {  	v4 =	vmax.f32 v5, v4  }
0x107: {  	[tilespmem:s16+$0x2980] =	vst v3;
	v3 =	vld [tilespmem:s16+$0x3A90]  }
0x108: {  	[tilespmem:s16+$0x3A80] =	vst v4;
	v4 =	vld [tilespmem:s16+$0x2990]  }
0x109: {  	v5 =	vld [tilespmem:s13+$0xFFFFFF90];
	_ =	sdelay $0x4  }
0x10a: {  	v4 =	vadd.f32 v4, v5;
	v3 =	vmax.f32 v3, v5  }
0x10b: {  	[tilespmem:s16+$0x3A90] =	vst v3  }
0x10c: {  	[tilespmem:s16+$0x2990] =	vst v4  }
0x10d: {  	v3 =	vld [tilespmem:s13+$0xFFFFFFA0];
	s16 =	spop (v2sf)  }
0x10e: {  	v4 =	vld [tilespmem:s16+$0x2980]  }
0x10f: {  	v5 =	vld [tilespmem:s16+$0x3A80]  }
0x110: {  	(v2sf) =	vpush v2, $0x6;
	_ =	sdelay $0x2  }
0x111: {  	v4 =	vadd.f32 v4, v3  }
0x112: {  	v3 =	vmax.f32 v5, v3  }
0x113: {  	[tilespmem:s16+$0x2980] =	vst v4;
	v4 =	vld [tilespmem:s16+$0x3A90]  }
0x114: {  	[tilespmem:s16+$0x3A80] =	vst v3;
	v3 =	vld [tilespmem:s16+$0x2990]  }
0x115: {  	v5 =	vld [tilespmem:s13+$0xFFFFFFB0];
	_ =	sdelay $0x4  }
0x116: {  	v3 =	vadd.f32 v3, v5;
	v4 =	vmax.f32 v4, v5  }
0x117: {  	[tilespmem:s16+$0x3A90] =	vst v4  }
0x118: {  	[tilespmem:s16+$0x2990] =	vst v3  }
0x119: {  	v3 =	vld [tilespmem:s13+$0xFFFFFFC0];
	s16 =	spop (v2sf)  }
0x11a: {  	v4 =	vld [tilespmem:s16+$0x2980]  }
0x11b: {  	v5 =	vld [tilespmem:s16+$0x3A80];
	(v2sf) =	vpush v2, $0x7;
	_ =	sdelay $0x3  }
0x11c: {  	v4 =	vadd.f32 v4, v3  }
0x11d: {  	v3 =	vmax.f32 v5, v3  }
0x11e: {  	[tilespmem:s16+$0x2980] =	vst v4;
	v4 =	vld [tilespmem:s16+$0x3A90]  }
0x11f: {  	[tilespmem:s16+$0x3A80] =	vst v3;
	v3 =	vld [tilespmem:s16+$0x2990]  }
0x120: {  	v5 =	vld [tilespmem:s13+$0xFFFFFFD0];
	_ =	sdelay $0x4  }
0x121: {  	v3 =	vadd.f32 v3, v5;
	v4 =	vmax.f32 v4, v5  }
0x122: {  	[tilespmem:s16+$0x3A90] =	vst v4  }
0x123: {  	[tilespmem:s16+$0x2990] =	vst v3;
	s16 =	spop (v2sf)  }
0x124: {  	v3 =	vld [tilespmem:s16+$0x2980]  }
0x125: {  	v4 =	vld [tilespmem:s13+$0xFFFFFFE0]  }
0x126: {  	v5 =	vld [tilespmem:s16+$0x3A80];
	(v2sf) =	vpush v2, $0x8;
	_ =	sdelay $0x3  }
0x127: {  	v3 =	vadd.f32 v3, v4  }
0x128: {  	v4 =	vmax.f32 v5, v4  }
0x129: {  	[tilespmem:s16+$0x2980] =	vst v3;
	v3 =	vld [tilespmem:s16+$0x3A90]  }
0x12a: {  	[tilespmem:s16+$0x3A80] =	vst v4;
	v4 =	vld [tilespmem:s16+$0x2990]  }
0x12b: {  	v5 =	vld [tilespmem:s13+$0xFFFFFFF0];
	_ =	sdelay $0x4  }
0x12c: {  	v4 =	vadd.f32 v4, v5;
	v3 =	vmax.f32 v3, v5  }
0x12d: {  	[tilespmem:s16+$0x3A90] =	vst v3  }
0x12e: {  	[tilespmem:s16+$0x2990] =	vst v4;
	s16 =	spop (v2sf)  }
0x12f: {  	v3 =	vld [tilespmem:s16+$0x2980]  }
0x130: {  	v4 =	vld [tilespmem:s13+$0x0]  }
0x131: {  	v5 =	vld [tilespmem:s16+$0x3A80]  }
0x132: {  	v6 =	vld [tilespmem:s16+$0x2990];
	(v2sf) =	vpush v2, $0x9  }
0x133: {  	v7 =	vld [tilespmem:s16+$0x3A90];
	_ =	sdelay $0x1  }
0x134: {  	v3 =	vadd.f32 v3, v4  }
0x135: {  	v4 =	vmax.f32 v5, v4  }
0x136: {  	[tilespmem:s16+$0x2980] =	vst v3  }
0x137: {  	[tilespmem:s16+$0x3A80] =	vst v4  }
0x138: {  	v3 =	vld [tilespmem:s13+$0x10];
	_ =	sdelay $0x4  }
0x139: {  	v4 =	vadd.f32 v6, v3;
	v3 =	vmax.f32 v7, v3  }
0x13a: {  	[tilespmem:s16+$0x3A90] =	vst v3  }
0x13b: {  	[tilespmem:s16+$0x2990] =	vst v4  }
0x13c: {  	v3 =	vld [tilespmem:s13+$0x20];
	s16 =	spop (v2sf)  }
0x13d: {  	v4 =	vld [tilespmem:s16+$0x2980]  }
0x13e: {  	v5 =	vld [tilespmem:s16+$0x3A80]  }
0x13f: {  	v6 =	vld [tilespmem:s16+$0x2990];
	(v2sf) =	vpush v2, $0xA  }
0x140: {  	v7 =	vld [tilespmem:s16+$0x3A90];
	_ =	sdelay $0x1  }
0x141: {  	v4 =	vadd.f32 v4, v3  }
0x142: {  	v3 =	vmax.f32 v5, v3  }
0x143: {  	[tilespmem:s16+$0x2980] =	vst v4  }
0x144: {  	[tilespmem:s16+$0x3A80] =	vst v3  }
0x145: {  	v3 =	vld [tilespmem:s13+$0x30];
	_ =	sdelay $0x4  }
0x146: {  	v4 =	vadd.f32 v6, v3;
	v3 =	vmax.f32 v7, v3  }
0x147: {  	[tilespmem:s16+$0x3A90] =	vst v3  }
0x148: {  	[tilespmem:s16+$0x2990] =	vst v4  }
0x149: {  	v3 =	vld [tilespmem:s13+$0x40];
	s16 =	spop (v2sf)  }
0x14a: {  	v4 =	vld [tilespmem:s16+$0x2980]  }
0x14b: {  	v5 =	vld [tilespmem:s16+$0x3A80]  }
0x14c: {  	v6 =	vld [tilespmem:s16+$0x2990];
	(v2sf) =	vpush v2, $0xB  }
0x14d: {  	v7 =	vld [tilespmem:s16+$0x3A90];
	_ =	sdelay $0x1  }
0x14e: {  	v4 =	vadd.f32 v4, v3  }
0x14f: {  	v3 =	vmax.f32 v5, v3  }
0x150: {  	[tilespmem:s16+$0x2980] =	vst v4  }
0x151: {  	[tilespmem:s16+$0x3A80] =	vst v3  }
0x152: {  	v3 =	vld [tilespmem:s13+$0x50];
	_ =	sdelay $0x4  }
0x153: {  	v4 =	vadd.f32 v6, v3;
	v3 =	vmax.f32 v7, v3  }
0x154: {  	[tilespmem:s16+$0x3A90] =	vst v3  }
0x155: {  	[tilespmem:s16+$0x2990] =	vst v4  }
0x156: {  	v3 =	vld [tilespmem:s13+$0x60];
	s16 =	spop (v2sf)  }
0x157: {  	v4 =	vld [tilespmem:s16+$0x2980]  }
0x158: {  	v5 =	vld [tilespmem:s16+$0x3A80]  }
0x159: {  	v6 =	vld [tilespmem:s16+$0x2990];
	(v2sf) =	vpush v2, $0xC  }
0x15a: {  	v7 =	vld [tilespmem:s16+$0x3A90];
	_ =	sdelay $0x1  }
0x15b: {  	v4 =	vadd.f32 v4, v3  }
0x15c: {  	v3 =	vmax.f32 v5, v3  }
0x15d: {  	[tilespmem:s16+$0x2980] =	vst v4  }
0x15e: {  	[tilespmem:s16+$0x3A80] =	vst v3  }
0x15f: {  	v3 =	vld [tilespmem:s13+$0x70];
	_ =	sdelay $0x4  }
0x160: {  	v4 =	vadd.f32 v6, v3;
	v3 =	vmax.f32 v7, v3  }
0x161: {  	[tilespmem:s16+$0x3A90] =	vst v3  }
0x162: {  	[tilespmem:s16+$0x2990] =	vst v4  }
0x163: {  	v3 =	vld [tilespmem:s13+$0x80];
	s16 =	spop (v2sf)  }
0x164: {  	v4 =	vld [tilespmem:s16+$0x2980]  }
0x165: {  	v5 =	vld [tilespmem:s16+$0x3A80];
	(v2sf) =	vpush v2, $0xD  }
0x166: {  	v6 =	vld [tilespmem:s16+$0x2990]  }
0x167: {  	v7 =	vld [tilespmem:s16+$0x3A90];
	_ =	sdelay $0x1  }
0x168: {  	v4 =	vadd.f32 v4, v3  }
0x169: {  	v3 =	vmax.f32 v5, v3  }
0x16a: {  	[tilespmem:s16+$0x2980] =	vst v4  }
0x16b: {  	[tilespmem:s16+$0x3A80] =	vst v3  }
0x16c: {  	v3 =	vld [tilespmem:s13+$0x90];
	_ =	sdelay $0x4  }
0x16d: {  	v4 =	vadd.f32 v6, v3;
	v3 =	vmax.f32 v7, v3  }
0x16e: {  	[tilespmem:s16+$0x3A90] =	vst v3  }
0x16f: {  	[tilespmem:s16+$0x2990] =	vst v4;
	s16 =	spop (v2sf)  }
0x170: {  	v3 =	vld [tilespmem:s16+$0x2980]  }
0x171: {  	v4 =	vld [tilespmem:s13+$0xA0]  }
0x172: {  	v5 =	vld [tilespmem:s16+$0x3A80]  }
0x173: {  	v6 =	vld [tilespmem:s16+$0x2990];
	(v2sf) =	vpush v2, $0xE  }
0x174: {  	v7 =	vld [tilespmem:s16+$0x3A90];
	_ =	sdelay $0x1  }
0x175: {  	v3 =	vadd.f32 v3, v4  }
0x176: {  	v4 =	vmax.f32 v5, v4  }
0x177: {  	[tilespmem:s16+$0x2980] =	vst v3  }
0x178: {  	[tilespmem:s16+$0x3A80] =	vst v4  }
0x179: {  	v3 =	vld [tilespmem:s13+$0xB0];
	_ =	sdelay $0x4  }
0x17a: {  	v4 =	vadd.f32 v6, v3;
	v3 =	vmax.f32 v7, v3  }
0x17b: {  	[tilespmem:s16+$0x3A90] =	vst v3  }
.Ltmp1:
0x17c: {  	[tilespmem:s16+$0x2990] =	vst v4;
	(pc) =	sbr.rel @p0 .LBB2_4-.Ltmp1, $4  }
0x17d: {  	v4 =	vld [tilespmem:s13+$0xC0];
	s16 =	spop (v2sf)  }
0x17e: {  	v6 =	vld [tilespmem:s16+$0x2980]  }
0x17f: {  	v5 =	vld [tilespmem:s16+$0x3A80]  }
0x180: {  	v3 =	vld [tilespmem:s16+$0x2990];
	(v2sf) =	vpush v2, $0xF  }
0x181: {  	_ =	sdelay $0x1  }
0x182: {  	v2 =	vadd.f32 v6, v4;
	_ =	sdelay $0x1  }
0x183: {  	v62 =	vmax.f32 v5, v4;
	[tilespmem:s16+$0x2980] =	vst v2  }
0x184: {  	v61 =	vld [tilespmem:s16+$0x3A90];
	[tilespmem:s16+$0x3A80] =	vst v62  }
0x185: {  	v2 =	vld [tilespmem:s14+$0xD0];
	_ =	sdelay $0x4  }
0x186: {  	v3 =	vadd.f32 v3, v2;
	v2 =	vmax.f32 v61, v2  }
0x187: {  	[tilespmem:s16+$0x3A90] =	vst v2  }
0x188: {  	[tilespmem:s16+$0x2990] =	vst v3  }
0x189: {  	v2 =	vld [tilespmem:s14+$0xE0];
	s13 =	spop (v2sf)  }
0x18a: {  	v3 =	vld [tilespmem:s13+$0x3A80]  }
0x18b: {  	v4 =	vld [tilespmem:s13+$0x2980];
	_ =	sdelay $0x4  }
0x18c: {  	v3 =	vmax.f32 v3, v2;
	v2 =	vadd.f32 v4, v2  }
0x18d: {  	v63 =	vld [tilespmem:s13+$0x2990];
	[tilespmem:s13+$0x3A80] =	vst v3  }
0x18e: {  	v3 =	vld [tilespmem:s13+$0x3A90];
	[tilespmem:s13+$0x2980] =	vst v2  }
0x18f: {  	v2 =	vld [tilespmem:s14+$0xF0];
	_ =	sdelay $0x4  }
0x190: {  	v4 =	vadd.f32 v63, v2;
	v2 =	vmax.f32 v3, v2  }
0x191: {  	[tilespmem:s13+$0x3A90] =	vst v2  }
0x192: {  	[tilespmem:s13+$0x2990] =	vst v4  }
0x193: {  	[hbm4b:s5+s2] =	stream.linear.scatter [tilespmem:s10], [sflag:$0x1], $0x1000, $0x38;
	[tilespmem:$0x4B80] =	vst v63  }
0x194: {  	s12 =	sadd.s32 $0x1, s12;
	_ =	swait.ge [sflag:s8], $0x1000  }
0x195: {  	p0 =	sne.s32 s12, s7;
	[sflag:s8] =	ssyncset.done $0x0  }
.Ltmp2:
0x196: {  	[sflag:s8] =	ssyncadd.s32 $0xFFFFF000;
	(pc) =	sbr.rel @p0 .LBB2_1-.Ltmp2, $4  }
0x197: {  	[hbm4b:s6+s2] =	stream.linear.scatter [tilespmem:s11], [sflag:$0x1], $0x1000, $0x38;
	[tilespmem:$0x4B80] =	vst v63  }
0x198: {  	_ =	swait.ge [sflag:s8], $0x1000  }
0x199: {  	[sflag:s8] =	ssyncset.done $0x0  }
0x19a: {  	[sflag:s8] =	ssyncadd.s32 $0xFFFFF000  }
0x19b: {  	_ =	sfence.sel $0x180000  }
0x19c: {  	[bflag:$0x0] =	sbarrier.arrive $0xFFFF  }
0x19d: {  	p0 =	sne.s32 s0, $0x0;
	_ =	strace $0x90000056  }
0x19e: {  	s0 =	sadd.s32 @!p0 $0x100000, s1;
	[bflag:$0x2] =	sbarrier.arrive $0xFFFF  }
0x19f: {  	[sflag:s0] =	ssyncadd.tile.s32 @!p0 $0x1;
	_ =	shalt  }
.Lfunc_end2:
_tile_overlayer_lowered:
.L_overlay_start_2:
0x1a0: {  	(tag) =	ssettag $0x2  }
0x1a1: {  	s0 =	rddreg [dreg:$0x0];
	s2 =	stileid.u32  }
0x1a2: {  	s1 =	rddreg [dreg:$0x1];
	p0 =	sne.s32 s2, $0x0  }
0x1a3: {  	s3 =	rddreg [dreg:$0x2];
	[bflag:$0x3] =	sbarrier.arrive $0xFFFF;
	s2 =	simm.s32 @!p0 $0x1C01  }
0x1a4: {  	[timem:s3], [sflag:s2] =	dma.local @!p0 [hbm:s0], s1  }
0x1a5: {  	s0 =	simm.s32 @!p0 $0x1  }
0x1a6: {  	_ =	swait.ge @!p0 [sflag:s0], s1  }
0x1a7: {  	s1 =	ssub.s32 @!p0 $0x0, s1;
	[sflag:s0] =	ssyncset.done @!p0 $0x0  }
0x1a8: {  	[sflag:s0] =	ssyncadd.s32 @!p0 s1  }
0x1a9: {  	[bflag:$0x3] =	sbarrier.arrive $0xFFFF  }
0x1aa: {  	_ =	shalt  }

</sc_bundles>
